<compile_context>
chip_gen: v7x
topology: tpu7x:2x2x1
jax: 0.10.2.dev20260603
libtpu: 0.0.44.dev20260713+nightly
codegen_flags: <defaults>
</compile_context>

<pallas_src>
import functools

import jax
import jax.numpy as jnp
from jax import lax
from jax.experimental import pallas as pl
from jax.experimental.pallas import tpu as pltpu
from jax.experimental.pallas import tpu_sc as plsc

_N = 10000
_NP = 10240
_HALF = _NP // 2
_E = 320000
_EP = 327680
_PAD = _EP - _E
_CH = 160
_NBUF = 4
_PH = 2
_CHP = _CH // _PH
_STRIPE = _HALF // 16
_B = 2048
_IGN = -1


def _mesh():
    return plsc.VectorSubcoreMesh(core_axis_name="c", subcore_axis_name="s")



def _sc_hist(dst_h):

    @functools.partial(
        pl.kernel,
        out_type=jax.ShapeDtypeStruct((_NP,), jnp.float32),
        mesh=_mesh(),
        scratch_types=[
            pltpu.VMEM((_CH, 128), jnp.int32),
            pltpu.VMEM((128,), jnp.float32),
            pltpu.VMEM((_STRIPE,), jnp.float32),
            pltpu.VMEM_SHARED((_HALF,), jnp.float32),
            pltpu.SemaphoreType.DMA,
        ],
    )
    def k(dst_ref, out_ref, didx, ones, zbuf, hist, sem):
        c = lax.axis_index("c")
        s = lax.axis_index("s")
        w = c * 16 + s
        ov = jnp.ones((16,), jnp.float32)
        zv = jnp.zeros((16,), jnp.float32)

        def fill(i, _):
            ones[pl.ds(i * 16, 16)] = ov
            return 0

        lax.fori_loop(0, 8, fill, 0)

        def zrow(i, _):
            zbuf[pl.ds(i * 16, 16)] = zv
            return 0

        lax.fori_loop(0, _STRIPE // 16, zrow, 0)
        pltpu.sync_copy(zbuf, hist.at[pl.ds(s * _STRIPE, _STRIPE)])
        pltpu.sync_copy(dst_ref.at[w], didx)
        plsc.subcore_barrier()

        def body(t, _):
            descs = []
            for b in range(16):
                descs.append(
                    pltpu.async_copy(
                        ones,
                        hist.at[
                            plsc.Indices(
                                didx.at[t * 16 + b], ignored_value=_IGN
                            )
                        ],
                        sem,
                        add=True,
                    )
                )
            for d in descs:
                d.wait()
            return 0

        lax.fori_loop(0, _CH // 16, body, 0)
        plsc.subcore_barrier()
        pltpu.sync_copy(hist.at[pl.ds(s * _STRIPE, _STRIPE)], zbuf)
        pltpu.sync_copy(
            zbuf, out_ref.at[pl.ds(c * _HALF + s * _STRIPE, _STRIPE)]
        )

    return k(dst_h)


def _hist_to_col(hist):
    return hist.reshape(_NP, 1)


def _sc_agg(table, src_h, dst_h):

    @functools.partial(
        pl.kernel,
        out_type=jax.ShapeDtypeStruct((_NP, 128), jnp.float32),
        mesh=_mesh(),
        scratch_types=[
            pltpu.VMEM((_CHP, 128), jnp.int32),
            pltpu.VMEM((_CHP, 128), jnp.int32),
            pltpu.VMEM((_NBUF, 128, 128), jnp.float32),
            pltpu.VMEM((20, 128), jnp.float32),
            pltpu.VMEM_SHARED((_HALF, 128), jnp.float32),
            pltpu.SemaphoreType.DMA,
            pltpu.SemaphoreType.DMA,
        ],
    )
    def k(table_ref, src_ref, dst_ref, out_ref, sidx, didx, bufs, zbuf,
          accum, gsem, ssem):
        c = lax.axis_index("c")
        s = lax.axis_index("s")
        w = c * 16 + s
        zv = jnp.zeros((16,), jnp.float32)

        def zrow(i, _):
            for q in range(8):
                zbuf[i, pl.ds(q * 16, 16)] = zv
            return 0

        lax.fori_loop(0, 20, zrow, 0)

        def zcp(t, _):
            pltpu.sync_copy(zbuf, accum.at[pl.ds(s * _STRIPE + t * 20, 20)])
            return 0

        lax.fori_loop(0, _STRIPE // 20, zcp, 0)
        plsc.subcore_barrier()

        def fire_gather(chunk, b):
            return pltpu.async_copy(
                table_ref.at[
                    plsc.Indices(sidx.at[chunk], ignored_value=_IGN)
                ],
                bufs.at[b],
                gsem,
            )

        def fire_scatter(chunk, b):
            return pltpu.async_copy(
                bufs.at[b],
                accum.at[
                    plsc.Indices(didx.at[chunk], ignored_value=_IGN)
                ],
                ssem,
                add=True,
            )

        def wait_gather(b):
            pltpu.make_async_copy(
                table_ref.at[
                    plsc.Indices(sidx.at[0], ignored_value=_IGN)
                ],
                bufs.at[b],
                gsem,
            ).wait()

        def wait_scatter(b):
            pltpu.make_async_copy(
                bufs.at[b],
                accum.at[
                    plsc.Indices(didx.at[0], ignored_value=_IGN)
                ],
                ssem,
            ).wait()

        def run_phase(p, _):
            pltpu.sync_copy(src_ref.at[w, p], sidx)
            pltpu.sync_copy(dst_ref.at[w, p], didx)
            for b in range(_NBUF):
                fire_gather(b, b)
            for b in range(_NBUF):
                wait_gather(b)
                fire_scatter(b, b)

            def body(t, _):
                base = t * _NBUF
                for b in range(_NBUF):
                    wait_scatter(b)
                    fire_gather(base + b, b)
                for b in range(_NBUF):
                    wait_gather(b)
                    fire_scatter(base + b, b)
                return 0

            lax.fori_loop(1, _CHP // _NBUF, body, 0)
            for b in range(_NBUF):
                wait_scatter(b)
            return 0

        lax.fori_loop(0, _PH, run_phase, 0)
        plsc.subcore_barrier()
        pltpu.sync_copy(
            accum.at[pl.ds(s * _STRIPE, _STRIPE)],
            out_ref.at[pl.ds(c * _HALF + s * _STRIPE, _STRIPE)],
        )

    return k(table, src_h, dst_h)



def _tc1a(x_pad, W1):
    def body(x_ref, w_ref, m_ref):
        m_ref[...] = jnp.dot(x_ref[...], w_ref[...],
                             preferred_element_type=jnp.float32)

    return pl.pallas_call(
        body,
        grid=(_NP // _B,),
        in_specs=[
            pl.BlockSpec((_B, 128), lambda i: (i, 0)),
            pl.BlockSpec((128, 128), lambda i: (0, 0)),
        ],
        out_specs=pl.BlockSpec((_B, 128), lambda i: (i, 0)),
        out_shape=jax.ShapeDtypeStruct((_NP, 128), jnp.float32),
    )(x_pad, W1)


def _tc1b(m, hist):
    def body(m_ref, h_ref, hp_ref, dis_ref):
        deg = 1.0 + h_ref[...]
        dis = lax.rsqrt(deg)
        hp_ref[...] = m_ref[...] * dis
        dis_ref[...] = dis

    return pl.pallas_call(
        body,
        grid=(_NP // _B,),
        in_specs=[
            pl.BlockSpec((_B, 128), lambda i: (i, 0)),
            pl.BlockSpec((_B, 1), lambda i: (i, 0)),
        ],
        out_specs=[
            pl.BlockSpec((_B, 128), lambda i: (i, 0)),
            pl.BlockSpec((_B, 1), lambda i: (i, 0)),
        ],
        out_shape=[
            jax.ShapeDtypeStruct((_NP, 128), jnp.float32),
            jax.ShapeDtypeStruct((_NP, 1), jnp.float32),
        ],
    )(m, hist)


def _tc2(a, hp, dis, W2, b1):
    def body(a_ref, h_ref, dis_ref, w_ref, b_ref, g_ref):
        t = a_ref[...] + h_ref[...]
        dis = dis_ref[...]
        z = t * dis + b_ref[...]
        h2 = jnp.maximum(z, 0.0)
        g_ref[...] = jnp.dot(h2, w_ref[...],
                             preferred_element_type=jnp.float32) * dis

    return pl.pallas_call(
        body,
        grid=(_NP // _B,),
        in_specs=[
            pl.BlockSpec((_B, 128), lambda i: (i, 0)),
            pl.BlockSpec((_B, 128), lambda i: (i, 0)),
            pl.BlockSpec((_B, 1), lambda i: (i, 0)),
            pl.BlockSpec((128, 128), lambda i: (0, 0)),
            pl.BlockSpec((1, 128), lambda i: (0, 0)),
        ],
        out_specs=pl.BlockSpec((_B, 128), lambda i: (i, 0)),
        out_shape=jax.ShapeDtypeStruct((_NP, 128), jnp.float32),
    )(a, hp, dis, W2, b1)


def _tc3(cacc, g, dis, b2):
    def body(c_ref, g_ref, dis_ref, b_ref, o_ref):
        t = c_ref[...] + g_ref[...]
        o_ref[...] = t * dis_ref[...] + b_ref[...]

    bo = 1000
    return pl.pallas_call(
        body,
        grid=(_N // bo,),
        in_specs=[
            pl.BlockSpec((bo, 128), lambda i: (i, 0)),
            pl.BlockSpec((bo, 128), lambda i: (i, 0)),
            pl.BlockSpec((bo, 1), lambda i: (i, 0)),
            pl.BlockSpec((1, 128), lambda i: (0, 0)),
        ],
        out_specs=pl.BlockSpec((bo, 128), lambda i: (i, 0)),
        out_shape=jax.ShapeDtypeStruct((_N, 128), jnp.float32),
    )(cacc, g, dis, b2)



def kernel(x, edge_index, W1, b1, W2, b2):
    src = edge_index[0]
    dst = edge_index[1]
    src_p = jnp.concatenate([src, jnp.zeros((_PAD,), jnp.int32)])
    dst_p = jnp.concatenate([dst, jnp.full((_PAD,), _IGN, jnp.int32)])
    ign = jnp.int32(_IGN)
    in0 = (dst_p >= 0) & (dst_p < _HALF)
    in1 = dst_p >= _HALF
    src0 = jnp.where(in0, src_p, ign).reshape(16, _CH, 128)
    dst0 = jnp.where(in0, dst_p, ign).reshape(16, _CH, 128)
    src1 = jnp.where(in1, src_p, ign).reshape(16, _CH, 128)
    dst1 = jnp.where(in1, dst_p - _HALF, ign).reshape(16, _CH, 128)
    src_h = jnp.concatenate([src0[None], src1[None]]).reshape(32, _CH, 128)
    dst_h = jnp.concatenate([dst0[None], dst1[None]]).reshape(32, _CH, 128)
    src_h4 = src_h.reshape(32, _PH, _CHP, 128)
    dst_h4 = dst_h.reshape(32, _PH, _CHP, 128)
    x_pad = jnp.pad(x, ((0, _NP - _N), (0, 0)))

    m1 = _tc1a(x_pad, W1)
    hist = _hist_to_col(_sc_hist(dst_h))
    hp, dis = _tc1b(m1, hist)
    a = _sc_agg(hp, src_h4, dst_h4)
    g = _tc2(a, hp, dis, W2, b1.reshape(1, 128))
    cacc = _sc_agg(g, src_h4, dst_h4)
    return _tc3(cacc, g, dis, b2.reshape(1, 128))

# --- scband reference (transcript-rebuilt; emitter-appended) ---
"""Pipeline reference for scband-simple-gcn-62886911148524 (READ-ONLY COPY).

The authoritative reference and input builder live on the scoring server;
editing this copy changes nothing except your own understanding.
"""

import jax, jax.numpy as jnp
import numpy as np

N = 10000
E = 320000
D = 128


def setup_inputs(seed: int = 0) -> dict:
    key = jax.random.key(seed)
    k1, k2, k3, k4 = jax.random.split(key, 4)
    x = jax.random.normal(k1, (N, D), dtype=jnp.float32)
    edge_index = jax.random.randint(k2, (2, E), 0, N, dtype=jnp.int32)
    W1 = jax.random.normal(k3, (D, D), dtype=jnp.float32) * 0.05
    b1 = jnp.zeros((D,), dtype=jnp.float32)
    W2 = jax.random.normal(k4, (D, D), dtype=jnp.float32) * 0.05
    b2 = jnp.zeros((D,), dtype=jnp.float32)
    return {"x": x, "edge_index": edge_index, "W1": W1, "b1": b1, "W2": W2, "b2": b2}


def gcn_conv(x, edge_index, W, b):
    # Faithful PyG GCNConv: add self-loops, symmetric normalization, linear, aggregate, bias.
    n = x.shape[0]
    src = edge_index[0]
    dst = edge_index[1]
    loop = jnp.arange(n, dtype=src.dtype)
    src = jnp.concatenate([src, loop])
    dst = jnpp_concat(dst, loop) if False else jnp.concatenate([dst, loop])
    deg = jnp.zeros((n,), dtype=x.dtype).at[dst].add(1.0)
    deg_inv_sqrt = jnp.where(deg > 0, jax.lax.rsqrt(jnp.maximum(deg, 1e-12)), 0.0)
    norm = deg_inv_sqrt[src] * deg_inv_sqrt[dst]
    h = x @ W  # linear transform
    msg = h[src] * norm[:, None]  # gather + scale
    out = jnp.zeros((n, W.shape[1]), dtype=x.dtype).at[dst].add(msg)  # scatter-add
    return out + b


def reference(x, edge_index, W1, b1, W2, b2):
    h = gcn_conv(x, edge_index, W1, b1)
    h = jax.nn.relu(h)
    out = gcn_conv(h, edge_index, W2, b2)
    return out

if __name__ == "__main__":
    import jax
    _d = setup_inputs()
    print(jax.jit(kernel)(*tuple(_d.values())))

</pallas_src>

<mosaic_0001>
#map = affine_map<(d0, d1) -> (0, 0, 0)>
#map1 = affine_map<(d0, d1) -> (0)>
module attributes {stable_mosaic.version = 14 : i64} {
  func.func @k(%arg0: i32, %arg1: i32, %arg2: memref<32x160x128xi32, #tpu.memory_space<hbm>>, %arg3: memref<10240xf32, #tpu.memory_space<hbm>>, %arg4: memref<160x128xi32, #tpu.memory_space<vmem>>, %arg5: memref<128xf32, #tpu.memory_space<vmem>>, %arg6: memref<320xf32, #tpu.memory_space<vmem>>, %arg7: memref<5120xf32, #tpu.memory_space<vmem_shared>>, %arg8: memref<!tpu.dma_semaphore, #tpu.memory_space<semaphore_mem>>) attributes {dimension_semantics = [#tpu.dimension_semantics<core_parallel>, #tpu.dimension_semantics<subcore_parallel>], iteration_bounds = array<i64: 2, 16>, scalar_prefetch = 0 : i64, scratch_operands = 5 : i64, tpu.core_type = #tpu.core_type<sc_vector_subcore>, window_params = [{transform_indices = #map}, {transform_indices = #map1}]} {
    %mul3A = arith.constant 16 : i32
    %mul3A_0 = arith.muli %arg0, %mul3A : i32
    %add3A = arith.addi %mul3A_0, %arg1 : i32
    %broadcast_in_dim3A = arith.constant 1.000000e+00 : f32
    %broadcast_in_dim3A_1 = vector.broadcast %broadcast_in_dim3A : f32 to vector<16xf32>
    %broadcast_in_dim3A_2 = arith.constant 0.000000e+00 : f32
    %broadcast_in_dim3A_3 = vector.broadcast %broadcast_in_dim3A_2 : f32 to vector<16xf32>
    %scan3A = arith.constant 0 : i32
    %scan3A_4 = arith.constant 0 : i32
    %scan3A_5 = arith.constant 8 : i32
    %scan3A_6 = arith.addi %scan3A_4, %scan3A_5 : i32
    %scan3A_7 = arith.constant 1 : i32
    %scan3A_8 = scf.for %scan3A_34 = %scan3A_4 to %scan3A_6 step %scan3A_7 iter_args(%scan3A_35 = %scan3A) -> (i32)  : i32 {
      %mul3A_36 = arith.constant 16 : i32
      %mul3A_37 = arith.muli %scan3A_34, %mul3A_36 : i32
      %swap3A = arith.index_cast %mul3A_37 : i32 to index
      %swap3A_38 = tpu.vector_load %arg5[%swap3A] {strides = array<i32>} : memref<128xf32, #tpu.memory_space<vmem>>, vector<16xf32>,
      %swap3A_39 = vector.shape_cast %swap3A_38 : vector<16xf32> to vector<16xf32>
      %swap3A_40 = vector.shape_cast %broadcast_in_dim3A_1 : vector<16xf32> to vector<16xf32>
      tpu.vector_store %arg5[%swap3A], %swap3A_40 {strides = array<i32>} : memref<128xf32, #tpu.memory_space<vmem>>, vector<16xf32>,
      %scan3A_41 = arith.constant 0 : i32
      scf.yield %scan3A_41 : i32
    }
    %scan3A_9 = arith.constant 8 : i32
    %scan3A_10 = arith.constant 0 : i32
    %scan3A_11 = arith.constant 0 : i32
    %scan3A_12 = arith.constant 20 : i32
    %scan3A_13 = arith.addi %scan3A_11, %scan3A_12 : i32
    %scan3A_14 = arith.constant 1 : i32
    %scan3A_15 = scf.for %scan3A_34 = %scan3A_11 to %scan3A_13 step %scan3A_14 iter_args(%scan3A_35 = %scan3A_10) -> (i32)  : i32 {
      %mul3A_36 = arith.constant 16 : i32
      %mul3A_37 = arith.muli %scan3A_34, %mul3A_36 : i32
      %swap3A = arith.index_cast %mul3A_37 : i32 to index
      %swap3A_38 = tpu.vector_load %arg6[%swap3A] {strides = array<i32>} : memref<320xf32, #tpu.memory_space<vmem>>, vector<16xf32>,
      %swap3A_39 = vector.shape_cast %swap3A_38 : vector<16xf32> to vector<16xf32>
      %swap3A_40 = vector.shape_cast %broadcast_in_dim3A_3 : vector<16xf32> to vector<16xf32>
      tpu.vector_store %arg6[%swap3A], %swap3A_40 {strides = array<i32>} : memref<320xf32, #tpu.memory_space<vmem>>, vector<16xf32>,
      %scan3A_41 = arith.constant 0 : i32
      scf.yield %scan3A_41 : i32
    }
    %scan3A_16 = arith.constant 20 : i32
    %mul3A_17 = arith.constant 320 : i32
    %mul3A_18 = arith.muli %arg1, %mul3A_17 : i32
    "tpu.region"() ({
      %run_scoped3A = tpu.sem_alloc : memref<!tpu.dma_semaphore, #tpu.memory_space<semaphore_mem>>
      %dma_start3A = tpu.memref_slice %arg7[%mul3A_18] : memref<5120xf32, #tpu.memory_space<vmem_shared>> -> memref<320xf32, #tpu.memory_space<vmem_shared>>
      %dma_start3A_34 = tpu.memref_slice %arg7[%mul3A_18] : memref<5120xf32, #tpu.memory_space<vmem_shared>> -> memref<320xf32, #tpu.memory_space<vmem_shared>>
      tpu.enqueue_dma source(%arg6 : memref<320xf32, #tpu.memory_space<vmem>>) target(%dma_start3A_34 : memref<320xf32, #tpu.memory_space<vmem_shared>>) target_semaphore(%run_scoped3A : memref<!tpu.dma_semaphore, #tpu.memory_space<semaphore_mem>>)
      %dma_wait3A = tpu.memref_slice %arg7[%mul3A_18] : memref<5120xf32, #tpu.memory_space<vmem_shared>> -> memref<320xf32, #tpu.memory_space<vmem_shared>>
      %dma_wait3A_35 = tpu.memref_slice %arg7[%mul3A_18] : memref<5120xf32, #tpu.memory_space<vmem_shared>> -> memref<320xf32, #tpu.memory_space<vmem_shared>>
      tpu.wait_dma2 semaphore(%run_scoped3A : memref<!tpu.dma_semaphore, #tpu.memory_space<semaphore_mem>>) src(%arg6 : memref<320xf32, #tpu.memory_space<vmem>>) dst(%dma_wait3A_35 : memref<320xf32, #tpu.memory_space<vmem_shared>>)
      tpu.yield
    }) : () -> ()
    "tpu.region"() ({
      %run_scoped3A = tpu.sem_alloc : memref<!tpu.dma_semaphore, #tpu.memory_space<semaphore_mem>>
      %dma_start3A = arith.constant 0 : i32
      %dma_start3A_34 = arith.constant 0 : i32
      %dma_start3A_35 = tpu.memref_slice %arg2[%add3A, %dma_start3A, %dma_start3A_34] : memref<32x160x128xi32, #tpu.memory_space<hbm>> -> memref<1x160x128xi32, #tpu.memory_space<hbm>>
      %dma_start3A_36 = tpu.memref_squeeze %dma_start3A_35 : memref<1x160x128xi32, #tpu.memory_space<hbm>> -> memref<160x128xi32, #tpu.memory_space<hbm>>
      %dma_start3A_37 = arith.constant 0 : i32
      %dma_start3A_38 = arith.constant 0 : i32
      %dma_start3A_39 = tpu.memref_slice %arg2[%add3A, %dma_start3A_37, %dma_start3A_38] : memref<32x160x128xi32, #tpu.memory_space<hbm>> -> memref<1x160x128xi32, #tpu.memory_space<hbm>>
      %dma_start3A_40 = tpu.memref_squeeze %dma_start3A_39 : memref<1x160x128xi32, #tpu.memory_space<hbm>> -> memref<160x128xi32, #tpu.memory_space<hbm>>
      tpu.enqueue_dma source(%dma_start3A_40 : memref<160x128xi32, #tpu.memory_space<hbm>>) target(%arg4 : memref<160x128xi32, #tpu.memory_space<vmem>>) target_semaphore(%run_scoped3A : memref<!tpu.dma_semaphore, #tpu.memory_space<semaphore_mem>>)
      %dma_wait3A = arith.constant 0 : i32
      %dma_wait3A_41 = arith.constant 0 : i32
      %dma_wait3A_42 = tpu.memref_slice %arg2[%add3A, %dma_wait3A, %dma_wait3A_41] : memref<32x160x128xi32, #tpu.memory_space<hbm>> -> memref<1x160x128xi32, #tpu.memory_space<hbm>>
      %dma_wait3A_43 = tpu.memref_squeeze %dma_wait3A_42 : memref<1x160x128xi32, #tpu.memory_space<hbm>> -> memref<160x128xi32, #tpu.memory_space<hbm>>
      %dma_wait3A_44 = arith.constant 0 : i32
      %dma_wait3A_45 = arith.constant 0 : i32
      %dma_wait3A_46 = tpu.memref_slice %arg2[%add3A, %dma_wait3A_44, %dma_wait3A_45] : memref<32x160x128xi32, #tpu.memory_space<hbm>> -> memref<1x160x128xi32, #tpu.memory_space<hbm>>
      %dma_wait3A_47 = tpu.memref_squeeze %dma_wait3A_46 : memref<1x160x128xi32, #tpu.memory_space<hbm>> -> memref<160x128xi32, #tpu.memory_space<hbm>>
      tpu.wait_dma2 semaphore(%run_scoped3A : memref<!tpu.dma_semaphore, #tpu.memory_space<semaphore_mem>>) src(%dma_wait3A_47 : memref<160x128xi32, #tpu.memory_space<hbm>>) dst(%arg4 : memref<160x128xi32, #tpu.memory_space<vmem>>)
      tpu.yield
    }) : () -> ()
    %barrier3A = arith.constant 0 : index
    tpu.barrier barrier_id(%barrier3A)
    %scan3A_19 = arith.constant 0 : i32
    %scan3A_20 = arith.constant 0 : i32
    %scan3A_21 = arith.constant 10 : i32
    %scan3A_22 = arith.addi %scan3A_20, %scan3A_21 : i32
    %scan3A_23 = arith.constant 1 : i32
    %scan3A_24 = scf.for %scan3A_34 = %scan3A_20 to %scan3A_22 step %scan3A_23 iter_args(%scan3A_35 = %scan3A_19) -> (i32)  : i32 {
      %mul3A_36 = arith.constant 16 : i32
      %mul3A_37 = arith.muli %scan3A_34, %mul3A_36 : i32
      %add3A_38 = arith.constant 0 : i32
      %add3A_39 = arith.addi %mul3A_37, %add3A_38 : i32
      %dma_start3A = arith.constant 0 : i32
      %dma_start3A_40 = tpu.memref_slice %arg4[%add3A_39, %dma_start3A] : memref<160x128xi32, #tpu.memory_space<vmem>> -> memref<1x128xi32, #tpu.memory_space<vmem>>
      %dma_start3A_41 = tpu.memref_squeeze %dma_start3A_40 : memref<1x128xi32, #tpu.memory_space<vmem>> -> memref<128xi32, #tpu.memory_space<vmem>>
      %dma_start3A_42 = arith.constant 0 : i32
      %dma_start3A_43 = tpu.memref_slice %arg7[%dma_start3A_42] : memref<5120xf32, #tpu.memory_space<vmem_shared>> -> memref<5120xf32, #tpu.memory_space<vmem_shared>>
      %dma_start3A_44 = arith.constant -1 : i32
      tpu.enqueue_indirect_dma source(%arg5 : memref<128xf32, #tpu.memory_space<vmem>>) target(%dma_start3A_43 : memref<5120xf32, #tpu.memory_space<vmem_shared>>) offsets(%dma_start3A_41 : memref<128xi32, #tpu.memory_space<vmem>>) offset_filter(%dma_start3A_44) semaphore(%arg8 : memref<!tpu.dma_semaphore, #tpu.memory_space<semaphore_mem>>) {add = true}
      %mul3A_45 = arith.constant 16 : i32
      %mul3A_46 = arith.muli %scan3A_34, %mul3A_45 : i32
      %add3A_47 = arith.constant 1 : i32
      %add3A_48 = arith.addi %mul3A_46, %add3A_47 : i32
      %dma_start3A_49 = arith.constant 0 : i32
      %dma_start3A_50 = tpu.memref_slice %arg4[%add3A_48, %dma_start3A_49] : memref<160x128xi32, #tpu.memory_space<vmem>> -> memref<1x128xi32, #tpu.memory_space<vmem>>
      %dma_start3A_51 = tpu.memref_squeeze %dma_start3A_50 : memref<1x128xi32, #tpu.memory_space<vmem>> -> memref<128xi32, #tpu.memory_space<vmem>>
      %dma_start3A_52 = arith.constant 0 : i32
      %dma_start3A_53 = tpu.memref_slice %arg7[%dma_start3A_52] : memref<5120xf32, #tpu.memory_space<vmem_shared>> -> memref<5120xf32, #tpu.memory_space<vmem_shared>>
      %dma_start3A_54 = arith.constant -1 : i32
      tpu.enqueue_indirect_dma source(%arg5 : memref<128xf32, #tpu.memory_space<vmem>>) target(%dma_start3A_53 : memref<5120xf32, #tpu.memory_space<vmem_shared>>) offsets(%dma_start3A_51 : memref<128xi32, #tpu.memory_space<vmem>>) offset_filter(%dma_start3A_54) semaphore(%arg8 : memref<!tpu.dma_semaphore, #tpu.memory_space<semaphore_mem>>) {add = true}
      %mul3A_55 = arith.constant 16 : i32
      %mul3A_56 = arith.muli %scan3A_34, %mul3A_55 : i32
      %add3A_57 = arith.constant 2 : i32
      %add3A_58 = arith.addi %mul3A_56, %add3A_57 : i32
      %dma_start3A_59 = arith.constant 0 : i32
      %dma_start3A_60 = tpu.memref_slice %arg4[%add3A_58, %dma_start3A_59] : memref<160x128xi32, #tpu.memory_space<vmem>> -> memref<1x128xi32, #tpu.memory_space<vmem>>
      %dma_start3A_61 = tpu.memref_squeeze %dma_start3A_60 : memref<1x128xi32, #tpu.memory_space<vmem>> -> memref<128xi32, #tpu.memory_space<vmem>>
      %dma_start3A_62 = arith.constant 0 : i32
      %dma_start3A_63 = tpu.memref_slice %arg7[%dma_start3A_62] : memref<5120xf32, #tpu.memory_space<vmem_shared>> -> memref<5120xf32, #tpu.memory_space<vmem_shared>>
      %dma_start3A_64 = arith.constant -1 : i32
      tpu.enqueue_indirect_dma source(%arg5 : memref<128xf32, #tpu.memory_space<vmem>>) target(%dma_start3A_63 : memref<5120xf32, #tpu.memory_space<vmem_shared>>) offsets(%dma_start3A_61 : memref<128xi32, #tpu.memory_space<vmem>>) offset_filter(%dma_start3A_64) semaphore(%arg8 : memref<!tpu.dma_semaphore, #tpu.memory_space<semaphore_mem>>) {add = true}
      %mul3A_65 = arith.constant 16 : i32
      %mul3A_66 = arith.muli %scan3A_34, %mul3A_65 : i32
      %add3A_67 = arith.constant 3 : i32
      %add3A_68 = arith.addi %mul3A_66, %add3A_67 : i32
      %dma_start3A_69 = arith.constant 0 : i32
      %dma_start3A_70 = tpu.memref_slice %arg4[%add3A_68, %dma_start3A_69] : memref<160x128xi32, #tpu.memory_space<vmem>> -> memref<1x128xi32, #tpu.memory_space<vmem>>
      %dma_start3A_71 = tpu.memref_squeeze %dma_start3A_70 : memref<1x128xi32, #tpu.memory_space<vmem>> -> memref<128xi32, #tpu.memory_space<vmem>>
      %dma_start3A_72 = arith.constant 0 : i32
      %dma_start3A_73 = tpu.memref_slice %arg7[%dma_start3A_72] : memref<5120xf32, #tpu.memory_space<vmem_shared>> -> memref<5120xf32, #tpu.memory_space<vmem_shared>>
      %dma_start3A_74 = arith.constant -1 : i32
      tpu.enqueue_indirect_dma source(%arg5 : memref<128xf32, #tpu.memory_space<vmem>>) target(%dma_start3A_73 : memref<5120xf32, #tpu.memory_space<vmem_shared>>) offsets(%dma_start3A_71 : memref<128xi32, #tpu.memory_space<vmem>>) offset_filter(%dma_start3A_74) semaphore(%arg8 : memref<!tpu.dma_semaphore, #tpu.memory_space<semaphore_mem>>) {add = true}
      %mul3A_75 = arith.constant 16 : i32
      %mul3A_76 = arith.muli %scan3A_34, %mul3A_75 : i32
      %add3A_77 = arith.constant 4 : i32
      %add3A_78 = arith.addi %mul3A_76, %add3A_77 : i32
      %dma_start3A_79 = arith.constant 0 : i32
      %dma_start3A_80 = tpu.memref_slice %arg4[%add3A_78, %dma_start3A_79] : memref<160x128xi32, #tpu.memory_space<vmem>> -> memref<1x128xi32, #tpu.memory_space<vmem>>
      %dma_start3A_81 = tpu.memref_squeeze %dma_start3A_80 : memref<1x128xi32, #tpu.memory_space<vmem>> -> memref<128xi32, #tpu.memory_space<vmem>>
      %dma_start3A_82 = arith.constant 0 : i32
      %dma_start3A_83 = tpu.memref_slice %arg7[%dma_start3A_82] : memref<5120xf32, #tpu.memory_space<vmem_shared>> -> memref<5120xf32, #tpu.memory_space<vmem_shared>>
      %dma_start3A_84 = arith.constant -1 : i32
      tpu.enqueue_indirect_dma source(%arg5 : memref<128xf32, #tpu.memory_space<vmem>>) target(%dma_start3A_83 : memref<5120xf32, #tpu.memory_space<vmem_shared>>) offsets(%dma_start3A_81 : memref<128xi32, #tpu.memory_space<vmem>>) offset_filter(%dma_start3A_84) semaphore(%arg8 : memref<!tpu.dma_semaphore, #tpu.memory_space<semaphore_mem>>) {add = true}
      %mul3A_85 = arith.constant 16 : i32
      %mul3A_86 = arith.muli %scan3A_34, %mul3A_85 : i32
      %add3A_87 = arith.constant 5 : i32
      %add3A_88 = arith.addi %mul3A_86, %add3A_87 : i32
      %dma_start3A_89 = arith.constant 0 : i32
      %dma_start3A_90 = tpu.memref_slice %arg4[%add3A_88, %dma_start3A_89] : memref<160x128xi32, #tpu.memory_space<vmem>> -> memref<1x128xi32, #tpu.memory_space<vmem>>
      %dma_start3A_91 = tpu.memref_squeeze %dma_start3A_90 : memref<1x128xi32, #tpu.memory_space<vmem>> -> memref<128xi32, #tpu.memory_space<vmem>>
      %dma_start3A_92 = arith.constant 0 : i32
      %dma_start3A_93 = tpu.memref_slice %arg7[%dma_start3A_92] : memref<5120xf32, #tpu.memory_space<vmem_shared>> -> memref<5120xf32, #tpu.memory_space<vmem_shared>>
      %dma_start3A_94 = arith.constant -1 : i32
      tpu.enqueue_indirect_dma source(%arg5 : memref<128xf32, #tpu.memory_space<vmem>>) target(%dma_start3A_93 : memref<5120xf32, #tpu.memory_space<vmem_shared>>) offsets(%dma_start3A_91 : memref<128xi32, #tpu.memory_space<vmem>>) offset_filter(%dma_start3A_94) semaphore(%arg8 : memref<!tpu.dma_semaphore, #tpu.memory_space<semaphore_mem>>) {add = true}
      %mul3A_95 = arith.constant 16 : i32
      %mul3A_96 = arith.muli %scan3A_34, %mul3A_95 : i32
      %add3A_97 = arith.constant 6 : i32
      %add3A_98 = arith.addi %mul3A_96, %add3A_97 : i32
      %dma_start3A_99 = arith.constant 0 : i32
      %dma_start3A_100 = tpu.memref_slice %arg4[%add3A_98, %dma_start3A_99] : memref<160x128xi32, #tpu.memory_space<vmem>> -> memref<1x128xi32, #tpu.memory_space<vmem>>
      %dma_start3A_101 = tpu.memref_squeeze %dma_start3A_100 : memref<1x128xi32, #tpu.memory_space<vmem>> -> memref<128xi32, #tpu.memory_space<vmem>>
      %dma_start3A_102 = arith.constant 0 : i32
      %dma_start3A_103 = tpu.memref_slice %arg7[%dma_start3A_102] : memref<5120xf32, #tpu.memory_space<vmem_shared>> -> memref<5120xf32, #tpu.memory_space<vmem_shared>>
      %dma_start3A_104 = arith.constant -1 : i32
      tpu.enqueue_indirect_dma source(%arg5 : memref<128xf32, #tpu.memory_space<vmem>>) target(%dma_start3A_103 : memref<5120xf32, #tpu.memory_space<vmem_shared>>) offsets(%dma_start3A_101 : memref<128xi32, #tpu.memory_space<vmem>>) offset_filter(%dma_start3A_104) semaphore(%arg8 : memref<!tpu.dma_semaphore, #tpu.memory_space<semaphore_mem>>) {add = true}
      %mul3A_105 = arith.constant 16 : i32
      %mul3A_106 = arith.muli %scan3A_34, %mul3A_105 : i32
      %add3A_107 = arith.constant 7 : i32
      %add3A_108 = arith.addi %mul3A_106, %add3A_107 : i32
      %dma_start3A_109 = arith.constant 0 : i32
      %dma_start3A_110 = tpu.memref_slice %arg4[%add3A_108, %dma_start3A_109] : memref<160x128xi32, #tpu.memory_space<vmem>> -> memref<1x128xi32, #tpu.memory_space<vmem>>
      %dma_start3A_111 = tpu.memref_squeeze %dma_start3A_110 : memref<1x128xi32, #tpu.memory_space<vmem>> -> memref<128xi32, #tpu.memory_space<vmem>>
      %dma_start3A_112 = arith.constant 0 : i32
      %dma_start3A_113 = tpu.memref_slice %arg7[%dma_start3A_112] : memref<5120xf32, #tpu.memory_space<vmem_shared>> -> memref<5120xf32, #tpu.memory_space<vmem_shared>>
      %dma_start3A_114 = arith.constant -1 : i32
      tpu.enqueue_indirect_dma source(%arg5 : memref<128xf32, #tpu.memory_space<vmem>>) target(%dma_start3A_113 : memref<5120xf32, #tpu.memory_space<vmem_shared>>) offsets(%dma_start3A_111 : memref<128xi32, #tpu.memory_space<vmem>>) offset_filter(%dma_start3A_114) semaphore(%arg8 : memref<!tpu.dma_semaphore, #tpu.memory_space<semaphore_mem>>) {add = true}
      %mul3A_115 = arith.constant 16 : i32
      %mul3A_116 = arith.muli %scan3A_34, %mul3A_115 : i32
      %add3A_117 = arith.constant 8 : i32
      %add3A_118 = arith.addi %mul3A_116, %add3A_117 : i32
      %dma_start3A_119 = arith.constant 0 : i32
      %dma_start3A_120 = tpu.memref_slice %arg4[%add3A_118, %dma_start3A_119] : memref<160x128xi32, #tpu.memory_space<vmem>> -> memref<1x128xi32, #tpu.memory_space<vmem>>
      %dma_start3A_121 = tpu.memref_squeeze %dma_start3A_120 : memref<1x128xi32, #tpu.memory_space<vmem>> -> memref<128xi32, #tpu.memory_space<vmem>>
      %dma_start3A_122 = arith.constant 0 : i32
      %dma_start3A_123 = tpu.memref_slice %arg7[%dma_start3A_122] : memref<5120xf32, #tpu.memory_space<vmem_shared>> -> memref<5120xf32, #tpu.memory_space<vmem_shared>>
      %dma_start3A_124 = arith.constant -1 : i32
      tpu.enqueue_indirect_dma source(%arg5 : memref<128xf32, #tpu.memory_space<vmem>>) target(%dma_start3A_123 : memref<5120xf32, #tpu.memory_space<vmem_shared>>) offsets(%dma_start3A_121 : memref<128xi32, #tpu.memory_space<vmem>>) offset_filter(%dma_start3A_124) semaphore(%arg8 : memref<!tpu.dma_semaphore, #tpu.memory_space<semaphore_mem>>) {add = true}
      %mul3A_125 = arith.constant 16 : i32
      %mul3A_126 = arith.muli %scan3A_34, %mul3A_125 : i32
      %add3A_127 = arith.constant 9 : i32
      %add3A_128 = arith.addi %mul3A_126, %add3A_127 : i32
      %dma_start3A_129 = arith.constant 0 : i32
      %dma_start3A_130 = tpu.memref_slice %arg4[%add3A_128, %dma_start3A_129] : memref<160x128xi32, #tpu.memory_space<vmem>> -> memref<1x128xi32, #tpu.memory_space<vmem>>
      %dma_start3A_131 = tpu.memref_squeeze %dma_start3A_130 : memref<1x128xi32, #tpu.memory_space<vmem>> -> memref<128xi32, #tpu.memory_space<vmem>>
      %dma_start3A_132 = arith.constant 0 : i32
      %dma_start3A_133 = tpu.memref_slice %arg7[%dma_start3A_132] : memref<5120xf32, #tpu.memory_space<vmem_shared>> -> memref<5120xf32, #tpu.memory_space<vmem_shared>>
      %dma_start3A_134 = arith.constant -1 : i32
      tpu.enqueue_indirect_dma source(%arg5 : memref<128xf32, #tpu.memory_space<vmem>>) target(%dma_start3A_133 : memref<5120xf32, #tpu.memory_space<vmem_shared>>) offsets(%dma_start3A_131 : memref<128xi32, #tpu.memory_space<vmem>>) offset_filter(%dma_start3A_134) semaphore(%arg8 : memref<!tpu.dma_semaphore, #tpu.memory_space<semaphore_mem>>) {add = true}
      %mul3A_135 = arith.constant 16 : i32
      %mul3A_136 = arith.muli %scan3A_34, %mul3A_135 : i32
      %add3A_137 = arith.constant 10 : i32
      %add3A_138 = arith.addi %mul3A_136, %add3A_137 : i32
      %dma_start3A_139 = arith.constant 0 : i32
      %dma_start3A_140 = tpu.memref_slice %arg4[%add3A_138, %dma_start3A_139] : memref<160x128xi32, #tpu.memory_space<vmem>> -> memref<1x128xi32, #tpu.memory_space<vmem>>
      %dma_start3A_141 = tpu.memref_squeeze %dma_start3A_140 : memref<1x128xi32, #tpu.memory_space<vmem>> -> memref<128xi32, #tpu.memory_space<vmem>>
      %dma_start3A_142 = arith.constant 0 : i32
      %dma_start3A_143 = tpu.memref_slice %arg7[%dma_start3A_142] : memref<5120xf32, #tpu.memory_space<vmem_shared>> -> memref<5120xf32, #tpu.memory_space<vmem_shared>>
      %dma_start3A_144 = arith.constant -1 : i32
      tpu.enqueue_indirect_dma source(%arg5 : memref<128xf32, #tpu.memory_space<vmem>>) target(%dma_start3A_143 : memref<5120xf32, #tpu.memory_space<vmem_shared>>) offsets(%dma_start3A_141 : memref<128xi32, #tpu.memory_space<vmem>>) offset_filter(%dma_start3A_144) semaphore(%arg8 : memref<!tpu.dma_semaphore, #tpu.memory_space<semaphore_mem>>) {add = true}
      %mul3A_145 = arith.constant 16 : i32
      %mul3A_146 = arith.muli %scan3A_34, %mul3A_145 : i32
      %add3A_147 = arith.constant 11 : i32
      %add3A_148 = arith.addi %mul3A_146, %add3A_147 : i32
      %dma_start3A_149 = arith.constant 0 : i32
      %dma_start3A_150 = tpu.memref_slice %arg4[%add3A_148, %dma_start3A_149] : memref<160x128xi32, #tpu.memory_space<vmem>> -> memref<1x128xi32, #tpu.memory_space<vmem>>
      %dma_start3A_151 = tpu.memref_squeeze %dma_start3A_150 : memref<1x128xi32, #tpu.memory_space<vmem>> -> memref<128xi32, #tpu.memory_space<vmem>>
      %dma_start3A_152 = arith.constant 0 : i32
      %dma_start3A_153 = tpu.memref_slice %arg7[%dma_start3A_152] : memref<5120xf32, #tpu.memory_space<vmem_shared>> -> memref<5120xf32, #tpu.memory_space<vmem_shared>>
      %dma_start3A_154 = arith.constant -1 : i32
      tpu.enqueue_indirect_dma source(%arg5 : memref<128xf32, #tpu.memory_space<vmem>>) target(%dma_start3A_153 : memref<5120xf32, #tpu.memory_space<vmem_shared>>) offsets(%dma_start3A_151 : memref<128xi32, #tpu.memory_space<vmem>>) offset_filter(%dma_start3A_154) semaphore(%arg8 : memref<!tpu.dma_semaphore, #tpu.memory_space<semaphore_mem>>) {add = true}
      %mul3A_155 = arith.constant 16 : i32
      %mul3A_156 = arith.muli %scan3A_34, %mul3A_155 : i32
      %add3A_157 = arith.constant 12 : i32
      %add3A_158 = arith.addi %mul3A_156, %add3A_157 : i32
      %dma_start3A_159 = arith.constant 0 : i32
      %dma_start3A_160 = tpu.memref_slice %arg4[%add3A_158, %dma_start3A_159] : memref<160x128xi32, #tpu.memory_space<vmem>> -> memref<1x128xi32, #tpu.memory_space<vmem>>
      %dma_start3A_161 = tpu.memref_squeeze %dma_start3A_160 : memref<1x128xi32, #tpu.memory_space<vmem>> -> memref<128xi32, #tpu.memory_space<vmem>>
      %dma_start3A_162 = arith.constant 0 : i32
      %dma_start3A_163 = tpu.memref_slice %arg7[%dma_start3A_162] : memref<5120xf32, #tpu.memory_space<vmem_shared>> -> memref<5120xf32, #tpu.memory_space<vmem_shared>>
      %dma_start3A_164 = arith.constant -1 : i32
      tpu.enqueue_indirect_dma source(%arg5 : memref<128xf32, #tpu.memory_space<vmem>>) target(%dma_start3A_163 : memref<5120xf32, #tpu.memory_space<vmem_shared>>) offsets(%dma_start3A_161 : memref<128xi32, #tpu.memory_space<vmem>>) offset_filter(%dma_start3A_164) semaphore(%arg8 : memref<!tpu.dma_semaphore, #tpu.memory_space<semaphore_mem>>) {add = true}
      %mul3A_165 = arith.constant 16 : i32
      %mul3A_166 = arith.muli %scan3A_34, %mul3A_165 : i32
      %add3A_167 = arith.constant 13 : i32
      %add3A_168 = arith.addi %mul3A_166, %add3A_167 : i32
      %dma_start3A_169 = arith.constant 0 : i32
      %dma_start3A_170 = tpu.memref_slice %arg4[%add3A_168, %dma_start3A_169] : memref<160x128xi32, #tpu.memory_space<vmem>> -> memref<1x128xi32, #tpu.memory_space<vmem>>
      %dma_start3A_171 = tpu.memref_squeeze %dma_start3A_170 : memref<1x128xi32, #tpu.memory_space<vmem>> -> memref<128xi32, #tpu.memory_space<vmem>>
      %dma_start3A_172 = arith.constant 0 : i32
      %dma_start3A_173 = tpu.memref_slice %arg7[%dma_start3A_172] : memref<5120xf32, #tpu.memory_space<vmem_shared>> -> memref<5120xf32, #tpu.memory_space<vmem_shared>>
      %dma_start3A_174 = arith.constant -1 : i32
      tpu.enqueue_indirect_dma source(%arg5 : memref<128xf32, #tpu.memory_space<vmem>>) target(%dma_start3A_173 : memref<5120xf32, #tpu.memory_space<vmem_shared>>) offsets(%dma_start3A_171 : memref<128xi32, #tpu.memory_space<vmem>>) offset_filter(%dma_start3A_174) semaphore(%arg8 : memref<!tpu.dma_semaphore, #tpu.memory_space<semaphore_mem>>) {add = true}
      %mul3A_175 = arith.constant 16 : i32
      %mul3A_176 = arith.muli %scan3A_34, %mul3A_175 : i32
      %add3A_177 = arith.constant 14 : i32
      %add3A_178 = arith.addi %mul3A_176, %add3A_177 : i32
      %dma_start3A_179 = arith.constant 0 : i32
      %dma_start3A_180 = tpu.memref_slice %arg4[%add3A_178, %dma_start3A_179] : memref<160x128xi32, #tpu.memory_space<vmem>> -> memref<1x128xi32, #tpu.memory_space<vmem>>
      %dma_start3A_181 = tpu.memref_squeeze %dma_start3A_180 : memref<1x128xi32, #tpu.memory_space<vmem>> -> memref<128xi32, #tpu.memory_space<vmem>>
      %dma_start3A_182 = arith.constant 0 : i32
      %dma_start3A_183 = tpu.memref_slice %arg7[%dma_start3A_182] : memref<5120xf32, #tpu.memory_space<vmem_shared>> -> memref<5120xf32, #tpu.memory_space<vmem_shared>>
      %dma_start3A_184 = arith.constant -1 : i32
      tpu.enqueue_indirect_dma source(%arg5 : memref<128xf32, #tpu.memory_space<vmem>>) target(%dma_start3A_183 : memref<5120xf32, #tpu.memory_space<vmem_shared>>) offsets(%dma_start3A_181 : memref<128xi32, #tpu.memory_space<vmem>>) offset_filter(%dma_start3A_184) semaphore(%arg8 : memref<!tpu.dma_semaphore, #tpu.memory_space<semaphore_mem>>) {add = true}
      %mul3A_185 = arith.constant 16 : i32
      %mul3A_186 = arith.muli %scan3A_34, %mul3A_185 : i32
      %add3A_187 = arith.constant 15 : i32
      %add3A_188 = arith.addi %mul3A_186, %add3A_187 : i32
      %dma_start3A_189 = arith.constant 0 : i32
      %dma_start3A_190 = tpu.memref_slice %arg4[%add3A_188, %dma_start3A_189] : memref<160x128xi32, #tpu.memory_space<vmem>> -> memref<1x128xi32, #tpu.memory_space<vmem>>
      %dma_start3A_191 = tpu.memref_squeeze %dma_start3A_190 : memref<1x128xi32, #tpu.memory_space<vmem>> -> memref<128xi32, #tpu.memory_space<vmem>>
      %dma_start3A_192 = arith.constant 0 : i32
      %dma_start3A_193 = tpu.memref_slice %arg7[%dma_start3A_192] : memref<5120xf32, #tpu.memory_space<vmem_shared>> -> memref<5120xf32, #tpu.memory_space<vmem_shared>>
      %dma_start3A_194 = arith.constant -1 : i32
      tpu.enqueue_indirect_dma source(%arg5 : memref<128xf32, #tpu.memory_space<vmem>>) target(%dma_start3A_193 : memref<5120xf32, #tpu.memory_space<vmem_shared>>) offsets(%dma_start3A_191 : memref<128xi32, #tpu.memory_space<vmem>>) offset_filter(%dma_start3A_194) semaphore(%arg8 : memref<!tpu.dma_semaphore, #tpu.memory_space<semaphore_mem>>) {add = true}
      %dma_wait3A = arith.constant 0 : i32
      %dma_wait3A_195 = tpu.memref_slice %arg4[%add3A_39, %dma_wait3A] : memref<160x128xi32, #tpu.memory_space<vmem>> -> memref<1x128xi32, #tpu.memory_space<vmem>>
      %dma_wait3A_196 = tpu.memref_squeeze %dma_wait3A_195 : memref<1x128xi32, #tpu.memory_space<vmem>> -> memref<128xi32, #tpu.memory_space<vmem>>
      %dma_wait3A_197 = arith.constant 0 : i32
      %dma_wait3A_198 = tpu.memref_slice %arg7[%dma_wait3A_197] : memref<5120xf32, #tpu.memory_space<vmem_shared>> -> memref<5120xf32, #tpu.memory_space<vmem_shared>>
      tpu.wait_indirect_dma semaphore(%arg8 : memref<!tpu.dma_semaphore, #tpu.memory_space<semaphore_mem>>) src(%arg5 : memref<128xf32, #tpu.memory_space<vmem>>) dst(%dma_wait3A_198 : memref<5120xf32, #tpu.memory_space<vmem_shared>>)
      %dma_wait3A_199 = arith.constant 0 : i32
      %dma_wait3A_200 = tpu.memref_slice %arg4[%add3A_48, %dma_wait3A_199] : memref<160x128xi32, #tpu.memory_space<vmem>> -> memref<1x128xi32, #tpu.memory_space<vmem>>
      %dma_wait3A_201 = tpu.memref_squeeze %dma_wait3A_200 : memref<1x128xi32, #tpu.memory_space<vmem>> -> memref<128xi32, #tpu.memory_space<vmem>>
      %dma_wait3A_202 = arith.constant 0 : i32
      %dma_wait3A_203 = tpu.memref_slice %arg7[%dma_wait3A_202] : memref<5120xf32, #tpu.memory_space<vmem_shared>> -> memref<5120xf32, #tpu.memory_space<vmem_shared>>
      tpu.wait_indirect_dma semaphore(%arg8 : memref<!tpu.dma_semaphore, #tpu.memory_space<semaphore_mem>>) src(%arg5 : memref<128xf32, #tpu.memory_space<vmem>>) dst(%dma_wait3A_203 : memref<5120xf32, #tpu.memory_space<vmem_shared>>)
      %dma_wait3A_204 = arith.constant 0 : i32
      %dma_wait3A_205 = tpu.memref_slice %arg4[%add3A_58, %dma_wait3A_204] : memref<160x128xi32, #tpu.memory_space<vmem>> -> memref<1x128xi32, #tpu.memory_space<vmem>>
      %dma_wait3A_206 = tpu.memref_squeeze %dma_wait3A_205 : memref<1x128xi32, #tpu.memory_space<vmem>> -> memref<128xi32, #tpu.memory_space<vmem>>
      %dma_wait3A_207 = arith.constant 0 : i32
      %dma_wait3A_208 = tpu.memref_slice %arg7[%dma_wait3A_207] : memref<5120xf32, #tpu.memory_space<vmem_shared>> -> memref<5120xf32, #tpu.memory_space<vmem_shared>>
      tpu.wait_indirect_dma semaphore(%arg8 : memref<!tpu.dma_semaphore, #tpu.memory_space<semaphore_mem>>) src(%arg5 : memref<128xf32, #tpu.memory_space<vmem>>) dst(%dma_wait3A_208 : memref<5120xf32, #tpu.memory_space<vmem_shared>>)
      %dma_wait3A_209 = arith.constant 0 : i32
      %dma_wait3A_210 = tpu.memref_slice %arg4[%add3A_68, %dma_wait3A_209] : memref<160x128xi32, #tpu.memory_space<vmem>> -> memref<1x128xi32, #tpu.memory_space<vmem>>
      %dma_wait3A_211 = tpu.memref_squeeze %dma_wait3A_210 : memref<1x128xi32, #tpu.memory_space<vmem>> -> memref<128xi32, #tpu.memory_space<vmem>>
      %dma_wait3A_212 = arith.constant 0 : i32
      %dma_wait3A_213 = tpu.memref_slice %arg7[%dma_wait3A_212] : memref<5120xf32, #tpu.memory_space<vmem_shared>> -> memref<5120xf32, #tpu.memory_space<vmem_shared>>
      tpu.wait_indirect_dma semaphore(%arg8 : memref<!tpu.dma_semaphore, #tpu.memory_space<semaphore_mem>>) src(%arg5 : memref<128xf32, #tpu.memory_space<vmem>>) dst(%dma_wait3A_213 : memref<5120xf32, #tpu.memory_space<vmem_shared>>)
      %dma_wait3A_214 = arith.constant 0 : i32
      %dma_wait3A_215 = tpu.memref_slice %arg4[%add3A_78, %dma_wait3A_214] : memref<160x128xi32, #tpu.memory_space<vmem>> -> memref<1x128xi32, #tpu.memory_space<vmem>>
      %dma_wait3A_216 = tpu.memref_squeeze %dma_wait3A_215 : memref<1x128xi32, #tpu.memory_space<vmem>> -> memref<128xi32, #tpu.memory_space<vmem>>
      %dma_wait3A_217 = arith.constant 0 : i32
      %dma_wait3A_218 = tpu.memref_slice %arg7[%dma_wait3A_217] : memref<5120xf32, #tpu.memory_space<vmem_shared>> -> memref<5120xf32, #tpu.memory_space<vmem_shared>>
      tpu.wait_indirect_dma semaphore(%arg8 : memref<!tpu.dma_semaphore, #tpu.memory_space<semaphore_mem>>) src(%arg5 : memref<128xf32, #tpu.memory_space<vmem>>) dst(%dma_wait3A_218 : memref<5120xf32, #tpu.memory_space<vmem_shared>>)
      %dma_wait3A_219 = arith.constant 0 : i32
      %dma_wait3A_220 = tpu.memref_slice %arg4[%add3A_88, %dma_wait3A_219] : memref<160x128xi32, #tpu.memory_space<vmem>> -> memref<1x128xi32, #tpu.memory_space<vmem>>
      %dma_wait3A_221 = tpu.memref_squeeze %dma_wait3A_220 : memref<1x128xi32, #tpu.memory_space<vmem>> -> memref<128xi32, #tpu.memory_space<vmem>>
      %dma_wait3A_222 = arith.constant 0 : i32
      %dma_wait3A_223 = tpu.memref_slice %arg7[%dma_wait3A_222] : memref<5120xf32, #tpu.memory_space<vmem_shared>> -> memref<5120xf32, #tpu.memory_space<vmem_shared>>
      tpu.wait_indirect_dma semaphore(%arg8 : memref<!tpu.dma_semaphore, #tpu.memory_space<semaphore_mem>>) src(%arg5 : memref<128xf32, #tpu.memory_space<vmem>>) dst(%dma_wait3A_223 : memref<5120xf32, #tpu.memory_space<vmem_shared>>)
      %dma_wait3A_224 = arith.constant 0 : i32
      %dma_wait3A_225 = tpu.memref_slice %arg4[%add3A_98, %dma_wait3A_224] : memref<160x128xi32, #tpu.memory_space<vmem>> -> memref<1x128xi32, #tpu.memory_space<vmem>>
      %dma_wait3A_226 = tpu.memref_squeeze %dma_wait3A_225 : memref<1x128xi32, #tpu.memory_space<vmem>> -> memref<128xi32, #tpu.memory_space<vmem>>
      %dma_wait3A_227 = arith.constant 0 : i32
      %dma_wait3A_228 = tpu.memref_slice %arg7[%dma_wait3A_227] : memref<5120xf32, #tpu.memory_space<vmem_shared>> -> memref<5120xf32, #tpu.memory_space<vmem_shared>>
      tpu.wait_indirect_dma semaphore(%arg8 : memref<!tpu.dma_semaphore, #tpu.memory_space<semaphore_mem>>) src(%arg5 : memref<128xf32, #tpu.memory_space<vmem>>) dst(%dma_wait3A_228 : memref<5120xf32, #tpu.memory_space<vmem_shared>>)
      %dma_wait3A_229 = arith.constant 0 : i32
      %dma_wait3A_230 = tpu.memref_slice %arg4[%add3A_108, %dma_wait3A_229] : memref<160x128xi32, #tpu.memory_space<vmem>> -> memref<1x128xi32, #tpu.memory_space<vmem>>
      %dma_wait3A_231 = tpu.memref_squeeze %dma_wait3A_230 : memref<1x128xi32, #tpu.memory_space<vmem>> -> memref<128xi32, #tpu.memory_space<vmem>>
      %dma_wait3A_232 = arith.constant 0 : i32
      %dma_wait3A_233 = tpu.memref_slice %arg7[%dma_wait3A_232] : memref<5120xf32, #tpu.memory_space<vmem_shared>> -> memref<5120xf32, #tpu.memory_space<vmem_shared>>
      tpu.wait_indirect_dma semaphore(%arg8 : memref<!tpu.dma_semaphore, #tpu.memory_space<semaphore_mem>>) src(%arg5 : memref<128xf32, #tpu.memory_space<vmem>>) dst(%dma_wait3A_233 : memref<5120xf32, #tpu.memory_space<vmem_shared>>)
      %dma_wait3A_234 = arith.constant 0 : i32
      %dma_wait3A_235 = tpu.memref_slice %arg4[%add3A_118, %dma_wait3A_234] : memref<160x128xi32, #tpu.memory_space<vmem>> -> memref<1x128xi32, #tpu.memory_space<vmem>>
      %dma_wait3A_236 = tpu.memref_squeeze %dma_wait3A_235 : memref<1x128xi32, #tpu.memory_space<vmem>> -> memref<128xi32, #tpu.memory_space<vmem>>
      %dma_wait3A_237 = arith.constant 0 : i32
      %dma_wait3A_238 = tpu.memref_slice %arg7[%dma_wait3A_237] : memref<5120xf32, #tpu.memory_space<vmem_shared>> -> memref<5120xf32, #tpu.memory_space<vmem_shared>>
      tpu.wait_indirect_dma semaphore(%arg8 : memref<!tpu.dma_semaphore, #tpu.memory_space<semaphore_mem>>) src(%arg5 : memref<128xf32, #tpu.memory_space<vmem>>) dst(%dma_wait3A_238 : memref<5120xf32, #tpu.memory_space<vmem_shared>>)
      %dma_wait3A_239 = arith.constant 0 : i32
      %dma_wait3A_240 = tpu.memref_slice %arg4[%add3A_128, %dma_wait3A_239] : memref<160x128xi32, #tpu.memory_space<vmem>> -> memref<1x128xi32, #tpu.memory_space<vmem>>
      %dma_wait3A_241 = tpu.memref_squeeze %dma_wait3A_240 : memref<1x128xi32, #tpu.memory_space<vmem>> -> memref<128xi32, #tpu.memory_space<vmem>>
      %dma_wait3A_242 = arith.constant 0 : i32
      %dma_wait3A_243 = tpu.memref_slice %arg7[%dma_wait3A_242] : memref<5120xf32, #tpu.memory_space<vmem_shared>> -> memref<5120xf32, #tpu.memory_space<vmem_shared>>
      tpu.wait_indirect_dma semaphore(%arg8 : memref<!tpu.dma_semaphore, #tpu.memory_space<semaphore_mem>>) src(%arg5 : memref<128xf32, #tpu.memory_space<vmem>>) dst(%dma_wait3A_243 : memref<5120xf32, #tpu.memory_space<vmem_shared>>)
      %dma_wait3A_244 = arith.constant 0 : i32
      %dma_wait3A_245 = tpu.memref_slice %arg4[%add3A_138, %dma_wait3A_244] : memref<160x128xi32, #tpu.memory_space<vmem>> -> memref<1x128xi32, #tpu.memory_space<vmem>>
      %dma_wait3A_246 = tpu.memref_squeeze %dma_wait3A_245 : memref<1x128xi32, #tpu.memory_space<vmem>> -> memref<128xi32, #tpu.memory_space<vmem>>
      %dma_wait3A_247 = arith.constant 0 : i32
      %dma_wait3A_248 = tpu.memref_slice %arg7[%dma_wait3A_247] : memref<5120xf32, #tpu.memory_space<vmem_shared>> -> memref<5120xf32, #tpu.memory_space<vmem_shared>>
      tpu.wait_indirect_dma semaphore(%arg8 : memref<!tpu.dma_semaphore, #tpu.memory_space<semaphore_mem>>) src(%arg5 : memref<128xf32, #tpu.memory_space<vmem>>) dst(%dma_wait3A_248 : memref<5120xf32, #tpu.memory_space<vmem_shared>>)
      %dma_wait3A_249 = arith.constant 0 : i32
      %dma_wait3A_250 = tpu.memref_slice %arg4[%add3A_148, %dma_wait3A_249] : memref<160x128xi32, #tpu.memory_space<vmem>> -> memref<1x128xi32, #tpu.memory_space<vmem>>
      %dma_wait3A_251 = tpu.memref_squeeze %dma_wait3A_250 : memref<1x128xi32, #tpu.memory_space<vmem>> -> memref<128xi32, #tpu.memory_space<vmem>>
      %dma_wait3A_252 = arith.constant 0 : i32
      %dma_wait3A_253 = tpu.memref_slice %arg7[%dma_wait3A_252] : memref<5120xf32, #tpu.memory_space<vmem_shared>> -> memref<5120xf32, #tpu.memory_space<vmem_shared>>
      tpu.wait_indirect_dma semaphore(%arg8 : memref<!tpu.dma_semaphore, #tpu.memory_space<semaphore_mem>>) src(%arg5 : memref<128xf32, #tpu.memory_space<vmem>>) dst(%dma_wait3A_253 : memref<5120xf32, #tpu.memory_space<vmem_shared>>)
      %dma_wait3A_254 = arith.constant 0 : i32
      %dma_wait3A_255 = tpu.memref_slice %arg4[%add3A_158, %dma_wait3A_254] : memref<160x128xi32, #tpu.memory_space<vmem>> -> memref<1x128xi32, #tpu.memory_space<vmem>>
      %dma_wait3A_256 = tpu.memref_squeeze %dma_wait3A_255 : memref<1x128xi32, #tpu.memory_space<vmem>> -> memref<128xi32, #tpu.memory_space<vmem>>
      %dma_wait3A_257 = arith.constant 0 : i32
      %dma_wait3A_258 = tpu.memref_slice %arg7[%dma_wait3A_257] : memref<5120xf32, #tpu.memory_space<vmem_shared>> -> memref<5120xf32, #tpu.memory_space<vmem_shared>>
      tpu.wait_indirect_dma semaphore(%arg8 : memref<!tpu.dma_semaphore, #tpu.memory_space<semaphore_mem>>) src(%arg5 : memref<128xf32, #tpu.memory_space<vmem>>) dst(%dma_wait3A_258 : memref<5120xf32, #tpu.memory_space<vmem_shared>>)
      %dma_wait3A_259 = arith.constant 0 : i32
      %dma_wait3A_260 = tpu.memref_slice %arg4[%add3A_168, %dma_wait3A_259] : memref<160x128xi32, #tpu.memory_space<vmem>> -> memref<1x128xi32, #tpu.memory_space<vmem>>
      %dma_wait3A_261 = tpu.memref_squeeze %dma_wait3A_260 : memref<1x128xi32, #tpu.memory_space<vmem>> -> memref<128xi32, #tpu.memory_space<vmem>>
      %dma_wait3A_262 = arith.constant 0 : i32
      %dma_wait3A_263 = tpu.memref_slice %arg7[%dma_wait3A_262] : memref<5120xf32, #tpu.memory_space<vmem_shared>> -> memref<5120xf32, #tpu.memory_space<vmem_shared>>
      tpu.wait_indirect_dma semaphore(%arg8 : memref<!tpu.dma_semaphore, #tpu.memory_space<semaphore_mem>>) src(%arg5 : memref<128xf32, #tpu.memory_space<vmem>>) dst(%dma_wait3A_263 : memref<5120xf32, #tpu.memory_space<vmem_shared>>)
      %dma_wait3A_264 = arith.constant 0 : i32
      %dma_wait3A_265 = tpu.memref_slice %arg4[%add3A_178, %dma_wait3A_264] : memref<160x128xi32, #tpu.memory_space<vmem>> -> memref<1x128xi32, #tpu.memory_space<vmem>>
      %dma_wait3A_266 = tpu.memref_squeeze %dma_wait3A_265 : memref<1x128xi32, #tpu.memory_space<vmem>> -> memref<128xi32, #tpu.memory_space<vmem>>
      %dma_wait3A_267 = arith.constant 0 : i32
      %dma_wait3A_268 = tpu.memref_slice %arg7[%dma_wait3A_267] : memref<5120xf32, #tpu.memory_space<vmem_shared>> -> memref<5120xf32, #tpu.memory_space<vmem_shared>>
      tpu.wait_indirect_dma semaphore(%arg8 : memref<!tpu.dma_semaphore, #tpu.memory_space<semaphore_mem>>) src(%arg5 : memref<128xf32, #tpu.memory_space<vmem>>) dst(%dma_wait3A_268 : memref<5120xf32, #tpu.memory_space<vmem_shared>>)
      %dma_wait3A_269 = arith.constant 0 : i32
      %dma_wait3A_270 = tpu.memref_slice %arg4[%add3A_188, %dma_wait3A_269] : memref<160x128xi32, #tpu.memory_space<vmem>> -> memref<1x128xi32, #tpu.memory_space<vmem>>
      %dma_wait3A_271 = tpu.memref_squeeze %dma_wait3A_270 : memref<1x128xi32, #tpu.memory_space<vmem>> -> memref<128xi32, #tpu.memory_space<vmem>>
      %dma_wait3A_272 = arith.constant 0 : i32
      %dma_wait3A_273 = tpu.memref_slice %arg7[%dma_wait3A_272] : memref<5120xf32, #tpu.memory_space<vmem_shared>> -> memref<5120xf32, #tpu.memory_space<vmem_shared>>
      tpu.wait_indirect_dma semaphore(%arg8 : memref<!tpu.dma_semaphore, #tpu.memory_space<semaphore_mem>>) src(%arg5 : memref<128xf32, #tpu.memory_space<vmem>>) dst(%dma_wait3A_273 : memref<5120xf32, #tpu.memory_space<vmem_shared>>)
      %scan3A_274 = arith.constant 0 : i32
      scf.yield %scan3A_274 : i32
    }
    %scan3A_25 = arith.constant 10 : i32
    %barrier3A_26 = arith.constant 0 : index
    tpu.barrier barrier_id(%barrier3A_26)
    %mul3A_27 = arith.constant 320 : i32
    %mul3A_28 = arith.muli %arg1, %mul3A_27 : i32
    "tpu.region"() ({
      %run_scoped3A = tpu.sem_alloc : memref<!tpu.dma_semaphore, #tpu.memory_space<semaphore_mem>>
      %dma_start3A = tpu.memref_slice %arg7[%mul3A_28] : memref<5120xf32, #tpu.memory_space<vmem_shared>> -> memref<320xf32, #tpu.memory_space<vmem_shared>>
      %dma_start3A_34 = tpu.memref_slice %arg7[%mul3A_28] : memref<5120xf32, #tpu.memory_space<vmem_shared>> -> memref<320xf32, #tpu.memory_space<vmem_shared>>
      tpu.enqueue_dma source(%dma_start3A_34 : memref<320xf32, #tpu.memory_space<vmem_shared>>) target(%arg6 : memref<320xf32, #tpu.memory_space<vmem>>) target_semaphore(%run_scoped3A : memref<!tpu.dma_semaphore, #tpu.memory_space<semaphore_mem>>)
      %dma_wait3A = tpu.memref_slice %arg7[%mul3A_28] : memref<5120xf32, #tpu.memory_space<vmem_shared>> -> memref<320xf32, #tpu.memory_space<vmem_shared>>
      %dma_wait3A_35 = tpu.memref_slice %arg7[%mul3A_28] : memref<5120xf32, #tpu.memory_space<vmem_shared>> -> memref<320xf32, #tpu.memory_space<vmem_shared>>
      tpu.wait_dma2 semaphore(%run_scoped3A : memref<!tpu.dma_semaphore, #tpu.memory_space<semaphore_mem>>) src(%dma_wait3A_35 : memref<320xf32, #tpu.memory_space<vmem_shared>>) dst(%arg6 : memref<320xf32, #tpu.memory_space<vmem>>)
      tpu.yield
    }) : () -> ()
    %mul3A_29 = arith.constant 5120 : i32
    %mul3A_30 = arith.muli %arg0, %mul3A_29 : i32
    %mul3A_31 = arith.constant 320 : i32
    %mul3A_32 = arith.muli %arg1, %mul3A_31 : i32
    %add3A_33 = arith.addi %mul3A_30, %mul3A_32 : i32
    "tpu.region"() ({
      %run_scoped3A = tpu.sem_alloc : memref<!tpu.dma_semaphore, #tpu.memory_space<semaphore_mem>>
      %dma_start3A = tpu.memref_slice %arg3[%add3A_33] : memref<10240xf32, #tpu.memory_space<hbm>> -> memref<320xf32, #tpu.memory_space<hbm>>
      %dma_start3A_34 = tpu.memref_slice %arg3[%add3A_33] : memref<10240xf32, #tpu.memory_space<hbm>> -> memref<320xf32, #tpu.memory_space<hbm>>
      tpu.enqueue_dma source(%arg6 : memref<320xf32, #tpu.memory_space<vmem>>) target(%dma_start3A_34 : memref<320xf32, #tpu.memory_space<hbm>>) target_semaphore(%run_scoped3A : memref<!tpu.dma_semaphore, #tpu.memory_space<semaphore_mem>>)
      %dma_wait3A = tpu.memref_slice %arg3[%add3A_33] : memref<10240xf32, #tpu.memory_space<hbm>> -> memref<320xf32, #tpu.memory_space<hbm>>
      %dma_wait3A_35 = tpu.memref_slice %arg3[%add3A_33] : memref<10240xf32, #tpu.memory_space<hbm>> -> memref<320xf32, #tpu.memory_space<hbm>>
      tpu.wait_dma2 semaphore(%run_scoped3A : memref<!tpu.dma_semaphore, #tpu.memory_space<semaphore_mem>>) src(%arg6 : memref<320xf32, #tpu.memory_space<vmem>>) dst(%dma_wait3A_35 : memref<320xf32, #tpu.memory_space<hbm>>)
      tpu.yield
    }) : () -> ()
    return
  }
}

#map = affine_map<(d0, d1) -> (0, 0)>
#map1 = affine_map<(d0, d1) -> (0, 0, 0, 0)>
module attributes {stable_mosaic.version = 14 : i64} {
  func.func @k(%arg0: i32, %arg1: i32, %arg2: memref<10240x128xf32, #tpu.memory_space<hbm>>, %arg3: memref<32x2x80x128xi32, #tpu.memory_space<hbm>>, %arg4: memref<32x2x80x128xi32, #tpu.memory_space<hbm>>, %arg5: memref<10240x128xf32, #tpu.memory_space<hbm>>, %arg6: memref<80x128xi32, #tpu.memory_space<vmem>>, %arg7: memref<80x128xi32, #tpu.memory_space<vmem>>, %arg8: memref<4x128x128xf32, #tpu.memory_space<vmem>>, %arg9: memref<20x128xf32, #tpu.memory_space<vmem>>, %arg10: memref<5120x128xf32, #tpu.memory_space<vmem_shared>>, %arg11: memref<!tpu.dma_semaphore, #tpu.memory_space<semaphore_mem>>, %arg12: memref<!tpu.dma_semaphore, #tpu.memory_space<semaphore_mem>>) attributes {dimension_semantics = [#tpu.dimension_semantics<core_parallel>, #tpu.dimension_semantics<subcore_parallel>], iteration_bounds = array<i64: 2, 16>, scalar_prefetch = 0 : i64, scratch_operands = 7 : i64, tpu.core_type = #tpu.core_type<sc_vector_subcore>, window_params = [{transform_indices = #map}, {transform_indices = #map1}, {transform_indices = #map1}, {transform_indices = #map}]} {
    %mul3A = arith.constant 16 : i32
    %mul3A_0 = arith.muli %arg0, %mul3A : i32
    %add3A = arith.addi %mul3A_0, %arg1 : i32
    %broadcast_in_dim3A = arith.constant 0.000000e+00 : f32
    %broadcast_in_dim3A_1 = vector.broadcast %broadcast_in_dim3A : f32 to vector<16xf32>
    %scan3A = arith.constant 0 : i32
    %scan3A_2 = arith.constant 0 : i32
    %scan3A_3 = arith.constant 20 : i32
    %scan3A_4 = arith.addi %scan3A_2, %scan3A_3 : i32
    %scan3A_5 = arith.constant 1 : i32
    %scan3A_6 = scf.for %scan3A_30 = %scan3A_2 to %scan3A_4 step %scan3A_5 iter_args(%scan3A_31 = %scan3A) -> (i32)  : i32 {
      %swap3A = arith.index_cast %scan3A_30 : i32 to index
      %swap3A_32 = arith.constant 0 : index
      %swap3A_33 = tpu.vector_load %arg9[%swap3A, %swap3A_32] {strides = array<i32>} : memref<20x128xf32, #tpu.memory_space<vmem>>, vector<1x16xf32>,
      %swap3A_34 = vector.shape_cast %swap3A_33 : vector<1x16xf32> to vector<16xf32>
      %swap3A_35 = vector.shape_cast %broadcast_in_dim3A_1 : vector<16xf32> to vector<1x16xf32>
      tpu.vector_store %arg9[%swap3A, %swap3A_32], %swap3A_35 {strides = array<i32>} : memref<20x128xf32, #tpu.memory_space<vmem>>, vector<1x16xf32>,
      %swap3A_36 = arith.index_cast %scan3A_30 : i32 to index
      %swap3A_37 = arith.constant 16 : index
      %swap3A_38 = tpu.vector_load %arg9[%swap3A_36, %swap3A_37] {strides = array<i32>} : memref<20x128xf32, #tpu.memory_space<vmem>>, vector<1x16xf32>,
      %swap3A_39 = vector.shape_cast %swap3A_38 : vector<1x16xf32> to vector<16xf32>
      %swap3A_40 = vector.shape_cast %broadcast_in_dim3A_1 : vector<16xf32> to vector<1x16xf32>
      tpu.vector_store %arg9[%swap3A_36, %swap3A_37], %swap3A_40 {strides = array<i32>} : memref<20x128xf32, #tpu.memory_space<vmem>>, vector<1x16xf32>,
      %swap3A_41 = arith.index_cast %scan3A_30 : i32 to index
      %swap3A_42 = arith.constant 32 : index
      %swap3A_43 = tpu.vector_load %arg9[%swap3A_41, %swap3A_42] {strides = array<i32>} : memref<20x128xf32, #tpu.memory_space<vmem>>, vector<1x16xf32>,
      %swap3A_44 = vector.shape_cast %swap3A_43 : vector<1x16xf32> to vector<16xf32>
      %swap3A_45 = vector.shape_cast %broadcast_in_dim3A_1 : vector<16xf32> to vector<1x16xf32>
      tpu.vector_store %arg9[%swap3A_41, %swap3A_42], %swap3A_45 {strides = array<i32>} : memref<20x128xf32, #tpu.memory_space<vmem>>, vector<1x16xf32>,
      %swap3A_46 = arith.index_cast %scan3A_30 : i32 to index
      %swap3A_47 = arith.constant 48 : index
      %swap3A_48 = tpu.vector_load %arg9[%swap3A_46, %swap3A_47] {strides = array<i32>} : memref<20x128xf32, #tpu.memory_space<vmem>>, vector<1x16xf32>,
      %swap3A_49 = vector.shape_cast %swap3A_48 : vector<1x16xf32> to vector<16xf32>
      %swap3A_50 = vector.shape_cast %broadcast_in_dim3A_1 : vector<16xf32> to vector<1x16xf32>
      tpu.vector_store %arg9[%swap3A_46, %swap3A_47], %swap3A_50 {strides = array<i32>} : memref<20x128xf32, #tpu.memory_space<vmem>>, vector<1x16xf32>,
      %swap3A_51 = arith.index_cast %scan3A_30 : i32 to index
      %swap3A_52 = arith.constant 64 : index
      %swap3A_53 = tpu.vector_load %arg9[%swap3A_51, %swap3A_52] {strides = array<i32>} : memref<20x128xf32, #tpu.memory_space<vmem>>, vector<1x16xf32>,
      %swap3A_54 = vector.shape_cast %swap3A_53 : vector<1x16xf32> to vector<16xf32>
      %swap3A_55 = vector.shape_cast %broadcast_in_dim3A_1 : vector<16xf32> to vector<1x16xf32>
      tpu.vector_store %arg9[%swap3A_51, %swap3A_52], %swap3A_55 {strides = array<i32>} : memref<20x128xf32, #tpu.memory_space<vmem>>, vector<1x16xf32>,
      %swap3A_56 = arith.index_cast %scan3A_30 : i32 to index
      %swap3A_57 = arith.constant 80 : index
      %swap3A_58 = tpu.vector_load %arg9[%swap3A_56, %swap3A_57] {strides = array<i32>} : memref<20x128xf32, #tpu.memory_space<vmem>>, vector<1x16xf32>,
      %swap3A_59 = vector.shape_cast %swap3A_58 : vector<1x16xf32> to vector<16xf32>
      %swap3A_60 = vector.shape_cast %broadcast_in_dim3A_1 : vector<16xf32> to vector<1x16xf32>
      tpu.vector_store %arg9[%swap3A_56, %swap3A_57], %swap3A_60 {strides = array<i32>} : memref<20x128xf32, #tpu.memory_space<vmem>>, vector<1x16xf32>,
      %swap3A_61 = arith.index_cast %scan3A_30 : i32 to index
      %swap3A_62 = arith.constant 96 : index
      %swap3A_63 = tpu.vector_load %arg9[%swap3A_61, %swap3A_62] {strides = array<i32>} : memref<20x128xf32, #tpu.memory_space<vmem>>, vector<1x16xf32>,
      %swap3A_64 = vector.shape_cast %swap3A_63 : vector<1x16xf32> to vector<16xf32>
      %swap3A_65 = vector.shape_cast %broadcast_in_dim3A_1 : vector<16xf32> to vector<1x16xf32>
      tpu.vector_store %arg9[%swap3A_61, %swap3A_62], %swap3A_65 {strides = array<i32>} : memref<20x128xf32, #tpu.memory_space<vmem>>, vector<1x16xf32>,
      %swap3A_66 = arith.index_cast %scan3A_30 : i32 to index
      %swap3A_67 = arith.constant 112 : index
      %swap3A_68 = tpu.vector_load %arg9[%swap3A_66, %swap3A_67] {strides = array<i32>} : memref<20x128xf32, #tpu.memory_space<vmem>>, vector<1x16xf32>,
      %swap3A_69 = vector.shape_cast %swap3A_68 : vector<1x16xf32> to vector<16xf32>
      %swap3A_70 = vector.shape_cast %broadcast_in_dim3A_1 : vector<16xf32> to vector<1x16xf32>
      tpu.vector_store %arg9[%swap3A_66, %swap3A_67], %swap3A_70 {strides = array<i32>} : memref<20x128xf32, #tpu.memory_space<vmem>>, vector<1x16xf32>,
      %scan3A_71 = arith.constant 0 : i32
      scf.yield %scan3A_71 : i32
    }
    %scan3A_7 = arith.constant 20 : i32
    %scan3A_8 = arith.constant 0 : i32
    %scan3A_9 = arith.constant 0 : i32
    %scan3A_10 = arith.constant 16 : i32
    %scan3A_11 = arith.addi %scan3A_9, %scan3A_10 : i32
    %scan3A_12 = arith.constant 1 : i32
    %scan3A_13 = scf.for %scan3A_30 = %scan3A_9 to %scan3A_11 step %scan3A_12 iter_args(%scan3A_31 = %scan3A_8) -> (i32)  : i32 {
      %mul3A_32 = arith.constant 320 : i32
      %mul3A_33 = arith.muli %arg1, %mul3A_32 : i32
      %mul3A_34 = arith.constant 20 : i32
      %mul3A_35 = arith.muli %scan3A_30, %mul3A_34 : i32
      %add3A_36 = arith.addi %mul3A_33, %mul3A_35 : i32
      "tpu.region"() ({
        %run_scoped3A = tpu.sem_alloc : memref<!tpu.dma_semaphore, #tpu.memory_space<semaphore_mem>>
        %dma_start3A = arith.constant 0 : i32
        %dma_start3A_38 = tpu.memref_slice %arg10[%add3A_36, %dma_start3A] : memref<5120x128xf32, #tpu.memory_space<vmem_shared>> -> memref<20x128xf32, #tpu.memory_space<vmem_shared>>
        %dma_start3A_39 = arith.constant 0 : i32
        %dma_start3A_40 = tpu.memref_slice %arg10[%add3A_36, %dma_start3A_39] : memref<5120x128xf32, #tpu.memory_space<vmem_shared>> -> memref<20x128xf32, #tpu.memory_space<vmem_shared>>
        tpu.enqueue_dma source(%arg9 : memref<20x128xf32, #tpu.memory_space<vmem>>) target(%dma_start3A_40 : memref<20x128xf32, #tpu.memory_space<vmem_shared>>) target_semaphore(%run_scoped3A : memref<!tpu.dma_semaphore, #tpu.memory_space<semaphore_mem>>)
        %dma_wait3A = arith.constant 0 : i32
        %dma_wait3A_41 = tpu.memref_slice %arg10[%add3A_36, %dma_wait3A] : memref<5120x128xf32, #tpu.memory_space<vmem_shared>> -> memref<20x128xf32, #tpu.memory_space<vmem_shared>>
        %dma_wait3A_42 = arith.constant 0 : i32
        %dma_wait3A_43 = tpu.memref_slice %arg10[%add3A_36, %dma_wait3A_42] : memref<5120x128xf32, #tpu.memory_space<vmem_shared>> -> memref<20x128xf32, #tpu.memory_space<vmem_shared>>
        tpu.wait_dma2 semaphore(%run_scoped3A : memref<!tpu.dma_semaphore, #tpu.memory_space<semaphore_mem>>) src(%arg9 : memref<20x128xf32, #tpu.memory_space<vmem>>) dst(%dma_wait3A_43 : memref<20x128xf32, #tpu.memory_space<vmem_shared>>)
        tpu.yield
      }) : () -> ()
      %scan3A_37 = arith.constant 0 : i32
      scf.yield %scan3A_37 : i32
    }
    %scan3A_14 = arith.constant 16 : i32
    %barrier3A = arith.constant 0 : index
    tpu.barrier barrier_id(%barrier3A)
    %scan3A_15 = arith.constant 0 : i32
    %scan3A_16 = arith.constant 0 : i32
    %scan3A_17 = arith.constant 2 : i32
    %scan3A_18 = arith.addi %scan3A_16, %scan3A_17 : i32
    %scan3A_19 = arith.constant 1 : i32
    %scan3A_20 = scf.for %scan3A_30 = %scan3A_16 to %scan3A_18 step %scan3A_19 iter_args(%scan3A_31 = %scan3A_15) -> (i32)  : i32 {
      "tpu.region"() ({
        %run_scoped3A = tpu.sem_alloc : memref<!tpu.dma_semaphore, #tpu.memory_space<semaphore_mem>>
        %dma_start3A_238 = arith.constant 0 : i32
        %dma_start3A_239 = arith.constant 0 : i32
        %dma_start3A_240 = tpu.memref_slice %arg3[%add3A, %scan3A_30, %dma_start3A_238, %dma_start3A_239] : memref<32x2x80x128xi32, #tpu.memory_space<hbm>> -> memref<1x1x80x128xi32, #tpu.memory_space<hbm>>
        %dma_start3A_241 = tpu.memref_squeeze %dma_start3A_240 : memref<1x1x80x128xi32, #tpu.memory_space<hbm>> -> memref<80x128xi32, #tpu.memory_space<hbm>>
        %dma_start3A_242 = arith.constant 0 : i32
        %dma_start3A_243 = arith.constant 0 : i32
        %dma_start3A_244 = tpu.memref_slice %arg3[%add3A, %scan3A_30, %dma_start3A_242, %dma_start3A_243] : memref<32x2x80x128xi32, #tpu.memory_space<hbm>> -> memref<1x1x80x128xi32, #tpu.memory_space<hbm>>
        %dma_start3A_245 = tpu.memref_squeeze %dma_start3A_244 : memref<1x1x80x128xi32, #tpu.memory_space<hbm>> -> memref<80x128xi32, #tpu.memory_space<hbm>>
        tpu.enqueue_dma source(%dma_start3A_245 : memref<80x128xi32, #tpu.memory_space<hbm>>) target(%arg6 : memref<80x128xi32, #tpu.memory_space<vmem>>) target_semaphore(%run_scoped3A : memref<!tpu.dma_semaphore, #tpu.memory_space<semaphore_mem>>)
        %dma_wait3A_246 = arith.constant 0 : i32
        %dma_wait3A_247 = arith.constant 0 : i32
        %dma_wait3A_248 = tpu.memref_slice %arg3[%add3A, %scan3A_30, %dma_wait3A_246, %dma_wait3A_247] : memref<32x2x80x128xi32, #tpu.memory_space<hbm>> -> memref<1x1x80x128xi32, #tpu.memory_space<hbm>>
        %dma_wait3A_249 = tpu.memref_squeeze %dma_wait3A_248 : memref<1x1x80x128xi32, #tpu.memory_space<hbm>> -> memref<80x128xi32, #tpu.memory_space<hbm>>
        %dma_wait3A_250 = arith.constant 0 : i32
        %dma_wait3A_251 = arith.constant 0 : i32
        %dma_wait3A_252 = tpu.memref_slice %arg3[%add3A, %scan3A_30, %dma_wait3A_250, %dma_wait3A_251] : memref<32x2x80x128xi32, #tpu.memory_space<hbm>> -> memref<1x1x80x128xi32, #tpu.memory_space<hbm>>
        %dma_wait3A_253 = tpu.memref_squeeze %dma_wait3A_252 : memref<1x1x80x128xi32, #tpu.memory_space<hbm>> -> memref<80x128xi32, #tpu.memory_space<hbm>>
        tpu.wait_dma2 semaphore(%run_scoped3A : memref<!tpu.dma_semaphore, #tpu.memory_space<semaphore_mem>>) src(%dma_wait3A_253 : memref<80x128xi32, #tpu.memory_space<hbm>>) dst(%arg6 : memref<80x128xi32, #tpu.memory_space<vmem>>)
        tpu.yield
      }) : () -> ()
      "tpu.region"() ({
        %run_scoped3A = tpu.sem_alloc : memref<!tpu.dma_semaphore, #tpu.memory_space<semaphore_mem>>
        %dma_start3A_238 = arith.constant 0 : i32
        %dma_start3A_239 = arith.constant 0 : i32
        %dma_start3A_240 = tpu.memref_slice %arg4[%add3A, %scan3A_30, %dma_start3A_238, %dma_start3A_239] : memref<32x2x80x128xi32, #tpu.memory_space<hbm>> -> memref<1x1x80x128xi32, #tpu.memory_space<hbm>>
        %dma_start3A_241 = tpu.memref_squeeze %dma_start3A_240 : memref<1x1x80x128xi32, #tpu.memory_space<hbm>> -> memref<80x128xi32, #tpu.memory_space<hbm>>
        %dma_start3A_242 = arith.constant 0 : i32
        %dma_start3A_243 = arith.constant 0 : i32
        %dma_start3A_244 = tpu.memref_slice %arg4[%add3A, %scan3A_30, %dma_start3A_242, %dma_start3A_243] : memref<32x2x80x128xi32, #tpu.memory_space<hbm>> -> memref<1x1x80x128xi32, #tpu.memory_space<hbm>>
        %dma_start3A_245 = tpu.memref_squeeze %dma_start3A_244 : memref<1x1x80x128xi32, #tpu.memory_space<hbm>> -> memref<80x128xi32, #tpu.memory_space<hbm>>
        tpu.enqueue_dma source(%dma_start3A_245 : memref<80x128xi32, #tpu.memory_space<hbm>>) target(%arg7 : memref<80x128xi32, #tpu.memory_space<vmem>>) target_semaphore(%run_scoped3A : memref<!tpu.dma_semaphore, #tpu.memory_space<semaphore_mem>>)
        %dma_wait3A_246 = arith.constant 0 : i32
        %dma_wait3A_247 = arith.constant 0 : i32
        %dma_wait3A_248 = tpu.memref_slice %arg4[%add3A, %scan3A_30, %dma_wait3A_246, %dma_wait3A_247] : memref<32x2x80x128xi32, #tpu.memory_space<hbm>> -> memref<1x1x80x128xi32, #tpu.memory_space<hbm>>
        %dma_wait3A_249 = tpu.memref_squeeze %dma_wait3A_248 : memref<1x1x80x128xi32, #tpu.memory_space<hbm>> -> memref<80x128xi32, #tpu.memory_space<hbm>>
        %dma_wait3A_250 = arith.constant 0 : i32
        %dma_wait3A_251 = arith.constant 0 : i32
        %dma_wait3A_252 = tpu.memref_slice %arg4[%add3A, %scan3A_30, %dma_wait3A_250, %dma_wait3A_251] : memref<32x2x80x128xi32, #tpu.memory_space<hbm>> -> memref<1x1x80x128xi32, #tpu.memory_space<hbm>>
        %dma_wait3A_253 = tpu.memref_squeeze %dma_wait3A_252 : memref<1x1x80x128xi32, #tpu.memory_space<hbm>> -> memref<80x128xi32, #tpu.memory_space<hbm>>
        tpu.wait_dma2 semaphore(%run_scoped3A : memref<!tpu.dma_semaphore, #tpu.memory_space<semaphore_mem>>) src(%dma_wait3A_253 : memref<80x128xi32, #tpu.memory_space<hbm>>) dst(%arg7 : memref<80x128xi32, #tpu.memory_space<vmem>>)
        tpu.yield
      }) : () -> ()
      %dma_start3A = arith.constant 0 : i32
      %dma_start3A_32 = arith.constant 0 : i32
      %dma_start3A_33 = arith.constant 0 : i32
      %dma_start3A_34 = arith.constant 0 : i32
      %dma_start3A_35 = tpu.memref_slice %arg8[%dma_start3A_32, %dma_start3A_33, %dma_start3A_34] : memref<4x128x128xf32, #tpu.memory_space<vmem>> -> memref<1x128x128xf32, #tpu.memory_space<vmem>>
      %dma_start3A_36 = tpu.memref_squeeze %dma_start3A_35 : memref<1x128x128xf32, #tpu.memory_space<vmem>> -> memref<128x128xf32, #tpu.memory_space<vmem>>
      %dma_start3A_37 = arith.constant 0 : i32
      %dma_start3A_38 = tpu.memref_slice %arg6[%dma_start3A, %dma_start3A_37] : memref<80x128xi32, #tpu.memory_space<vmem>> -> memref<1x128xi32, #tpu.memory_space<vmem>>
      %dma_start3A_39 = tpu.memref_squeeze %dma_start3A_38 : memref<1x128xi32, #tpu.memory_space<vmem>> -> memref<128xi32, #tpu.memory_space<vmem>>
      %dma_start3A_40 = arith.constant 0 : i32
      %dma_start3A_41 = arith.constant 0 : i32
      %dma_start3A_42 = tpu.memref_slice %arg2[%dma_start3A_40, %dma_start3A_41] : memref<10240x128xf32, #tpu.memory_space<hbm>> -> memref<10240x128xf32, #tpu.memory_space<hbm>>
      %dma_start3A_43 = arith.constant -1 : i32
      tpu.enqueue_indirect_dma source(%dma_start3A_42 : memref<10240x128xf32, #tpu.memory_space<hbm>>) target(%dma_start3A_36 : memref<128x128xf32, #tpu.memory_space<vmem>>) offsets(%dma_start3A_39 : memref<128xi32, #tpu.memory_space<vmem>>) offset_filter(%dma_start3A_43) semaphore(%arg11 : memref<!tpu.dma_semaphore, #tpu.memory_space<semaphore_mem>>)
      %dma_start3A_44 = arith.constant 1 : i32
      %dma_start3A_45 = arith.constant 1 : i32
      %dma_start3A_46 = arith.constant 0 : i32
      %dma_start3A_47 = arith.constant 0 : i32
      %dma_start3A_48 = tpu.memref_slice %arg8[%dma_start3A_45, %dma_start3A_46, %dma_start3A_47] : memref<4x128x128xf32, #tpu.memory_space<vmem>> -> memref<1x128x128xf32, #tpu.memory_space<vmem>>
      %dma_start3A_49 = tpu.memref_squeeze %dma_start3A_48 : memref<1x128x128xf32, #tpu.memory_space<vmem>> -> memref<128x128xf32, #tpu.memory_space<vmem>>
      %dma_start3A_50 = arith.constant 0 : i32
      %dma_start3A_51 = tpu.memref_slice %arg6[%dma_start3A_44, %dma_start3A_50] : memref<80x128xi32, #tpu.memory_space<vmem>> -> memref<1x128xi32, #tpu.memory_space<vmem>>
      %dma_start3A_52 = tpu.memref_squeeze %dma_start3A_51 : memref<1x128xi32, #tpu.memory_space<vmem>> -> memref<128xi32, #tpu.memory_space<vmem>>
      %dma_start3A_53 = arith.constant 0 : i32
      %dma_start3A_54 = arith.constant 0 : i32
      %dma_start3A_55 = tpu.memref_slice %arg2[%dma_start3A_53, %dma_start3A_54] : memref<10240x128xf32, #tpu.memory_space<hbm>> -> memref<10240x128xf32, #tpu.memory_space<hbm>>
      %dma_start3A_56 = arith.constant -1 : i32
      tpu.enqueue_indirect_dma source(%dma_start3A_55 : memref<10240x128xf32, #tpu.memory_space<hbm>>) target(%dma_start3A_49 : memref<128x128xf32, #tpu.memory_space<vmem>>) offsets(%dma_start3A_52 : memref<128xi32, #tpu.memory_space<vmem>>) offset_filter(%dma_start3A_56) semaphore(%arg11 : memref<!tpu.dma_semaphore, #tpu.memory_space<semaphore_mem>>)
      %dma_start3A_57 = arith.constant 2 : i32
      %dma_start3A_58 = arith.constant 2 : i32
      %dma_start3A_59 = arith.constant 0 : i32
      %dma_start3A_60 = arith.constant 0 : i32
      %dma_start3A_61 = tpu.memref_slice %arg8[%dma_start3A_58, %dma_start3A_59, %dma_start3A_60] : memref<4x128x128xf32, #tpu.memory_space<vmem>> -> memref<1x128x128xf32, #tpu.memory_space<vmem>>
      %dma_start3A_62 = tpu.memref_squeeze %dma_start3A_61 : memref<1x128x128xf32, #tpu.memory_space<vmem>> -> memref<128x128xf32, #tpu.memory_space<vmem>>
      %dma_start3A_63 = arith.constant 0 : i32
      %dma_start3A_64 = tpu.memref_slice %arg6[%dma_start3A_57, %dma_start3A_63] : memref<80x128xi32, #tpu.memory_space<vmem>> -> memref<1x128xi32, #tpu.memory_space<vmem>>
      %dma_start3A_65 = tpu.memref_squeeze %dma_start3A_64 : memref<1x128xi32, #tpu.memory_space<vmem>> -> memref<128xi32, #tpu.memory_space<vmem>>
      %dma_start3A_66 = arith.constant 0 : i32
      %dma_start3A_67 = arith.constant 0 : i32
      %dma_start3A_68 = tpu.memref_slice %arg2[%dma_start3A_66, %dma_start3A_67] : memref<10240x128xf32, #tpu.memory_space<hbm>> -> memref<10240x128xf32, #tpu.memory_space<hbm>>
      %dma_start3A_69 = arith.constant -1 : i32
      tpu.enqueue_indirect_dma source(%dma_start3A_68 : memref<10240x128xf32, #tpu.memory_space<hbm>>) target(%dma_start3A_62 : memref<128x128xf32, #tpu.memory_space<vmem>>) offsets(%dma_start3A_65 : memref<128xi32, #tpu.memory_space<vmem>>) offset_filter(%dma_start3A_69) semaphore(%arg11 : memref<!tpu.dma_semaphore, #tpu.memory_space<semaphore_mem>>)
      %dma_start3A_70 = arith.constant 3 : i32
      %dma_start3A_71 = arith.constant 3 : i32
      %dma_start3A_72 = arith.constant 0 : i32
      %dma_start3A_73 = arith.constant 0 : i32
      %dma_start3A_74 = tpu.memref_slice %arg8[%dma_start3A_71, %dma_start3A_72, %dma_start3A_73] : memref<4x128x128xf32, #tpu.memory_space<vmem>> -> memref<1x128x128xf32, #tpu.memory_space<vmem>>
      %dma_start3A_75 = tpu.memref_squeeze %dma_start3A_74 : memref<1x128x128xf32, #tpu.memory_space<vmem>> -> memref<128x128xf32, #tpu.memory_space<vmem>>
      %dma_start3A_76 = arith.constant 0 : i32
      %dma_start3A_77 = tpu.memref_slice %arg6[%dma_start3A_70, %dma_start3A_76] : memref<80x128xi32, #tpu.memory_space<vmem>> -> memref<1x128xi32, #tpu.memory_space<vmem>>
      %dma_start3A_78 = tpu.memref_squeeze %dma_start3A_77 : memref<1x128xi32, #tpu.memory_space<vmem>> -> memref<128xi32, #tpu.memory_space<vmem>>
      %dma_start3A_79 = arith.constant 0 : i32
      %dma_start3A_80 = arith.constant 0 : i32
      %dma_start3A_81 = tpu.memref_slice %arg2[%dma_start3A_79, %dma_start3A_80] : memref<10240x128xf32, #tpu.memory_space<hbm>> -> memref<10240x128xf32, #tpu.memory_space<hbm>>
      %dma_start3A_82 = arith.constant -1 : i32
      tpu.enqueue_indirect_dma source(%dma_start3A_81 : memref<10240x128xf32, #tpu.memory_space<hbm>>) target(%dma_start3A_75 : memref<128x128xf32, #tpu.memory_space<vmem>>) offsets(%dma_start3A_78 : memref<128xi32, #tpu.memory_space<vmem>>) offset_filter(%dma_start3A_82) semaphore(%arg11 : memref<!tpu.dma_semaphore, #tpu.memory_space<semaphore_mem>>)
      %dma_wait3A = arith.constant 0 : i32
      %dma_wait3A_83 = arith.constant 0 : i32
      %dma_wait3A_84 = arith.constant 0 : i32
      %dma_wait3A_85 = arith.constant 0 : i32
      %dma_wait3A_86 = tpu.memref_slice %arg8[%dma_wait3A_83, %dma_wait3A_84, %dma_wait3A_85] : memref<4x128x128xf32, #tpu.memory_space<vmem>> -> memref<1x128x128xf32, #tpu.memory_space<vmem>>
      %dma_wait3A_87 = tpu.memref_squeeze %dma_wait3A_86 : memref<1x128x128xf32, #tpu.memory_space<vmem>> -> memref<128x128xf32, #tpu.memory_space<vmem>>
      %dma_wait3A_88 = arith.constant 0 : i32
      %dma_wait3A_89 = tpu.memref_slice %arg6[%dma_wait3A, %dma_wait3A_88] : memref<80x128xi32, #tpu.memory_space<vmem>> -> memref<1x128xi32, #tpu.memory_space<vmem>>
      %dma_wait3A_90 = tpu.memref_squeeze %dma_wait3A_89 : memref<1x128xi32, #tpu.memory_space<vmem>> -> memref<128xi32, #tpu.memory_space<vmem>>
      %dma_wait3A_91 = arith.constant 0 : i32
      %dma_wait3A_92 = arith.constant 0 : i32
      %dma_wait3A_93 = tpu.memref_slice %arg2[%dma_wait3A_91, %dma_wait3A_92] : memref<10240x128xf32, #tpu.memory_space<hbm>> -> memref<10240x128xf32, #tpu.memory_space<hbm>>
      tpu.wait_indirect_dma semaphore(%arg11 : memref<!tpu.dma_semaphore, #tpu.memory_space<semaphore_mem>>) src(%dma_wait3A_93 : memref<10240x128xf32, #tpu.memory_space<hbm>>) dst(%dma_wait3A_87 : memref<128x128xf32, #tpu.memory_space<vmem>>)
      %dma_start3A_94 = arith.constant 0 : i32
      %dma_start3A_95 = arith.constant 0 : i32
      %dma_start3A_96 = arith.constant 0 : i32
      %dma_start3A_97 = arith.constant 0 : i32
      %dma_start3A_98 = tpu.memref_slice %arg8[%dma_start3A_94, %dma_start3A_96, %dma_start3A_97] : memref<4x128x128xf32, #tpu.memory_space<vmem>> -> memref<1x128x128xf32, #tpu.memory_space<vmem>>
      %dma_start3A_99 = tpu.memref_squeeze %dma_start3A_98 : memref<1x128x128xf32, #tpu.memory_space<vmem>> -> memref<128x128xf32, #tpu.memory_space<vmem>>
      %dma_start3A_100 = arith.constant 0 : i32
      %dma_start3A_101 = tpu.memref_slice %arg7[%dma_start3A_95, %dma_start3A_100] : memref<80x128xi32, #tpu.memory_space<vmem>> -> memref<1x128xi32, #tpu.memory_space<vmem>>
      %dma_start3A_102 = tpu.memref_squeeze %dma_start3A_101 : memref<1x128xi32, #tpu.memory_space<vmem>> -> memref<128xi32, #tpu.memory_space<vmem>>
      %dma_start3A_103 = arith.constant 0 : i32
      %dma_start3A_104 = arith.constant 0 : i32
      %dma_start3A_105 = tpu.memref_slice %arg10[%dma_start3A_103, %dma_start3A_104] : memref<5120x128xf32, #tpu.memory_space<vmem_shared>> -> memref<5120x128xf32, #tpu.memory_space<vmem_shared>>
      %dma_start3A_106 = arith.constant -1 : i32
      tpu.enqueue_indirect_dma source(%dma_start3A_99 : memref<128x128xf32, #tpu.memory_space<vmem>>) target(%dma_start3A_105 : memref<5120x128xf32, #tpu.memory_space<vmem_shared>>) offsets(%dma_start3A_102 : memref<128xi32, #tpu.memory_space<vmem>>) offset_filter(%dma_start3A_106) semaphore(%arg12 : memref<!tpu.dma_semaphore, #tpu.memory_space<semaphore_mem>>) {add = true}
      %dma_wait3A_107 = arith.constant 0 : i32
      %dma_wait3A_108 = arith.constant 1 : i32
      %dma_wait3A_109 = arith.constant 0 : i32
      %dma_wait3A_110 = arith.constant 0 : i32
      %dma_wait3A_111 = tpu.memref_slice %arg8[%dma_wait3A_108, %dma_wait3A_109, %dma_wait3A_110] : memref<4x128x128xf32, #tpu.memory_space<vmem>> -> memref<1x128x128xf32, #tpu.memory_space<vmem>>
      %dma_wait3A_112 = tpu.memref_squeeze %dma_wait3A_111 : memref<1x128x128xf32, #tpu.memory_space<vmem>> -> memref<128x128xf32, #tpu.memory_space<vmem>>
      %dma_wait3A_113 = arith.constant 0 : i32
      %dma_wait3A_114 = tpu.memref_slice %arg6[%dma_wait3A_107, %dma_wait3A_113] : memref<80x128xi32, #tpu.memory_space<vmem>> -> memref<1x128xi32, #tpu.memory_space<vmem>>
      %dma_wait3A_115 = tpu.memref_squeeze %dma_wait3A_114 : memref<1x128xi32, #tpu.memory_space<vmem>> -> memref<128xi32, #tpu.memory_space<vmem>>
      %dma_wait3A_116 = arith.constant 0 : i32
      %dma_wait3A_117 = arith.constant 0 : i32
      %dma_wait3A_118 = tpu.memref_slice %arg2[%dma_wait3A_116, %dma_wait3A_117] : memref<10240x128xf32, #tpu.memory_space<hbm>> -> memref<10240x128xf32, #tpu.memory_space<hbm>>
      tpu.wait_indirect_dma semaphore(%arg11 : memref<!tpu.dma_semaphore, #tpu.memory_space<semaphore_mem>>) src(%dma_wait3A_118 : memref<10240x128xf32, #tpu.memory_space<hbm>>) dst(%dma_wait3A_112 : memref<128x128xf32, #tpu.memory_space<vmem>>)
      %dma_start3A_119 = arith.constant 1 : i32
      %dma_start3A_120 = arith.constant 1 : i32
      %dma_start3A_121 = arith.constant 0 : i32
      %dma_start3A_122 = arith.constant 0 : i32
      %dma_start3A_123 = tpu.memref_slice %arg8[%dma_start3A_119, %dma_start3A_121, %dma_start3A_122] : memref<4x128x128xf32, #tpu.memory_space<vmem>> -> memref<1x128x128xf32, #tpu.memory_space<vmem>>
      %dma_start3A_124 = tpu.memref_squeeze %dma_start3A_123 : memref<1x128x128xf32, #tpu.memory_space<vmem>> -> memref<128x128xf32, #tpu.memory_space<vmem>>
      %dma_start3A_125 = arith.constant 0 : i32
      %dma_start3A_126 = tpu.memref_slice %arg7[%dma_start3A_120, %dma_start3A_125] : memref<80x128xi32, #tpu.memory_space<vmem>> -> memref<1x128xi32, #tpu.memory_space<vmem>>
      %dma_start3A_127 = tpu.memref_squeeze %dma_start3A_126 : memref<1x128xi32, #tpu.memory_space<vmem>> -> memref<128xi32, #tpu.memory_space<vmem>>
      %dma_start3A_128 = arith.constant 0 : i32
      %dma_start3A_129 = arith.constant 0 : i32
      %dma_start3A_130 = tpu.memref_slice %arg10[%dma_start3A_128, %dma_start3A_129] : memref<5120x128xf32, #tpu.memory_space<vmem_shared>> -> memref<5120x128xf32, #tpu.memory_space<vmem_shared>>
      %dma_start3A_131 = arith.constant -1 : i32
      tpu.enqueue_indirect_dma source(%dma_start3A_124 : memref<128x128xf32, #tpu.memory_space<vmem>>) target(%dma_start3A_130 : memref<5120x128xf32, #tpu.memory_space<vmem_shared>>) offsets(%dma_start3A_127 : memref<128xi32, #tpu.memory_space<vmem>>) offset_filter(%dma_start3A_131) semaphore(%arg12 : memref<!tpu.dma_semaphore, #tpu.memory_space<semaphore_mem>>) {add = true}
      %dma_wait3A_132 = arith.constant 0 : i32
      %dma_wait3A_133 = arith.constant 2 : i32
      %dma_wait3A_134 = arith.constant 0 : i32
      %dma_wait3A_135 = arith.constant 0 : i32
      %dma_wait3A_136 = tpu.memref_slice %arg8[%dma_wait3A_133, %dma_wait3A_134, %dma_wait3A_135] : memref<4x128x128xf32, #tpu.memory_space<vmem>> -> memref<1x128x128xf32, #tpu.memory_space<vmem>>
      %dma_wait3A_137 = tpu.memref_squeeze %dma_wait3A_136 : memref<1x128x128xf32, #tpu.memory_space<vmem>> -> memref<128x128xf32, #tpu.memory_space<vmem>>
      %dma_wait3A_138 = arith.constant 0 : i32
      %dma_wait3A_139 = tpu.memref_slice %arg6[%dma_wait3A_132, %dma_wait3A_138] : memref<80x128xi32, #tpu.memory_space<vmem>> -> memref<1x128xi32, #tpu.memory_space<vmem>>
      %dma_wait3A_140 = tpu.memref_squeeze %dma_wait3A_139 : memref<1x128xi32, #tpu.memory_space<vmem>> -> memref<128xi32, #tpu.memory_space<vmem>>
      %dma_wait3A_141 = arith.constant 0 : i32
      %dma_wait3A_142 = arith.constant 0 : i32
      %dma_wait3A_143 = tpu.memref_slice %arg2[%dma_wait3A_141, %dma_wait3A_142] : memref<10240x128xf32, #tpu.memory_space<hbm>> -> memref<10240x128xf32, #tpu.memory_space<hbm>>
      tpu.wait_indirect_dma semaphore(%arg11 : memref<!tpu.dma_semaphore, #tpu.memory_space<semaphore_mem>>) src(%dma_wait3A_143 : memref<10240x128xf32, #tpu.memory_space<hbm>>) dst(%dma_wait3A_137 : memref<128x128xf32, #tpu.memory_space<vmem>>)
      %dma_start3A_144 = arith.constant 2 : i32
      %dma_start3A_145 = arith.constant 2 : i32
      %dma_start3A_146 = arith.constant 0 : i32
      %dma_start3A_147 = arith.constant 0 : i32
      %dma_start3A_148 = tpu.memref_slice %arg8[%dma_start3A_144, %dma_start3A_146, %dma_start3A_147] : memref<4x128x128xf32, #tpu.memory_space<vmem>> -> memref<1x128x128xf32, #tpu.memory_space<vmem>>
      %dma_start3A_149 = tpu.memref_squeeze %dma_start3A_148 : memref<1x128x128xf32, #tpu.memory_space<vmem>> -> memref<128x128xf32, #tpu.memory_space<vmem>>
      %dma_start3A_150 = arith.constant 0 : i32
      %dma_start3A_151 = tpu.memref_slice %arg7[%dma_start3A_145, %dma_start3A_150] : memref<80x128xi32, #tpu.memory_space<vmem>> -> memref<1x128xi32, #tpu.memory_space<vmem>>
      %dma_start3A_152 = tpu.memref_squeeze %dma_start3A_151 : memref<1x128xi32, #tpu.memory_space<vmem>> -> memref<128xi32, #tpu.memory_space<vmem>>
      %dma_start3A_153 = arith.constant 0 : i32
      %dma_start3A_154 = arith.constant 0 : i32
      %dma_start3A_155 = tpu.memref_slice %arg10[%dma_start3A_153, %dma_start3A_154] : memref<5120x128xf32, #tpu.memory_space<vmem_shared>> -> memref<5120x128xf32, #tpu.memory_space<vmem_shared>>
      %dma_start3A_156 = arith.constant -1 : i32
      tpu.enqueue_indirect_dma source(%dma_start3A_149 : memref<128x128xf32, #tpu.memory_space<vmem>>) target(%dma_start3A_155 : memref<5120x128xf32, #tpu.memory_space<vmem_shared>>) offsets(%dma_start3A_152 : memref<128xi32, #tpu.memory_space<vmem>>) offset_filter(%dma_start3A_156) semaphore(%arg12 : memref<!tpu.dma_semaphore, #tpu.memory_space<semaphore_mem>>) {add = true}
      %dma_wait3A_157 = arith.constant 0 : i32
      %dma_wait3A_158 = arith.constant 3 : i32
      %dma_wait3A_159 = arith.constant 0 : i32
      %dma_wait3A_160 = arith.constant 0 : i32
      %dma_wait3A_161 = tpu.memref_slice %arg8[%dma_wait3A_158, %dma_wait3A_159, %dma_wait3A_160] : memref<4x128x128xf32, #tpu.memory_space<vmem>> -> memref<1x128x128xf32, #tpu.memory_space<vmem>>
      %dma_wait3A_162 = tpu.memref_squeeze %dma_wait3A_161 : memref<1x128x128xf32, #tpu.memory_space<vmem>> -> memref<128x128xf32, #tpu.memory_space<vmem>>
      %dma_wait3A_163 = arith.constant 0 : i32
      %dma_wait3A_164 = tpu.memref_slice %arg6[%dma_wait3A_157, %dma_wait3A_163] : memref<80x128xi32, #tpu.memory_space<vmem>> -> memref<1x128xi32, #tpu.memory_space<vmem>>
      %dma_wait3A_165 = tpu.memref_squeeze %dma_wait3A_164 : memref<1x128xi32, #tpu.memory_space<vmem>> -> memref<128xi32, #tpu.memory_space<vmem>>
      %dma_wait3A_166 = arith.constant 0 : i32
      %dma_wait3A_167 = arith.constant 0 : i32
      %dma_wait3A_168 = tpu.memref_slice %arg2[%dma_wait3A_166, %dma_wait3A_167] : memref<10240x128xf32, #tpu.memory_space<hbm>> -> memref<10240x128xf32, #tpu.memory_space<hbm>>
      tpu.wait_indirect_dma semaphore(%arg11 : memref<!tpu.dma_semaphore, #tpu.memory_space<semaphore_mem>>) src(%dma_wait3A_168 : memref<10240x128xf32, #tpu.memory_space<hbm>>) dst(%dma_wait3A_162 : memref<128x128xf32, #tpu.memory_space<vmem>>)
      %dma_start3A_169 = arith.constant 3 : i32
      %dma_start3A_170 = arith.constant 3 : i32
      %dma_start3A_171 = arith.constant 0 : i32
      %dma_start3A_172 = arith.constant 0 : i32
      %dma_start3A_173 = tpu.memref_slice %arg8[%dma_start3A_169, %dma_start3A_171, %dma_start3A_172] : memref<4x128x128xf32, #tpu.memory_space<vmem>> -> memref<1x128x128xf32, #tpu.memory_space<vmem>>
      %dma_start3A_174 = tpu.memref_squeeze %dma_start3A_173 : memref<1x128x128xf32, #tpu.memory_space<vmem>> -> memref<128x128xf32, #tpu.memory_space<vmem>>
      %dma_start3A_175 = arith.constant 0 : i32
      %dma_start3A_176 = tpu.memref_slice %arg7[%dma_start3A_170, %dma_start3A_175] : memref<80x128xi32, #tpu.memory_space<vmem>> -> memref<1x128xi32, #tpu.memory_space<vmem>>
      %dma_start3A_177 = tpu.memref_squeeze %dma_start3A_176 : memref<1x128xi32, #tpu.memory_space<vmem>> -> memref<128xi32, #tpu.memory_space<vmem>>
      %dma_start3A_178 = arith.constant 0 : i32
      %dma_start3A_179 = arith.constant 0 : i32
      %dma_start3A_180 = tpu.memref_slice %arg10[%dma_start3A_178, %dma_start3A_179] : memref<5120x128xf32, #tpu.memory_space<vmem_shared>> -> memref<5120x128xf32, #tpu.memory_space<vmem_shared>>
      %dma_start3A_181 = arith.constant -1 : i32
      tpu.enqueue_indirect_dma source(%dma_start3A_174 : memref<128x128xf32, #tpu.memory_space<vmem>>) target(%dma_start3A_180 : memref<5120x128xf32, #tpu.memory_space<vmem_shared>>) offsets(%dma_start3A_177 : memref<128xi32, #tpu.memory_space<vmem>>) offset_filter(%dma_start3A_181) semaphore(%arg12 : memref<!tpu.dma_semaphore, #tpu.memory_space<semaphore_mem>>) {add = true}
      %scan3A_182 = arith.constant 0 : i32
      %scan3A_183 = arith.constant 1 : i32
      %scan3A_184 = arith.constant 19 : i32
      %scan3A_185 = arith.addi %scan3A_183, %scan3A_184 : i32
      %scan3A_186 = arith.constant 1 : i32
      %scan3A_187 = scf.for %scan3A_238 = %scan3A_183 to %scan3A_185 step %scan3A_186 iter_args(%scan3A_239 = %scan3A_182) -> (i32)  : i32 {
        %mul3A_240 = arith.constant 4 : i32
        %mul3A_241 = arith.muli %scan3A_238, %mul3A_240 : i32
        %dma_wait3A_242 = arith.constant 0 : i32
        %dma_wait3A_243 = arith.constant 0 : i32
        %dma_wait3A_244 = arith.constant 0 : i32
        %dma_wait3A_245 = arith.constant 0 : i32
        %dma_wait3A_246 = tpu.memref_slice %arg8[%dma_wait3A_242, %dma_wait3A_244, %dma_wait3A_245] : memref<4x128x128xf32, #tpu.memory_space<vmem>> -> memref<1x128x128xf32, #tpu.memory_space<vmem>>
        %dma_wait3A_247 = tpu.memref_squeeze %dma_wait3A_246 : memref<1x128x128xf32, #tpu.memory_space<vmem>> -> memref<128x128xf32, #tpu.memory_space<vmem>>
        %dma_wait3A_248 = arith.constant 0 : i32
        %dma_wait3A_249 = tpu.memref_slice %arg7[%dma_wait3A_243, %dma_wait3A_248] : memref<80x128xi32, #tpu.memory_space<vmem>> -> memref<1x128xi32, #tpu.memory_space<vmem>>
        %dma_wait3A_250 = tpu.memref_squeeze %dma_wait3A_249 : memref<1x128xi32, #tpu.memory_space<vmem>> -> memref<128xi32, #tpu.memory_space<vmem>>
        %dma_wait3A_251 = arith.constant 0 : i32
        %dma_wait3A_252 = arith.constant 0 : i32
        %dma_wait3A_253 = tpu.memref_slice %arg10[%dma_wait3A_251, %dma_wait3A_252] : memref<5120x128xf32, #tpu.memory_space<vmem_shared>> -> memref<5120x128xf32, #tpu.memory_space<vmem_shared>>
        tpu.wait_indirect_dma semaphore(%arg12 : memref<!tpu.dma_semaphore, #tpu.memory_space<semaphore_mem>>) src(%dma_wait3A_247 : memref<128x128xf32, #tpu.memory_space<vmem>>) dst(%dma_wait3A_253 : memref<5120x128xf32, #tpu.memory_space<vmem_shared>>)
        %add3A_254 = arith.constant 0 : i32
        %add3A_255 = arith.addi %mul3A_241, %add3A_254 : i32
        %dma_start3A_256 = arith.constant 0 : i32
        %dma_start3A_257 = arith.constant 0 : i32
        %dma_start3A_258 = arith.constant 0 : i32
        %dma_start3A_259 = tpu.memref_slice %arg8[%dma_start3A_256, %dma_start3A_257, %dma_start3A_258] : memref<4x128x128xf32, #tpu.memory_space<vmem>> -> memref<1x128x128xf32, #tpu.memory_space<vmem>>
        %dma_start3A_260 = tpu.memref_squeeze %dma_start3A_259 : memref<1x128x128xf32, #tpu.memory_space<vmem>> -> memref<128x128xf32, #tpu.memory_space<vmem>>
        %dma_start3A_261 = arith.constant 0 : i32
        %dma_start3A_262 = tpu.memref_slice %arg6[%add3A_255, %dma_start3A_261] : memref<80x128xi32, #tpu.memory_space<vmem>> -> memref<1x128xi32, #tpu.memory_space<vmem>>
        %dma_start3A_263 = tpu.memref_squeeze %dma_start3A_262 : memref<1x128xi32, #tpu.memory_space<vmem>> -> memref<128xi32, #tpu.memory_space<vmem>>
        %dma_start3A_264 = arith.constant 0 : i32
        %dma_start3A_265 = arith.constant 0 : i32
        %dma_start3A_266 = tpu.memref_slice %arg2[%dma_start3A_264, %dma_start3A_265] : memref<10240x128xf32, #tpu.memory_space<hbm>> -> memref<10240x128xf32, #tpu.memory_space<hbm>>
        %dma_start3A_267 = arith.constant -1 : i32
        tpu.enqueue_indirect_dma source(%dma_start3A_266 : memref<10240x128xf32, #tpu.memory_space<hbm>>) target(%dma_start3A_260 : memref<128x128xf32, #tpu.memory_space<vmem>>) offsets(%dma_start3A_263 : memref<128xi32, #tpu.memory_space<vmem>>) offset_filter(%dma_start3A_267) semaphore(%arg11 : memref<!tpu.dma_semaphore, #tpu.memory_space<semaphore_mem>>)
        %dma_wait3A_268 = arith.constant 1 : i32
        %dma_wait3A_269 = arith.constant 0 : i32
        %dma_wait3A_270 = arith.constant 0 : i32
        %dma_wait3A_271 = arith.constant 0 : i32
        %dma_wait3A_272 = tpu.memref_slice %arg8[%dma_wait3A_268, %dma_wait3A_270, %dma_wait3A_271] : memref<4x128x128xf32, #tpu.memory_space<vmem>> -> memref<1x128x128xf32, #tpu.memory_space<vmem>>
        %dma_wait3A_273 = tpu.memref_squeeze %dma_wait3A_272 : memref<1x128x128xf32, #tpu.memory_space<vmem>> -> memref<128x128xf32, #tpu.memory_space<vmem>>
        %dma_wait3A_274 = arith.constant 0 : i32
        %dma_wait3A_275 = tpu.memref_slice %arg7[%dma_wait3A_269, %dma_wait3A_274] : memref<80x128xi32, #tpu.memory_space<vmem>> -> memref<1x128xi32, #tpu.memory_space<vmem>>
        %dma_wait3A_276 = tpu.memref_squeeze %dma_wait3A_275 : memref<1x128xi32, #tpu.memory_space<vmem>> -> memref<128xi32, #tpu.memory_space<vmem>>
        %dma_wait3A_277 = arith.constant 0 : i32
        %dma_wait3A_278 = arith.constant 0 : i32
        %dma_wait3A_279 = tpu.memref_slice %arg10[%dma_wait3A_277, %dma_wait3A_278] : memref<5120x128xf32, #tpu.memory_space<vmem_shared>> -> memref<5120x128xf32, #tpu.memory_space<vmem_shared>>
        tpu.wait_indirect_dma semaphore(%arg12 : memref<!tpu.dma_semaphore, #tpu.memory_space<semaphore_mem>>) src(%dma_wait3A_273 : memref<128x128xf32, #tpu.memory_space<vmem>>) dst(%dma_wait3A_279 : memref<5120x128xf32, #tpu.memory_space<vmem_shared>>)
        %add3A_280 = arith.constant 1 : i32
        %add3A_281 = arith.addi %mul3A_241, %add3A_280 : i32
        %dma_start3A_282 = arith.constant 1 : i32
        %dma_start3A_283 = arith.constant 0 : i32
        %dma_start3A_284 = arith.constant 0 : i32
        %dma_start3A_285 = tpu.memref_slice %arg8[%dma_start3A_282, %dma_start3A_283, %dma_start3A_284] : memref<4x128x128xf32, #tpu.memory_space<vmem>> -> memref<1x128x128xf32, #tpu.memory_space<vmem>>
        %dma_start3A_286 = tpu.memref_squeeze %dma_start3A_285 : memref<1x128x128xf32, #tpu.memory_space<vmem>> -> memref<128x128xf32, #tpu.memory_space<vmem>>
        %dma_start3A_287 = arith.constant 0 : i32
        %dma_start3A_288 = tpu.memref_slice %arg6[%add3A_281, %dma_start3A_287] : memref<80x128xi32, #tpu.memory_space<vmem>> -> memref<1x128xi32, #tpu.memory_space<vmem>>
        %dma_start3A_289 = tpu.memref_squeeze %dma_start3A_288 : memref<1x128xi32, #tpu.memory_space<vmem>> -> memref<128xi32, #tpu.memory_space<vmem>>
        %dma_start3A_290 = arith.constant 0 : i32
        %dma_start3A_291 = arith.constant 0 : i32
        %dma_start3A_292 = tpu.memref_slice %arg2[%dma_start3A_290, %dma_start3A_291] : memref<10240x128xf32, #tpu.memory_space<hbm>> -> memref<10240x128xf32, #tpu.memory_space<hbm>>
        %dma_start3A_293 = arith.constant -1 : i32
        tpu.enqueue_indirect_dma source(%dma_start3A_292 : memref<10240x128xf32, #tpu.memory_space<hbm>>) target(%dma_start3A_286 : memref<128x128xf32, #tpu.memory_space<vmem>>) offsets(%dma_start3A_289 : memref<128xi32, #tpu.memory_space<vmem>>) offset_filter(%dma_start3A_293) semaphore(%arg11 : memref<!tpu.dma_semaphore, #tpu.memory_space<semaphore_mem>>)
        %dma_wait3A_294 = arith.constant 2 : i32
        %dma_wait3A_295 = arith.constant 0 : i32
        %dma_wait3A_296 = arith.constant 0 : i32
        %dma_wait3A_297 = arith.constant 0 : i32
        %dma_wait3A_298 = tpu.memref_slice %arg8[%dma_wait3A_294, %dma_wait3A_296, %dma_wait3A_297] : memref<4x128x128xf32, #tpu.memory_space<vmem>> -> memref<1x128x128xf32, #tpu.memory_space<vmem>>
        %dma_wait3A_299 = tpu.memref_squeeze %dma_wait3A_298 : memref<1x128x128xf32, #tpu.memory_space<vmem>> -> memref<128x128xf32, #tpu.memory_space<vmem>>
        %dma_wait3A_300 = arith.constant 0 : i32
        %dma_wait3A_301 = tpu.memref_slice %arg7[%dma_wait3A_295, %dma_wait3A_300] : memref<80x128xi32, #tpu.memory_space<vmem>> -> memref<1x128xi32, #tpu.memory_space<vmem>>
        %dma_wait3A_302 = tpu.memref_squeeze %dma_wait3A_301 : memref<1x128xi32, #tpu.memory_space<vmem>> -> memref<128xi32, #tpu.memory_space<vmem>>
        %dma_wait3A_303 = arith.constant 0 : i32
        %dma_wait3A_304 = arith.constant 0 : i32
        %dma_wait3A_305 = tpu.memref_slice %arg10[%dma_wait3A_303, %dma_wait3A_304] : memref<5120x128xf32, #tpu.memory_space<vmem_shared>> -> memref<5120x128xf32, #tpu.memory_space<vmem_shared>>
        tpu.wait_indirect_dma semaphore(%arg12 : memref<!tpu.dma_semaphore, #tpu.memory_space<semaphore_mem>>) src(%dma_wait3A_299 : memref<128x128xf32, #tpu.memory_space<vmem>>) dst(%dma_wait3A_305 : memref<5120x128xf32, #tpu.memory_space<vmem_shared>>)
        %add3A_306 = arith.constant 2 : i32
        %add3A_307 = arith.addi %mul3A_241, %add3A_306 : i32
        %dma_start3A_308 = arith.constant 2 : i32
        %dma_start3A_309 = arith.constant 0 : i32
        %dma_start3A_310 = arith.constant 0 : i32
        %dma_start3A_311 = tpu.memref_slice %arg8[%dma_start3A_308, %dma_start3A_309, %dma_start3A_310] : memref<4x128x128xf32, #tpu.memory_space<vmem>> -> memref<1x128x128xf32, #tpu.memory_space<vmem>>
        %dma_start3A_312 = tpu.memref_squeeze %dma_start3A_311 : memref<1x128x128xf32, #tpu.memory_space<vmem>> -> memref<128x128xf32, #tpu.memory_space<vmem>>
        %dma_start3A_313 = arith.constant 0 : i32
        %dma_start3A_314 = tpu.memref_slice %arg6[%add3A_307, %dma_start3A_313] : memref<80x128xi32, #tpu.memory_space<vmem>> -> memref<1x128xi32, #tpu.memory_space<vmem>>
        %dma_start3A_315 = tpu.memref_squeeze %dma_start3A_314 : memref<1x128xi32, #tpu.memory_space<vmem>> -> memref<128xi32, #tpu.memory_space<vmem>>
        %dma_start3A_316 = arith.constant 0 : i32
        %dma_start3A_317 = arith.constant 0 : i32
        %dma_start3A_318 = tpu.memref_slice %arg2[%dma_start3A_316, %dma_start3A_317] : memref<10240x128xf32, #tpu.memory_space<hbm>> -> memref<10240x128xf32, #tpu.memory_space<hbm>>
        %dma_start3A_319 = arith.constant -1 : i32
        tpu.enqueue_indirect_dma source(%dma_start3A_318 : memref<10240x128xf32, #tpu.memory_space<hbm>>) target(%dma_start3A_312 : memref<128x128xf32, #tpu.memory_space<vmem>>) offsets(%dma_start3A_315 : memref<128xi32, #tpu.memory_space<vmem>>) offset_filter(%dma_start3A_319) semaphore(%arg11 : memref<!tpu.dma_semaphore, #tpu.memory_space<semaphore_mem>>)
        %dma_wait3A_320 = arith.constant 3 : i32
        %dma_wait3A_321 = arith.constant 0 : i32
        %dma_wait3A_322 = arith.constant 0 : i32
        %dma_wait3A_323 = arith.constant 0 : i32
        %dma_wait3A_324 = tpu.memref_slice %arg8[%dma_wait3A_320, %dma_wait3A_322, %dma_wait3A_323] : memref<4x128x128xf32, #tpu.memory_space<vmem>> -> memref<1x128x128xf32, #tpu.memory_space<vmem>>
        %dma_wait3A_325 = tpu.memref_squeeze %dma_wait3A_324 : memref<1x128x128xf32, #tpu.memory_space<vmem>> -> memref<128x128xf32, #tpu.memory_space<vmem>>
        %dma_wait3A_326 = arith.constant 0 : i32
        %dma_wait3A_327 = tpu.memref_slice %arg7[%dma_wait3A_321, %dma_wait3A_326] : memref<80x128xi32, #tpu.memory_space<vmem>> -> memref<1x128xi32, #tpu.memory_space<vmem>>
        %dma_wait3A_328 = tpu.memref_squeeze %dma_wait3A_327 : memref<1x128xi32, #tpu.memory_space<vmem>> -> memref<128xi32, #tpu.memory_space<vmem>>
        %dma_wait3A_329 = arith.constant 0 : i32
        %dma_wait3A_330 = arith.constant 0 : i32
        %dma_wait3A_331 = tpu.memref_slice %arg10[%dma_wait3A_329, %dma_wait3A_330] : memref<5120x128xf32, #tpu.memory_space<vmem_shared>> -> memref<5120x128xf32, #tpu.memory_space<vmem_shared>>
        tpu.wait_indirect_dma semaphore(%arg12 : memref<!tpu.dma_semaphore, #tpu.memory_space<semaphore_mem>>) src(%dma_wait3A_325 : memref<128x128xf32, #tpu.memory_space<vmem>>) dst(%dma_wait3A_331 : memref<5120x128xf32, #tpu.memory_space<vmem_shared>>)
        %add3A_332 = arith.constant 3 : i32
        %add3A_333 = arith.addi %mul3A_241, %add3A_332 : i32
        %dma_start3A_334 = arith.constant 3 : i32
        %dma_start3A_335 = arith.constant 0 : i32
        %dma_start3A_336 = arith.constant 0 : i32
        %dma_start3A_337 = tpu.memref_slice %arg8[%dma_start3A_334, %dma_start3A_335, %dma_start3A_336] : memref<4x128x128xf32, #tpu.memory_space<vmem>> -> memref<1x128x128xf32, #tpu.memory_space<vmem>>
        %dma_start3A_338 = tpu.memref_squeeze %dma_start3A_337 : memref<1x128x128xf32, #tpu.memory_space<vmem>> -> memref<128x128xf32, #tpu.memory_space<vmem>>
        %dma_start3A_339 = arith.constant 0 : i32
        %dma_start3A_340 = tpu.memref_slice %arg6[%add3A_333, %dma_start3A_339] : memref<80x128xi32, #tpu.memory_space<vmem>> -> memref<1x128xi32, #tpu.memory_space<vmem>>
        %dma_start3A_341 = tpu.memref_squeeze %dma_start3A_340 : memref<1x128xi32, #tpu.memory_space<vmem>> -> memref<128xi32, #tpu.memory_space<vmem>>
        %dma_start3A_342 = arith.constant 0 : i32
        %dma_start3A_343 = arith.constant 0 : i32
        %dma_start3A_344 = tpu.memref_slice %arg2[%dma_start3A_342, %dma_start3A_343] : memref<10240x128xf32, #tpu.memory_space<hbm>> -> memref<10240x128xf32, #tpu.memory_space<hbm>>
        %dma_start3A_345 = arith.constant -1 : i32
        tpu.enqueue_indirect_dma source(%dma_start3A_344 : memref<10240x128xf32, #tpu.memory_space<hbm>>) target(%dma_start3A_338 : memref<128x128xf32, #tpu.memory_space<vmem>>) offsets(%dma_start3A_341 : memref<128xi32, #tpu.memory_space<vmem>>) offset_filter(%dma_start3A_345) semaphore(%arg11 : memref<!tpu.dma_semaphore, #tpu.memory_space<semaphore_mem>>)
        %dma_wait3A_346 = arith.constant 0 : i32
        %dma_wait3A_347 = arith.constant 0 : i32
        %dma_wait3A_348 = arith.constant 0 : i32
        %dma_wait3A_349 = arith.constant 0 : i32
        %dma_wait3A_350 = tpu.memref_slice %arg8[%dma_wait3A_347, %dma_wait3A_348, %dma_wait3A_349] : memref<4x128x128xf32, #tpu.memory_space<vmem>> -> memref<1x128x128xf32, #tpu.memory_space<vmem>>
        %dma_wait3A_351 = tpu.memref_squeeze %dma_wait3A_350 : memref<1x128x128xf32, #tpu.memory_space<vmem>> -> memref<128x128xf32, #tpu.memory_space<vmem>>
        %dma_wait3A_352 = arith.constant 0 : i32
        %dma_wait3A_353 = tpu.memref_slice %arg6[%dma_wait3A_346, %dma_wait3A_352] : memref<80x128xi32, #tpu.memory_space<vmem>> -> memref<1x128xi32, #tpu.memory_space<vmem>>
        %dma_wait3A_354 = tpu.memref_squeeze %dma_wait3A_353 : memref<1x128xi32, #tpu.memory_space<vmem>> -> memref<128xi32, #tpu.memory_space<vmem>>
        %dma_wait3A_355 = arith.constant 0 : i32
        %dma_wait3A_356 = arith.constant 0 : i32
        %dma_wait3A_357 = tpu.memref_slice %arg2[%dma_wait3A_355, %dma_wait3A_356] : memref<10240x128xf32, #tpu.memory_space<hbm>> -> memref<10240x128xf32, #tpu.memory_space<hbm>>
        tpu.wait_indirect_dma semaphore(%arg11 : memref<!tpu.dma_semaphore, #tpu.memory_space<semaphore_mem>>) src(%dma_wait3A_357 : memref<10240x128xf32, #tpu.memory_space<hbm>>) dst(%dma_wait3A_351 : memref<128x128xf32, #tpu.memory_space<vmem>>)
        %add3A_358 = arith.constant 0 : i32
        %add3A_359 = arith.addi %mul3A_241, %add3A_358 : i32
        %dma_start3A_360 = arith.constant 0 : i32
        %dma_start3A_361 = arith.constant 0 : i32
        %dma_start3A_362 = arith.constant 0 : i32
        %dma_start3A_363 = tpu.memref_slice %arg8[%dma_start3A_360, %dma_start3A_361, %dma_start3A_362] : memref<4x128x128xf32, #tpu.memory_space<vmem>> -> memref<1x128x128xf32, #tpu.memory_space<vmem>>
        %dma_start3A_364 = tpu.memref_squeeze %dma_start3A_363 : memref<1x128x128xf32, #tpu.memory_space<vmem>> -> memref<128x128xf32, #tpu.memory_space<vmem>>
        %dma_start3A_365 = arith.constant 0 : i32
        %dma_start3A_366 = tpu.memref_slice %arg7[%add3A_359, %dma_start3A_365] : memref<80x128xi32, #tpu.memory_space<vmem>> -> memref<1x128xi32, #tpu.memory_space<vmem>>
        %dma_start3A_367 = tpu.memref_squeeze %dma_start3A_366 : memref<1x128xi32, #tpu.memory_space<vmem>> -> memref<128xi32, #tpu.memory_space<vmem>>
        %dma_start3A_368 = arith.constant 0 : i32
        %dma_start3A_369 = arith.constant 0 : i32
        %dma_start3A_370 = tpu.memref_slice %arg10[%dma_start3A_368, %dma_start3A_369] : memref<5120x128xf32, #tpu.memory_space<vmem_shared>> -> memref<5120x128xf32, #tpu.memory_space<vmem_shared>>
        %dma_start3A_371 = arith.constant -1 : i32
        tpu.enqueue_indirect_dma source(%dma_start3A_364 : memref<128x128xf32, #tpu.memory_space<vmem>>) target(%dma_start3A_370 : memref<5120x128xf32, #tpu.memory_space<vmem_shared>>) offsets(%dma_start3A_367 : memref<128xi32, #tpu.memory_space<vmem>>) offset_filter(%dma_start3A_371) semaphore(%arg12 : memref<!tpu.dma_semaphore, #tpu.memory_space<semaphore_mem>>) {add = true}
        %dma_wait3A_372 = arith.constant 0 : i32
        %dma_wait3A_373 = arith.constant 1 : i32
        %dma_wait3A_374 = arith.constant 0 : i32
        %dma_wait3A_375 = arith.constant 0 : i32
        %dma_wait3A_376 = tpu.memref_slice %arg8[%dma_wait3A_373, %dma_wait3A_374, %dma_wait3A_375] : memref<4x128x128xf32, #tpu.memory_space<vmem>> -> memref<1x128x128xf32, #tpu.memory_space<vmem>>
        %dma_wait3A_377 = tpu.memref_squeeze %dma_wait3A_376 : memref<1x128x128xf32, #tpu.memory_space<vmem>> -> memref<128x128xf32, #tpu.memory_space<vmem>>
        %dma_wait3A_378 = arith.constant 0 : i32
        %dma_wait3A_379 = tpu.memref_slice %arg6[%dma_wait3A_372, %dma_wait3A_378] : memref<80x128xi32, #tpu.memory_space<vmem>> -> memref<1x128xi32, #tpu.memory_space<vmem>>
        %dma_wait3A_380 = tpu.memref_squeeze %dma_wait3A_379 : memref<1x128xi32, #tpu.memory_space<vmem>> -> memref<128xi32, #tpu.memory_space<vmem>>
        %dma_wait3A_381 = arith.constant 0 : i32
        %dma_wait3A_382 = arith.constant 0 : i32
        %dma_wait3A_383 = tpu.memref_slice %arg2[%dma_wait3A_381, %dma_wait3A_382] : memref<10240x128xf32, #tpu.memory_space<hbm>> -> memref<10240x128xf32, #tpu.memory_space<hbm>>
        tpu.wait_indirect_dma semaphore(%arg11 : memref<!tpu.dma_semaphore, #tpu.memory_space<semaphore_mem>>) src(%dma_wait3A_383 : memref<10240x128xf32, #tpu.memory_space<hbm>>) dst(%dma_wait3A_377 : memref<128x128xf32, #tpu.memory_space<vmem>>)
        %add3A_384 = arith.constant 1 : i32
        %add3A_385 = arith.addi %mul3A_241, %add3A_384 : i32
        %dma_start3A_386 = arith.constant 1 : i32
        %dma_start3A_387 = arith.constant 0 : i32
        %dma_start3A_388 = arith.constant 0 : i32
        %dma_start3A_389 = tpu.memref_slice %arg8[%dma_start3A_386, %dma_start3A_387, %dma_start3A_388] : memref<4x128x128xf32, #tpu.memory_space<vmem>> -> memref<1x128x128xf32, #tpu.memory_space<vmem>>
        %dma_start3A_390 = tpu.memref_squeeze %dma_start3A_389 : memref<1x128x128xf32, #tpu.memory_space<vmem>> -> memref<128x128xf32, #tpu.memory_space<vmem>>
        %dma_start3A_391 = arith.constant 0 : i32
        %dma_start3A_392 = tpu.memref_slice %arg7[%add3A_385, %dma_start3A_391] : memref<80x128xi32, #tpu.memory_space<vmem>> -> memref<1x128xi32, #tpu.memory_space<vmem>>
        %dma_start3A_393 = tpu.memref_squeeze %dma_start3A_392 : memref<1x128xi32, #tpu.memory_space<vmem>> -> memref<128xi32, #tpu.memory_space<vmem>>
        %dma_start3A_394 = arith.constant 0 : i32
        %dma_start3A_395 = arith.constant 0 : i32
        %dma_start3A_396 = tpu.memref_slice %arg10[%dma_start3A_394, %dma_start3A_395] : memref<5120x128xf32, #tpu.memory_space<vmem_shared>> -> memref<5120x128xf32, #tpu.memory_space<vmem_shared>>
        %dma_start3A_397 = arith.constant -1 : i32
        tpu.enqueue_indirect_dma source(%dma_start3A_390 : memref<128x128xf32, #tpu.memory_space<vmem>>) target(%dma_start3A_396 : memref<5120x128xf32, #tpu.memory_space<vmem_shared>>) offsets(%dma_start3A_393 : memref<128xi32, #tpu.memory_space<vmem>>) offset_filter(%dma_start3A_397) semaphore(%arg12 : memref<!tpu.dma_semaphore, #tpu.memory_space<semaphore_mem>>) {add = true}
        %dma_wait3A_398 = arith.constant 0 : i32
        %dma_wait3A_399 = arith.constant 2 : i32
        %dma_wait3A_400 = arith.constant 0 : i32
        %dma_wait3A_401 = arith.constant 0 : i32
        %dma_wait3A_402 = tpu.memref_slice %arg8[%dma_wait3A_399, %dma_wait3A_400, %dma_wait3A_401] : memref<4x128x128xf32, #tpu.memory_space<vmem>> -> memref<1x128x128xf32, #tpu.memory_space<vmem>>
        %dma_wait3A_403 = tpu.memref_squeeze %dma_wait3A_402 : memref<1x128x128xf32, #tpu.memory_space<vmem>> -> memref<128x128xf32, #tpu.memory_space<vmem>>
        %dma_wait3A_404 = arith.constant 0 : i32
        %dma_wait3A_405 = tpu.memref_slice %arg6[%dma_wait3A_398, %dma_wait3A_404] : memref<80x128xi32, #tpu.memory_space<vmem>> -> memref<1x128xi32, #tpu.memory_space<vmem>>
        %dma_wait3A_406 = tpu.memref_squeeze %dma_wait3A_405 : memref<1x128xi32, #tpu.memory_space<vmem>> -> memref<128xi32, #tpu.memory_space<vmem>>
        %dma_wait3A_407 = arith.constant 0 : i32
        %dma_wait3A_408 = arith.constant 0 : i32
        %dma_wait3A_409 = tpu.memref_slice %arg2[%dma_wait3A_407, %dma_wait3A_408] : memref<10240x128xf32, #tpu.memory_space<hbm>> -> memref<10240x128xf32, #tpu.memory_space<hbm>>
        tpu.wait_indirect_dma semaphore(%arg11 : memref<!tpu.dma_semaphore, #tpu.memory_space<semaphore_mem>>) src(%dma_wait3A_409 : memref<10240x128xf32, #tpu.memory_space<hbm>>) dst(%dma_wait3A_403 : memref<128x128xf32, #tpu.memory_space<vmem>>)
        %add3A_410 = arith.constant 2 : i32
        %add3A_411 = arith.addi %mul3A_241, %add3A_410 : i32
        %dma_start3A_412 = arith.constant 2 : i32
        %dma_start3A_413 = arith.constant 0 : i32
        %dma_start3A_414 = arith.constant 0 : i32
        %dma_start3A_415 = tpu.memref_slice %arg8[%dma_start3A_412, %dma_start3A_413, %dma_start3A_414] : memref<4x128x128xf32, #tpu.memory_space<vmem>> -> memref<1x128x128xf32, #tpu.memory_space<vmem>>
        %dma_start3A_416 = tpu.memref_squeeze %dma_start3A_415 : memref<1x128x128xf32, #tpu.memory_space<vmem>> -> memref<128x128xf32, #tpu.memory_space<vmem>>
        %dma_start3A_417 = arith.constant 0 : i32
        %dma_start3A_418 = tpu.memref_slice %arg7[%add3A_411, %dma_start3A_417] : memref<80x128xi32, #tpu.memory_space<vmem>> -> memref<1x128xi32, #tpu.memory_space<vmem>>
        %dma_start3A_419 = tpu.memref_squeeze %dma_start3A_418 : memref<1x128xi32, #tpu.memory_space<vmem>> -> memref<128xi32, #tpu.memory_space<vmem>>
        %dma_start3A_420 = arith.constant 0 : i32
        %dma_start3A_421 = arith.constant 0 : i32
        %dma_start3A_422 = tpu.memref_slice %arg10[%dma_start3A_420, %dma_start3A_421] : memref<5120x128xf32, #tpu.memory_space<vmem_shared>> -> memref<5120x128xf32, #tpu.memory_space<vmem_shared>>
        %dma_start3A_423 = arith.constant -1 : i32
        tpu.enqueue_indirect_dma source(%dma_start3A_416 : memref<128x128xf32, #tpu.memory_space<vmem>>) target(%dma_start3A_422 : memref<5120x128xf32, #tpu.memory_space<vmem_shared>>) offsets(%dma_start3A_419 : memref<128xi32, #tpu.memory_space<vmem>>) offset_filter(%dma_start3A_423) semaphore(%arg12 : memref<!tpu.dma_semaphore, #tpu.memory_space<semaphore_mem>>) {add = true}
        %dma_wait3A_424 = arith.constant 0 : i32
        %dma_wait3A_425 = arith.constant 3 : i32
        %dma_wait3A_426 = arith.constant 0 : i32
        %dma_wait3A_427 = arith.constant 0 : i32
        %dma_wait3A_428 = tpu.memref_slice %arg8[%dma_wait3A_425, %dma_wait3A_426, %dma_wait3A_427] : memref<4x128x128xf32, #tpu.memory_space<vmem>> -> memref<1x128x128xf32, #tpu.memory_space<vmem>>
        %dma_wait3A_429 = tpu.memref_squeeze %dma_wait3A_428 : memref<1x128x128xf32, #tpu.memory_space<vmem>> -> memref<128x128xf32, #tpu.memory_space<vmem>>
        %dma_wait3A_430 = arith.constant 0 : i32
        %dma_wait3A_431 = tpu.memref_slice %arg6[%dma_wait3A_424, %dma_wait3A_430] : memref<80x128xi32, #tpu.memory_space<vmem>> -> memref<1x128xi32, #tpu.memory_space<vmem>>
        %dma_wait3A_432 = tpu.memref_squeeze %dma_wait3A_431 : memref<1x128xi32, #tpu.memory_space<vmem>> -> memref<128xi32, #tpu.memory_space<vmem>>
        %dma_wait3A_433 = arith.constant 0 : i32
        %dma_wait3A_434 = arith.constant 0 : i32
        %dma_wait3A_435 = tpu.memref_slice %arg2[%dma_wait3A_433, %dma_wait3A_434] : memref<10240x128xf32, #tpu.memory_space<hbm>> -> memref<10240x128xf32, #tpu.memory_space<hbm>>
        tpu.wait_indirect_dma semaphore(%arg11 : memref<!tpu.dma_semaphore, #tpu.memory_space<semaphore_mem>>) src(%dma_wait3A_435 : memref<10240x128xf32, #tpu.memory_space<hbm>>) dst(%dma_wait3A_429 : memref<128x128xf32, #tpu.memory_space<vmem>>)
        %add3A_436 = arith.constant 3 : i32
        %add3A_437 = arith.addi %mul3A_241, %add3A_436 : i32
        %dma_start3A_438 = arith.constant 3 : i32
        %dma_start3A_439 = arith.constant 0 : i32
        %dma_start3A_440 = arith.constant 0 : i32
        %dma_start3A_441 = tpu.memref_slice %arg8[%dma_start3A_438, %dma_start3A_439, %dma_start3A_440] : memref<4x128x128xf32, #tpu.memory_space<vmem>> -> memref<1x128x128xf32, #tpu.memory_space<vmem>>
        %dma_start3A_442 = tpu.memref_squeeze %dma_start3A_441 : memref<1x128x128xf32, #tpu.memory_space<vmem>> -> memref<128x128xf32, #tpu.memory_space<vmem>>
        %dma_start3A_443 = arith.constant 0 : i32
        %dma_start3A_444 = tpu.memref_slice %arg7[%add3A_437, %dma_start3A_443] : memref<80x128xi32, #tpu.memory_space<vmem>> -> memref<1x128xi32, #tpu.memory_space<vmem>>
        %dma_start3A_445 = tpu.memref_squeeze %dma_start3A_444 : memref<1x128xi32, #tpu.memory_space<vmem>> -> memref<128xi32, #tpu.memory_space<vmem>>
        %dma_start3A_446 = arith.constant 0 : i32
        %dma_start3A_447 = arith.constant 0 : i32
        %dma_start3A_448 = tpu.memref_slice %arg10[%dma_start3A_446, %dma_start3A_447] : memref<5120x128xf32, #tpu.memory_space<vmem_shared>> -> memref<5120x128xf32, #tpu.memory_space<vmem_shared>>
        %dma_start3A_449 = arith.constant -1 : i32
        tpu.enqueue_indirect_dma source(%dma_start3A_442 : memref<128x128xf32, #tpu.memory_space<vmem>>) target(%dma_start3A_448 : memref<5120x128xf32, #tpu.memory_space<vmem_shared>>) offsets(%dma_start3A_445 : memref<128xi32, #tpu.memory_space<vmem>>) offset_filter(%dma_start3A_449) semaphore(%arg12 : memref<!tpu.dma_semaphore, #tpu.memory_space<semaphore_mem>>) {add = true}
        %scan3A_450 = arith.constant 0 : i32
        scf.yield %scan3A_450 : i32
      }
      %scan3A_188 = arith.constant 19 : i32
      %dma_wait3A_189 = arith.constant 0 : i32
      %dma_wait3A_190 = arith.constant 0 : i32
      %dma_wait3A_191 = arith.constant 0 : i32
      %dma_wait3A_192 = arith.constant 0 : i32
      %dma_wait3A_193 = tpu.memref_slice %arg8[%dma_wait3A_189, %dma_wait3A_191, %dma_wait3A_192] : memref<4x128x128xf32, #tpu.memory_space<vmem>> -> memref<1x128x128xf32, #tpu.memory_space<vmem>>
      %dma_wait3A_194 = tpu.memref_squeeze %dma_wait3A_193 : memref<1x128x128xf32, #tpu.memory_space<vmem>> -> memref<128x128xf32, #tpu.memory_space<vmem>>
      %dma_wait3A_195 = arith.constant 0 : i32
      %dma_wait3A_196 = tpu.memref_slice %arg7[%dma_wait3A_190, %dma_wait3A_195] : memref<80x128xi32, #tpu.memory_space<vmem>> -> memref<1x128xi32, #tpu.memory_space<vmem>>
      %dma_wait3A_197 = tpu.memref_squeeze %dma_wait3A_196 : memref<1x128xi32, #tpu.memory_space<vmem>> -> memref<128xi32, #tpu.memory_space<vmem>>
      %dma_wait3A_198 = arith.constant 0 : i32
      %dma_wait3A_199 = arith.constant 0 : i32
      %dma_wait3A_200 = tpu.memref_slice %arg10[%dma_wait3A_198, %dma_wait3A_199] : memref<5120x128xf32, #tpu.memory_space<vmem_shared>> -> memref<5120x128xf32, #tpu.memory_space<vmem_shared>>
      tpu.wait_indirect_dma semaphore(%arg12 : memref<!tpu.dma_semaphore, #tpu.memory_space<semaphore_mem>>) src(%dma_wait3A_194 : memref<128x128xf32, #tpu.memory_space<vmem>>) dst(%dma_wait3A_200 : memref<5120x128xf32, #tpu.memory_space<vmem_shared>>)
      %dma_wait3A_201 = arith.constant 1 : i32
      %dma_wait3A_202 = arith.constant 0 : i32
      %dma_wait3A_203 = arith.constant 0 : i32
      %dma_wait3A_204 = arith.constant 0 : i32
      %dma_wait3A_205 = tpu.memref_slice %arg8[%dma_wait3A_201, %dma_wait3A_203, %dma_wait3A_204] : memref<4x128x128xf32, #tpu.memory_space<vmem>> -> memref<1x128x128xf32, #tpu.memory_space<vmem>>
      %dma_wait3A_206 = tpu.memref_squeeze %dma_wait3A_205 : memref<1x128x128xf32, #tpu.memory_space<vmem>> -> memref<128x128xf32, #tpu.memory_space<vmem>>
      %dma_wait3A_207 = arith.constant 0 : i32
      %dma_wait3A_208 = tpu.memref_slice %arg7[%dma_wait3A_202, %dma_wait3A_207] : memref<80x128xi32, #tpu.memory_space<vmem>> -> memref<1x128xi32, #tpu.memory_space<vmem>>
      %dma_wait3A_209 = tpu.memref_squeeze %dma_wait3A_208 : memref<1x128xi32, #tpu.memory_space<vmem>> -> memref<128xi32, #tpu.memory_space<vmem>>
      %dma_wait3A_210 = arith.constant 0 : i32
      %dma_wait3A_211 = arith.constant 0 : i32
      %dma_wait3A_212 = tpu.memref_slice %arg10[%dma_wait3A_210, %dma_wait3A_211] : memref<5120x128xf32, #tpu.memory_space<vmem_shared>> -> memref<5120x128xf32, #tpu.memory_space<vmem_shared>>
      tpu.wait_indirect_dma semaphore(%arg12 : memref<!tpu.dma_semaphore, #tpu.memory_space<semaphore_mem>>) src(%dma_wait3A_206 : memref<128x128xf32, #tpu.memory_space<vmem>>) dst(%dma_wait3A_212 : memref<5120x128xf32, #tpu.memory_space<vmem_shared>>)
      %dma_wait3A_213 = arith.constant 2 : i32
      %dma_wait3A_214 = arith.constant 0 : i32
      %dma_wait3A_215 = arith.constant 0 : i32
      %dma_wait3A_216 = arith.constant 0 : i32
      %dma_wait3A_217 = tpu.memref_slice %arg8[%dma_wait3A_213, %dma_wait3A_215, %dma_wait3A_216] : memref<4x128x128xf32, #tpu.memory_space<vmem>> -> memref<1x128x128xf32, #tpu.memory_space<vmem>>
      %dma_wait3A_218 = tpu.memref_squeeze %dma_wait3A_217 : memref<1x128x128xf32, #tpu.memory_space<vmem>> -> memref<128x128xf32, #tpu.memory_space<vmem>>
      %dma_wait3A_219 = arith.constant 0 : i32
      %dma_wait3A_220 = tpu.memref_slice %arg7[%dma_wait3A_214, %dma_wait3A_219] : memref<80x128xi32, #tpu.memory_space<vmem>> -> memref<1x128xi32, #tpu.memory_space<vmem>>
      %dma_wait3A_221 = tpu.memref_squeeze %dma_wait3A_220 : memref<1x128xi32, #tpu.memory_space<vmem>> -> memref<128xi32, #tpu.memory_space<vmem>>
      %dma_wait3A_222 = arith.constant 0 : i32
      %dma_wait3A_223 = arith.constant 0 : i32
      %dma_wait3A_224 = tpu.memref_slice %arg10[%dma_wait3A_222, %dma_wait3A_223] : memref<5120x128xf32, #tpu.memory_space<vmem_shared>> -> memref<5120x128xf32, #tpu.memory_space<vmem_shared>>
      tpu.wait_indirect_dma semaphore(%arg12 : memref<!tpu.dma_semaphore, #tpu.memory_space<semaphore_mem>>) src(%dma_wait3A_218 : memref<128x128xf32, #tpu.memory_space<vmem>>) dst(%dma_wait3A_224 : memref<5120x128xf32, #tpu.memory_space<vmem_shared>>)
      %dma_wait3A_225 = arith.constant 3 : i32
      %dma_wait3A_226 = arith.constant 0 : i32
      %dma_wait3A_227 = arith.constant 0 : i32
      %dma_wait3A_228 = arith.constant 0 : i32
      %dma_wait3A_229 = tpu.memref_slice %arg8[%dma_wait3A_225, %dma_wait3A_227, %dma_wait3A_228] : memref<4x128x128xf32, #tpu.memory_space<vmem>> -> memref<1x128x128xf32, #tpu.memory_space<vmem>>
      %dma_wait3A_230 = tpu.memref_squeeze %dma_wait3A_229 : memref<1x128x128xf32, #tpu.memory_space<vmem>> -> memref<128x128xf32, #tpu.memory_space<vmem>>
      %dma_wait3A_231 = arith.constant 0 : i32
      %dma_wait3A_232 = tpu.memref_slice %arg7[%dma_wait3A_226, %dma_wait3A_231] : memref<80x128xi32, #tpu.memory_space<vmem>> -> memref<1x128xi32, #tpu.memory_space<vmem>>
      %dma_wait3A_233 = tpu.memref_squeeze %dma_wait3A_232 : memref<1x128xi32, #tpu.memory_space<vmem>> -> memref<128xi32, #tpu.memory_space<vmem>>
      %dma_wait3A_234 = arith.constant 0 : i32
      %dma_wait3A_235 = arith.constant 0 : i32
      %dma_wait3A_236 = tpu.memref_slice %arg10[%dma_wait3A_234, %dma_wait3A_235] : memref<5120x128xf32, #tpu.memory_space<vmem_shared>> -> memref<5120x128xf32, #tpu.memory_space<vmem_shared>>
      tpu.wait_indirect_dma semaphore(%arg12 : memref<!tpu.dma_semaphore, #tpu.memory_space<semaphore_mem>>) src(%dma_wait3A_230 : memref<128x128xf32, #tpu.memory_space<vmem>>) dst(%dma_wait3A_236 : memref<5120x128xf32, #tpu.memory_space<vmem_shared>>)
      %scan3A_237 = arith.constant 0 : i32
      scf.yield %scan3A_237 : i32
    }
    %scan3A_21 = arith.constant 2 : i32
    %barrier3A_22 = arith.constant 0 : index
    tpu.barrier barrier_id(%barrier3A_22)
    %mul3A_23 = arith.constant 320 : i32
    %mul3A_24 = arith.muli %arg1, %mul3A_23 : i32
    %mul3A_25 = arith.constant 5120 : i32
    %mul3A_26 = arith.muli %arg0, %mul3A_25 : i32
    %mul3A_27 = arith.constant 320 : i32
    %mul3A_28 = arith.muli %arg1, %mul3A_27 : i32
    %add3A_29 = arith.addi %mul3A_26, %mul3A_28 : i32
    "tpu.region"() ({
      %run_scoped3A = tpu.sem_alloc : memref<!tpu.dma_semaphore, #tpu.memory_space<semaphore_mem>>
      %dma_start3A = arith.constant 0 : i32
      %dma_start3A_30 = tpu.memref_slice %arg5[%add3A_29, %dma_start3A] : memref<10240x128xf32, #tpu.memory_space<hbm>> -> memref<320x128xf32, #tpu.memory_space<hbm>>
      %dma_start3A_31 = arith.constant 0 : i32
      %dma_start3A_32 = tpu.memref_slice %arg10[%mul3A_24, %dma_start3A_31] : memref<5120x128xf32, #tpu.memory_space<vmem_shared>> -> memref<320x128xf32, #tpu.memory_space<vmem_shared>>
      tpu.enqueue_dma source(%dma_start3A_32 : memref<320x128xf32, #tpu.memory_space<vmem_shared>>) target(%dma_start3A_30 : memref<320x128xf32, #tpu.memory_space<hbm>>) target_semaphore(%run_scoped3A : memref<!tpu.dma_semaphore, #tpu.memory_space<semaphore_mem>>)
      %dma_wait3A = arith.constant 0 : i32
      %dma_wait3A_33 = tpu.memref_slice %arg5[%add3A_29, %dma_wait3A] : memref<10240x128xf32, #tpu.memory_space<hbm>> -> memref<320x128xf32, #tpu.memory_space<hbm>>
      %dma_wait3A_34 = arith.constant 0 : i32
      %dma_wait3A_35 = tpu.memref_slice %arg10[%mul3A_24, %dma_wait3A_34] : memref<5120x128xf32, #tpu.memory_space<vmem_shared>> -> memref<320x128xf32, #tpu.memory_space<vmem_shared>>
      tpu.wait_dma2 semaphore(%run_scoped3A : memref<!tpu.dma_semaphore, #tpu.memory_space<semaphore_mem>>) src(%dma_wait3A_35 : memref<320x128xf32, #tpu.memory_space<vmem_shared>>) dst(%dma_wait3A_33 : memref<320x128xf32, #tpu.memory_space<hbm>>)
      tpu.yield
    }) : () -> ()
    return
  }
}

#map = affine_map<(d0, d1) -> (0, 0)>
#map1 = affine_map<(d0, d1) -> (0, 0, 0, 0)>
module attributes {stable_mosaic.version = 14 : i64} {
  func.func @k(%arg0: i32, %arg1: i32, %arg2: memref<10240x128xf32, #tpu.memory_space<hbm>>, %arg3: memref<32x2x80x128xi32, #tpu.memory_space<hbm>>, %arg4: memref<32x2x80x128xi32, #tpu.memory_space<hbm>>, %arg5: memref<10240x128xf32, #tpu.memory_space<hbm>>, %arg6: memref<80x128xi32, #tpu.memory_space<vmem>>, %arg7: memref<80x128xi32, #tpu.memory_space<vmem>>, %arg8: memref<4x128x128xf32, #tpu.memory_space<vmem>>, %arg9: memref<20x128xf32, #tpu.memory_space<vmem>>, %arg10: memref<5120x128xf32, #tpu.memory_space<vmem_shared>>, %arg11: memref<!tpu.dma_semaphore, #tpu.memory_space<semaphore_mem>>, %arg12: memref<!tpu.dma_semaphore, #tpu.memory_space<semaphore_mem>>) attributes {dimension_semantics = [#tpu.dimension_semantics<core_parallel>, #tpu.dimension_semantics<subcore_parallel>], iteration_bounds = array<i64: 2, 16>, scalar_prefetch = 0 : i64, scratch_operands = 7 : i64, tpu.core_type = #tpu.core_type<sc_vector_subcore>, window_params = [{transform_indices = #map}, {transform_indices = #map1}, {transform_indices = #map1}, {transform_indices = #map}]} {
    %mul3A = arith.constant 16 : i32
    %mul3A_0 = arith.muli %arg0, %mul3A : i32
    %add3A = arith.addi %mul3A_0, %arg1 : i32
    %broadcast_in_dim3A = arith.constant 0.000000e+00 : f32
    %broadcast_in_dim3A_1 = vector.broadcast %broadcast_in_dim3A : f32 to vector<16xf32>
    %scan3A = arith.constant 0 : i32
    %scan3A_2 = arith.constant 0 : i32
    %scan3A_3 = arith.constant 20 : i32
    %scan3A_4 = arith.addi %scan3A_2, %scan3A_3 : i32
    %scan3A_5 = arith.constant 1 : i32
    %scan3A_6 = scf.for %scan3A_30 = %scan3A_2 to %scan3A_4 step %scan3A_5 iter_args(%scan3A_31 = %scan3A) -> (i32)  : i32 {
      %swap3A = arith.index_cast %scan3A_30 : i32 to index
      %swap3A_32 = arith.constant 0 : index
      %swap3A_33 = tpu.vector_load %arg9[%swap3A, %swap3A_32] {strides = array<i32>} : memref<20x128xf32, #tpu.memory_space<vmem>>, vector<1x16xf32>,
      %swap3A_34 = vector.shape_cast %swap3A_33 : vector<1x16xf32> to vector<16xf32>
      %swap3A_35 = vector.shape_cast %broadcast_in_dim3A_1 : vector<16xf32> to vector<1x16xf32>
      tpu.vector_store %arg9[%swap3A, %swap3A_32], %swap3A_35 {strides = array<i32>} : memref<20x128xf32, #tpu.memory_space<vmem>>, vector<1x16xf32>,
      %swap3A_36 = arith.index_cast %scan3A_30 : i32 to index
      %swap3A_37 = arith.constant 16 : index
      %swap3A_38 = tpu.vector_load %arg9[%swap3A_36, %swap3A_37] {strides = array<i32>} : memref<20x128xf32, #tpu.memory_space<vmem>>, vector<1x16xf32>,
      %swap3A_39 = vector.shape_cast %swap3A_38 : vector<1x16xf32> to vector<16xf32>
      %swap3A_40 = vector.shape_cast %broadcast_in_dim3A_1 : vector<16xf32> to vector<1x16xf32>
      tpu.vector_store %arg9[%swap3A_36, %swap3A_37], %swap3A_40 {strides = array<i32>} : memref<20x128xf32, #tpu.memory_space<vmem>>, vector<1x16xf32>,
      %swap3A_41 = arith.index_cast %scan3A_30 : i32 to index
      %swap3A_42 = arith.constant 32 : index
      %swap3A_43 = tpu.vector_load %arg9[%swap3A_41, %swap3A_42] {strides = array<i32>} : memref<20x128xf32, #tpu.memory_space<vmem>>, vector<1x16xf32>,
      %swap3A_44 = vector.shape_cast %swap3A_43 : vector<1x16xf32> to vector<16xf32>
      %swap3A_45 = vector.shape_cast %broadcast_in_dim3A_1 : vector<16xf32> to vector<1x16xf32>
      tpu.vector_store %arg9[%swap3A_41, %swap3A_42], %swap3A_45 {strides = array<i32>} : memref<20x128xf32, #tpu.memory_space<vmem>>, vector<1x16xf32>,
      %swap3A_46 = arith.index_cast %scan3A_30 : i32 to index
      %swap3A_47 = arith.constant 48 : index
      %swap3A_48 = tpu.vector_load %arg9[%swap3A_46, %swap3A_47] {strides = array<i32>} : memref<20x128xf32, #tpu.memory_space<vmem>>, vector<1x16xf32>,
      %swap3A_49 = vector.shape_cast %swap3A_48 : vector<1x16xf32> to vector<16xf32>
      %swap3A_50 = vector.shape_cast %broadcast_in_dim3A_1 : vector<16xf32> to vector<1x16xf32>
      tpu.vector_store %arg9[%swap3A_46, %swap3A_47], %swap3A_50 {strides = array<i32>} : memref<20x128xf32, #tpu.memory_space<vmem>>, vector<1x16xf32>,
      %swap3A_51 = arith.index_cast %scan3A_30 : i32 to index
      %swap3A_52 = arith.constant 64 : index
      %swap3A_53 = tpu.vector_load %arg9[%swap3A_51, %swap3A_52] {strides = array<i32>} : memref<20x128xf32, #tpu.memory_space<vmem>>, vector<1x16xf32>,
      %swap3A_54 = vector.shape_cast %swap3A_53 : vector<1x16xf32> to vector<16xf32>
      %swap3A_55 = vector.shape_cast %broadcast_in_dim3A_1 : vector<16xf32> to vector<1x16xf32>
      tpu.vector_store %arg9[%swap3A_51, %swap3A_52], %swap3A_55 {strides = array<i32>} : memref<20x128xf32, #tpu.memory_space<vmem>>, vector<1x16xf32>,
      %swap3A_56 = arith.index_cast %scan3A_30 : i32 to index
      %swap3A_57 = arith.constant 80 : index
      %swap3A_58 = tpu.vector_load %arg9[%swap3A_56, %swap3A_57] {strides = array<i32>} : memref<20x128xf32, #tpu.memory_space<vmem>>, vector<1x16xf32>,
      %swap3A_59 = vector.shape_cast %swap3A_58 : vector<1x16xf32> to vector<16xf32>
      %swap3A_60 = vector.shape_cast %broadcast_in_dim3A_1 : vector<16xf32> to vector<1x16xf32>
      tpu.vector_store %arg9[%swap3A_56, %swap3A_57], %swap3A_60 {strides = array<i32>} : memref<20x128xf32, #tpu.memory_space<vmem>>, vector<1x16xf32>,
      %swap3A_61 = arith.index_cast %scan3A_30 : i32 to index
      %swap3A_62 = arith.constant 96 : index
      %swap3A_63 = tpu.vector_load %arg9[%swap3A_61, %swap3A_62] {strides = array<i32>} : memref<20x128xf32, #tpu.memory_space<vmem>>, vector<1x16xf32>,
      %swap3A_64 = vector.shape_cast %swap3A_63 : vector<1x16xf32> to vector<16xf32>
      %swap3A_65 = vector.shape_cast %broadcast_in_dim3A_1 : vector<16xf32> to vector<1x16xf32>
      tpu.vector_store %arg9[%swap3A_61, %swap3A_62], %swap3A_65 {strides = array<i32>} : memref<20x128xf32, #tpu.memory_space<vmem>>, vector<1x16xf32>,
      %swap3A_66 = arith.index_cast %scan3A_30 : i32 to index
      %swap3A_67 = arith.constant 112 : index
      %swap3A_68 = tpu.vector_load %arg9[%swap3A_66, %swap3A_67] {strides = array<i32>} : memref<20x128xf32, #tpu.memory_space<vmem>>, vector<1x16xf32>,
      %swap3A_69 = vector.shape_cast %swap3A_68 : vector<1x16xf32> to vector<16xf32>
      %swap3A_70 = vector.shape_cast %broadcast_in_dim3A_1 : vector<16xf32> to vector<1x16xf32>
      tpu.vector_store %arg9[%swap3A_66, %swap3A_67], %swap3A_70 {strides = array<i32>} : memref<20x128xf32, #tpu.memory_space<vmem>>, vector<1x16xf32>,
      %scan3A_71 = arith.constant 0 : i32
      scf.yield %scan3A_71 : i32
    }
    %scan3A_7 = arith.constant 20 : i32
    %scan3A_8 = arith.constant 0 : i32
    %scan3A_9 = arith.constant 0 : i32
    %scan3A_10 = arith.constant 16 : i32
    %scan3A_11 = arith.addi %scan3A_9, %scan3A_10 : i32
    %scan3A_12 = arith.constant 1 : i32
    %scan3A_13 = scf.for %scan3A_30 = %scan3A_9 to %scan3A_11 step %scan3A_12 iter_args(%scan3A_31 = %scan3A_8) -> (i32)  : i32 {
      %mul3A_32 = arith.constant 320 : i32
      %mul3A_33 = arith.muli %arg1, %mul3A_32 : i32
      %mul3A_34 = arith.constant 20 : i32
      %mul3A_35 = arith.muli %scan3A_30, %mul3A_34 : i32
      %add3A_36 = arith.addi %mul3A_33, %mul3A_35 : i32
      "tpu.region"() ({
        %run_scoped3A = tpu.sem_alloc : memref<!tpu.dma_semaphore, #tpu.memory_space<semaphore_mem>>
        %dma_start3A = arith.constant 0 : i32
        %dma_start3A_38 = tpu.memref_slice %arg10[%add3A_36, %dma_start3A] : memref<5120x128xf32, #tpu.memory_space<vmem_shared>> -> memref<20x128xf32, #tpu.memory_space<vmem_shared>>
        %dma_start3A_39 = arith.constant 0 : i32
        %dma_start3A_40 = tpu.memref_slice %arg10[%add3A_36, %dma_start3A_39] : memref<5120x128xf32, #tpu.memory_space<vmem_shared>> -> memref<20x128xf32, #tpu.memory_space<vmem_shared>>
        tpu.enqueue_dma source(%arg9 : memref<20x128xf32, #tpu.memory_space<vmem>>) target(%dma_start3A_40 : memref<20x128xf32, #tpu.memory_space<vmem_shared>>) target_semaphore(%run_scoped3A : memref<!tpu.dma_semaphore, #tpu.memory_space<semaphore_mem>>)
        %dma_wait3A = arith.constant 0 : i32
        %dma_wait3A_41 = tpu.memref_slice %arg10[%add3A_36, %dma_wait3A] : memref<5120x128xf32, #tpu.memory_space<vmem_shared>> -> memref<20x128xf32, #tpu.memory_space<vmem_shared>>
        %dma_wait3A_42 = arith.constant 0 : i32
        %dma_wait3A_43 = tpu.memref_slice %arg10[%add3A_36, %dma_wait3A_42] : memref<5120x128xf32, #tpu.memory_space<vmem_shared>> -> memref<20x128xf32, #tpu.memory_space<vmem_shared>>
        tpu.wait_dma2 semaphore(%run_scoped3A : memref<!tpu.dma_semaphore, #tpu.memory_space<semaphore_mem>>) src(%arg9 : memref<20x128xf32, #tpu.memory_space<vmem>>) dst(%dma_wait3A_43 : memref<20x128xf32, #tpu.memory_space<vmem_shared>>)
        tpu.yield
      }) : () -> ()
      %scan3A_37 = arith.constant 0 : i32
      scf.yield %scan3A_37 : i32
    }
    %scan3A_14 = arith.constant 16 : i32
    %barrier3A = arith.constant 0 : index
    tpu.barrier barrier_id(%barrier3A)
    %scan3A_15 = arith.constant 0 : i32
    %scan3A_16 = arith.constant 0 : i32
    %scan3A_17 = arith.constant 2 : i32
    %scan3A_18 = arith.addi %scan3A_16, %scan3A_17 : i32
    %scan3A_19 = arith.constant 1 : i32
    %scan3A_20 = scf.for %scan3A_30 = %scan3A_16 to %scan3A_18 step %scan3A_19 iter_args(%scan3A_31 = %scan3A_15) -> (i32)  : i32 {
      "tpu.region"() ({
        %run_scoped3A = tpu.sem_alloc : memref<!tpu.dma_semaphore, #tpu.memory_space<semaphore_mem>>
        %dma_start3A_238 = arith.constant 0 : i32
        %dma_start3A_239 = arith.constant 0 : i32
        %dma_start3A_240 = tpu.memref_slice %arg3[%add3A, %scan3A_30, %dma_start3A_238, %dma_start3A_239] : memref<32x2x80x128xi32, #tpu.memory_space<hbm>> -> memref<1x1x80x128xi32, #tpu.memory_space<hbm>>
        %dma_start3A_241 = tpu.memref_squeeze %dma_start3A_240 : memref<1x1x80x128xi32, #tpu.memory_space<hbm>> -> memref<80x128xi32, #tpu.memory_space<hbm>>
        %dma_start3A_242 = arith.constant 0 : i32
        %dma_start3A_243 = arith.constant 0 : i32
        %dma_start3A_244 = tpu.memref_slice %arg3[%add3A, %scan3A_30, %dma_start3A_242, %dma_start3A_243] : memref<32x2x80x128xi32, #tpu.memory_space<hbm>> -> memref<1x1x80x128xi32, #tpu.memory_space<hbm>>
        %dma_start3A_245 = tpu.memref_squeeze %dma_start3A_244 : memref<1x1x80x128xi32, #tpu.memory_space<hbm>> -> memref<80x128xi32, #tpu.memory_space<hbm>>
        tpu.enqueue_dma source(%dma_start3A_245 : memref<80x128xi32, #tpu.memory_space<hbm>>) target(%arg6 : memref<80x128xi32, #tpu.memory_space<vmem>>) target_semaphore(%run_scoped3A : memref<!tpu.dma_semaphore, #tpu.memory_space<semaphore_mem>>)
        %dma_wait3A_246 = arith.constant 0 : i32
        %dma_wait3A_247 = arith.constant 0 : i32
        %dma_wait3A_248 = tpu.memref_slice %arg3[%add3A, %scan3A_30, %dma_wait3A_246, %dma_wait3A_247] : memref<32x2x80x128xi32, #tpu.memory_space<hbm>> -> memref<1x1x80x128xi32, #tpu.memory_space<hbm>>
        %dma_wait3A_249 = tpu.memref_squeeze %dma_wait3A_248 : memref<1x1x80x128xi32, #tpu.memory_space<hbm>> -> memref<80x128xi32, #tpu.memory_space<hbm>>
        %dma_wait3A_250 = arith.constant 0 : i32
        %dma_wait3A_251 = arith.constant 0 : i32
        %dma_wait3A_252 = tpu.memref_slice %arg3[%add3A, %scan3A_30, %dma_wait3A_250, %dma_wait3A_251] : memref<32x2x80x128xi32, #tpu.memory_space<hbm>> -> memref<1x1x80x128xi32, #tpu.memory_space<hbm>>
        %dma_wait3A_253 = tpu.memref_squeeze %dma_wait3A_252 : memref<1x1x80x128xi32, #tpu.memory_space<hbm>> -> memref<80x128xi32, #tpu.memory_space<hbm>>
        tpu.wait_dma2 semaphore(%run_scoped3A : memref<!tpu.dma_semaphore, #tpu.memory_space<semaphore_mem>>) src(%dma_wait3A_253 : memref<80x128xi32, #tpu.memory_space<hbm>>) dst(%arg6 : memref<80x128xi32, #tpu.memory_space<vmem>>)
        tpu.yield
      }) : () -> ()
      "tpu.region"() ({
        %run_scoped3A = tpu.sem_alloc : memref<!tpu.dma_semaphore, #tpu.memory_space<semaphore_mem>>
        %dma_start3A_238 = arith.constant 0 : i32
        %dma_start3A_239 = arith.constant 0 : i32
        %dma_start3A_240 = tpu.memref_slice %arg4[%add3A, %scan3A_30, %dma_start3A_238, %dma_start3A_239] : memref<32x2x80x128xi32, #tpu.memory_space<hbm>> -> memref<1x1x80x128xi32, #tpu.memory_space<hbm>>
        %dma_start3A_241 = tpu.memref_squeeze %dma_start3A_240 : memref<1x1x80x128xi32, #tpu.memory_space<hbm>> -> memref<80x128xi32, #tpu.memory_space<hbm>>
        %dma_start3A_242 = arith.constant 0 : i32
        %dma_start3A_243 = arith.constant 0 : i32
        %dma_start3A_244 = tpu.memref_slice %arg4[%add3A, %scan3A_30, %dma_start3A_242, %dma_start3A_243] : memref<32x2x80x128xi32, #tpu.memory_space<hbm>> -> memref<1x1x80x128xi32, #tpu.memory_space<hbm>>
        %dma_start3A_245 = tpu.memref_squeeze %dma_start3A_244 : memref<1x1x80x128xi32, #tpu.memory_space<hbm>> -> memref<80x128xi32, #tpu.memory_space<hbm>>
        tpu.enqueue_dma source(%dma_start3A_245 : memref<80x128xi32, #tpu.memory_space<hbm>>) target(%arg7 : memref<80x128xi32, #tpu.memory_space<vmem>>) target_semaphore(%run_scoped3A : memref<!tpu.dma_semaphore, #tpu.memory_space<semaphore_mem>>)
        %dma_wait3A_246 = arith.constant 0 : i32
        %dma_wait3A_247 = arith.constant 0 : i32
        %dma_wait3A_248 = tpu.memref_slice %arg4[%add3A, %scan3A_30, %dma_wait3A_246, %dma_wait3A_247] : memref<32x2x80x128xi32, #tpu.memory_space<hbm>> -> memref<1x1x80x128xi32, #tpu.memory_space<hbm>>
        %dma_wait3A_249 = tpu.memref_squeeze %dma_wait3A_248 : memref<1x1x80x128xi32, #tpu.memory_space<hbm>> -> memref<80x128xi32, #tpu.memory_space<hbm>>
        %dma_wait3A_250 = arith.constant 0 : i32
        %dma_wait3A_251 = arith.constant 0 : i32
        %dma_wait3A_252 = tpu.memref_slice %arg4[%add3A, %scan3A_30, %dma_wait3A_250, %dma_wait3A_251] : memref<32x2x80x128xi32, #tpu.memory_space<hbm>> -> memref<1x1x80x128xi32, #tpu.memory_space<hbm>>
        %dma_wait3A_253 = tpu.memref_squeeze %dma_wait3A_252 : memref<1x1x80x128xi32, #tpu.memory_space<hbm>> -> memref<80x128xi32, #tpu.memory_space<hbm>>
        tpu.wait_dma2 semaphore(%run_scoped3A : memref<!tpu.dma_semaphore, #tpu.memory_space<semaphore_mem>>) src(%dma_wait3A_253 : memref<80x128xi32, #tpu.memory_space<hbm>>) dst(%arg7 : memref<80x128xi32, #tpu.memory_space<vmem>>)
        tpu.yield
      }) : () -> ()
      %dma_start3A = arith.constant 0 : i32
      %dma_start3A_32 = arith.constant 0 : i32
      %dma_start3A_33 = arith.constant 0 : i32
      %dma_start3A_34 = arith.constant 0 : i32
      %dma_start3A_35 = tpu.memref_slice %arg8[%dma_start3A_32, %dma_start3A_33, %dma_start3A_34] : memref<4x128x128xf32, #tpu.memory_space<vmem>> -> memref<1x128x128xf32, #tpu.memory_space<vmem>>
      %dma_start3A_36 = tpu.memref_squeeze %dma_start3A_35 : memref<1x128x128xf32, #tpu.memory_space<vmem>> -> memref<128x128xf32, #tpu.memory_space<vmem>>
      %dma_start3A_37 = arith.constant 0 : i32
      %dma_start3A_38 = tpu.memref_slice %arg6[%dma_start3A, %dma_start3A_37] : memref<80x128xi32, #tpu.memory_space<vmem>> -> memref<1x128xi32, #tpu.memory_space<vmem>>
      %dma_start3A_39 = tpu.memref_squeeze %dma_start3A_38 : memref<1x128xi32, #tpu.memory_space<vmem>> -> memref<128xi32, #tpu.memory_space<vmem>>
      %dma_start3A_40 = arith.constant 0 : i32
      %dma_start3A_41 = arith.constant 0 : i32
      %dma_start3A_42 = tpu.memref_slice %arg2[%dma_start3A_40, %dma_start3A_41] : memref<10240x128xf32, #tpu.memory_space<hbm>> -> memref<10240x128xf32, #tpu.memory_space<hbm>>
      %dma_start3A_43 = arith.constant -1 : i32
      tpu.enqueue_indirect_dma source(%dma_start3A_42 : memref<10240x128xf32, #tpu.memory_space<hbm>>) target(%dma_start3A_36 : memref<128x128xf32, #tpu.memory_space<vmem>>) offsets(%dma_start3A_39 : memref<128xi32, #tpu.memory_space<vmem>>) offset_filter(%dma_start3A_43) semaphore(%arg11 : memref<!tpu.dma_semaphore, #tpu.memory_space<semaphore_mem>>)
      %dma_start3A_44 = arith.constant 1 : i32
      %dma_start3A_45 = arith.constant 1 : i32
      %dma_start3A_46 = arith.constant 0 : i32
      %dma_start3A_47 = arith.constant 0 : i32
      %dma_start3A_48 = tpu.memref_slice %arg8[%dma_start3A_45, %dma_start3A_46, %dma_start3A_47] : memref<4x128x128xf32, #tpu.memory_space<vmem>> -> memref<1x128x128xf32, #tpu.memory_space<vmem>>
      %dma_start3A_49 = tpu.memref_squeeze %dma_start3A_48 : memref<1x128x128xf32, #tpu.memory_space<vmem>> -> memref<128x128xf32, #tpu.memory_space<vmem>>
      %dma_start3A_50 = arith.constant 0 : i32
      %dma_start3A_51 = tpu.memref_slice %arg6[%dma_start3A_44, %dma_start3A_50] : memref<80x128xi32, #tpu.memory_space<vmem>> -> memref<1x128xi32, #tpu.memory_space<vmem>>
      %dma_start3A_52 = tpu.memref_squeeze %dma_start3A_51 : memref<1x128xi32, #tpu.memory_space<vmem>> -> memref<128xi32, #tpu.memory_space<vmem>>
      %dma_start3A_53 = arith.constant 0 : i32
      %dma_start3A_54 = arith.constant 0 : i32
      %dma_start3A_55 = tpu.memref_slice %arg2[%dma_start3A_53, %dma_start3A_54] : memref<10240x128xf32, #tpu.memory_space<hbm>> -> memref<10240x128xf32, #tpu.memory_space<hbm>>
      %dma_start3A_56 = arith.constant -1 : i32
      tpu.enqueue_indirect_dma source(%dma_start3A_55 : memref<10240x128xf32, #tpu.memory_space<hbm>>) target(%dma_start3A_49 : memref<128x128xf32, #tpu.memory_space<vmem>>) offsets(%dma_start3A_52 : memref<128xi32, #tpu.memory_space<vmem>>) offset_filter(%dma_start3A_56) semaphore(%arg11 : memref<!tpu.dma_semaphore, #tpu.memory_space<semaphore_mem>>)
      %dma_start3A_57 = arith.constant 2 : i32
      %dma_start3A_58 = arith.constant 2 : i32
      %dma_start3A_59 = arith.constant 0 : i32
      %dma_start3A_60 = arith.constant 0 : i32
      %dma_start3A_61 = tpu.memref_slice %arg8[%dma_start3A_58, %dma_start3A_59, %dma_start3A_60] : memref<4x128x128xf32, #tpu.memory_space<vmem>> -> memref<1x128x128xf32, #tpu.memory_space<vmem>>
      %dma_start3A_62 = tpu.memref_squeeze %dma_start3A_61 : memref<1x128x128xf32, #tpu.memory_space<vmem>> -> memref<128x128xf32, #tpu.memory_space<vmem>>
      %dma_start3A_63 = arith.constant 0 : i32
      %dma_start3A_64 = tpu.memref_slice %arg6[%dma_start3A_57, %dma_start3A_63] : memref<80x128xi32, #tpu.memory_space<vmem>> -> memref<1x128xi32, #tpu.memory_space<vmem>>
      %dma_start3A_65 = tpu.memref_squeeze %dma_start3A_64 : memref<1x128xi32, #tpu.memory_space<vmem>> -> memref<128xi32, #tpu.memory_space<vmem>>
      %dma_start3A_66 = arith.constant 0 : i32
      %dma_start3A_67 = arith.constant 0 : i32
      %dma_start3A_68 = tpu.memref_slice %arg2[%dma_start3A_66, %dma_start3A_67] : memref<10240x128xf32, #tpu.memory_space<hbm>> -> memref<10240x128xf32, #tpu.memory_space<hbm>>
      %dma_start3A_69 = arith.constant -1 : i32
      tpu.enqueue_indirect_dma source(%dma_start3A_68 : memref<10240x128xf32, #tpu.memory_space<hbm>>) target(%dma_start3A_62 : memref<128x128xf32, #tpu.memory_space<vmem>>) offsets(%dma_start3A_65 : memref<128xi32, #tpu.memory_space<vmem>>) offset_filter(%dma_start3A_69) semaphore(%arg11 : memref<!tpu.dma_semaphore, #tpu.memory_space<semaphore_mem>>)
      %dma_start3A_70 = arith.constant 3 : i32
      %dma_start3A_71 = arith.constant 3 : i32
      %dma_start3A_72 = arith.constant 0 : i32
      %dma_start3A_73 = arith.constant 0 : i32
      %dma_start3A_74 = tpu.memref_slice %arg8[%dma_start3A_71, %dma_start3A_72, %dma_start3A_73] : memref<4x128x128xf32, #tpu.memory_space<vmem>> -> memref<1x128x128xf32, #tpu.memory_space<vmem>>
      %dma_start3A_75 = tpu.memref_squeeze %dma_start3A_74 : memref<1x128x128xf32, #tpu.memory_space<vmem>> -> memref<128x128xf32, #tpu.memory_space<vmem>>
      %dma_start3A_76 = arith.constant 0 : i32
      %dma_start3A_77 = tpu.memref_slice %arg6[%dma_start3A_70, %dma_start3A_76] : memref<80x128xi32, #tpu.memory_space<vmem>> -> memref<1x128xi32, #tpu.memory_space<vmem>>
      %dma_start3A_78 = tpu.memref_squeeze %dma_start3A_77 : memref<1x128xi32, #tpu.memory_space<vmem>> -> memref<128xi32, #tpu.memory_space<vmem>>
      %dma_start3A_79 = arith.constant 0 : i32
      %dma_start3A_80 = arith.constant 0 : i32
      %dma_start3A_81 = tpu.memref_slice %arg2[%dma_start3A_79, %dma_start3A_80] : memref<10240x128xf32, #tpu.memory_space<hbm>> -> memref<10240x128xf32, #tpu.memory_space<hbm>>
      %dma_start3A_82 = arith.constant -1 : i32
      tpu.enqueue_indirect_dma source(%dma_start3A_81 : memref<10240x128xf32, #tpu.memory_space<hbm>>) target(%dma_start3A_75 : memref<128x128xf32, #tpu.memory_space<vmem>>) offsets(%dma_start3A_78 : memref<128xi32, #tpu.memory_space<vmem>>) offset_filter(%dma_start3A_82) semaphore(%arg11 : memref<!tpu.dma_semaphore, #tpu.memory_space<semaphore_mem>>)
      %dma_wait3A = arith.constant 0 : i32
      %dma_wait3A_83 = arith.constant 0 : i32
      %dma_wait3A_84 = arith.constant 0 : i32
      %dma_wait3A_85 = arith.constant 0 : i32
      %dma_wait3A_86 = tpu.memref_slice %arg8[%dma_wait3A_83, %dma_wait3A_84, %dma_wait3A_85] : memref<4x128x128xf32, #tpu.memory_space<vmem>> -> memref<1x128x128xf32, #tpu.memory_space<vmem>>
      %dma_wait3A_87 = tpu.memref_squeeze %dma_wait3A_86 : memref<1x128x128xf32, #tpu.memory_space<vmem>> -> memref<128x128xf32, #tpu.memory_space<vmem>>
      %dma_wait3A_88 = arith.constant 0 : i32
      %dma_wait3A_89 = tpu.memref_slice %arg6[%dma_wait3A, %dma_wait3A_88] : memref<80x128xi32, #tpu.memory_space<vmem>> -> memref<1x128xi32, #tpu.memory_space<vmem>>
      %dma_wait3A_90 = tpu.memref_squeeze %dma_wait3A_89 : memref<1x128xi32, #tpu.memory_space<vmem>> -> memref<128xi32, #tpu.memory_space<vmem>>
      %dma_wait3A_91 = arith.constant 0 : i32
      %dma_wait3A_92 = arith.constant 0 : i32
      %dma_wait3A_93 = tpu.memref_slice %arg2[%dma_wait3A_91, %dma_wait3A_92] : memref<10240x128xf32, #tpu.memory_space<hbm>> -> memref<10240x128xf32, #tpu.memory_space<hbm>>
      tpu.wait_indirect_dma semaphore(%arg11 : memref<!tpu.dma_semaphore, #tpu.memory_space<semaphore_mem>>) src(%dma_wait3A_93 : memref<10240x128xf32, #tpu.memory_space<hbm>>) dst(%dma_wait3A_87 : memref<128x128xf32, #tpu.memory_space<vmem>>)
      %dma_start3A_94 = arith.constant 0 : i32
      %dma_start3A_95 = arith.constant 0 : i32
      %dma_start3A_96 = arith.constant 0 : i32
      %dma_start3A_97 = arith.constant 0 : i32
      %dma_start3A_98 = tpu.memref_slice %arg8[%dma_start3A_94, %dma_start3A_96, %dma_start3A_97] : memref<4x128x128xf32, #tpu.memory_space<vmem>> -> memref<1x128x128xf32, #tpu.memory_space<vmem>>
      %dma_start3A_99 = tpu.memref_squeeze %dma_start3A_98 : memref<1x128x128xf32, #tpu.memory_space<vmem>> -> memref<128x128xf32, #tpu.memory_space<vmem>>
      %dma_start3A_100 = arith.constant 0 : i32
      %dma_start3A_101 = tpu.memref_slice %arg7[%dma_start3A_95, %dma_start3A_100] : memref<80x128xi32, #tpu.memory_space<vmem>> -> memref<1x128xi32, #tpu.memory_space<vmem>>
      %dma_start3A_102 = tpu.memref_squeeze %dma_start3A_101 : memref<1x128xi32, #tpu.memory_space<vmem>> -> memref<128xi32, #tpu.memory_space<vmem>>
      %dma_start3A_103 = arith.constant 0 : i32
      %dma_start3A_104 = arith.constant 0 : i32
      %dma_start3A_105 = tpu.memref_slice %arg10[%dma_start3A_103, %dma_start3A_104] : memref<5120x128xf32, #tpu.memory_space<vmem_shared>> -> memref<5120x128xf32, #tpu.memory_space<vmem_shared>>
      %dma_start3A_106 = arith.constant -1 : i32
      tpu.enqueue_indirect_dma source(%dma_start3A_99 : memref<128x128xf32, #tpu.memory_space<vmem>>) target(%dma_start3A_105 : memref<5120x128xf32, #tpu.memory_space<vmem_shared>>) offsets(%dma_start3A_102 : memref<128xi32, #tpu.memory_space<vmem>>) offset_filter(%dma_start3A_106) semaphore(%arg12 : memref<!tpu.dma_semaphore, #tpu.memory_space<semaphore_mem>>) {add = true}
      %dma_wait3A_107 = arith.constant 0 : i32
      %dma_wait3A_108 = arith.constant 1 : i32
      %dma_wait3A_109 = arith.constant 0 : i32
      %dma_wait3A_110 = arith.constant 0 : i32
      %dma_wait3A_111 = tpu.memref_slice %arg8[%dma_wait3A_108, %dma_wait3A_109, %dma_wait3A_110] : memref<4x128x128xf32, #tpu.memory_space<vmem>> -> memref<1x128x128xf32, #tpu.memory_space<vmem>>
      %dma_wait3A_112 = tpu.memref_squeeze %dma_wait3A_111 : memref<1x128x128xf32, #tpu.memory_space<vmem>> -> memref<128x128xf32, #tpu.memory_space<vmem>>
      %dma_wait3A_113 = arith.constant 0 : i32
      %dma_wait3A_114 = tpu.memref_slice %arg6[%dma_wait3A_107, %dma_wait3A_113] : memref<80x128xi32, #tpu.memory_space<vmem>> -> memref<1x128xi32, #tpu.memory_space<vmem>>
      %dma_wait3A_115 = tpu.memref_squeeze %dma_wait3A_114 : memref<1x128xi32, #tpu.memory_space<vmem>> -> memref<128xi32, #tpu.memory_space<vmem>>
      %dma_wait3A_116 = arith.constant 0 : i32
      %dma_wait3A_117 = arith.constant 0 : i32
      %dma_wait3A_118 = tpu.memref_slice %arg2[%dma_wait3A_116, %dma_wait3A_117] : memref<10240x128xf32, #tpu.memory_space<hbm>> -> memref<10240x128xf32, #tpu.memory_space<hbm>>
      tpu.wait_indirect_dma semaphore(%arg11 : memref<!tpu.dma_semaphore, #tpu.memory_space<semaphore_mem>>) src(%dma_wait3A_118 : memref<10240x128xf32, #tpu.memory_space<hbm>>) dst(%dma_wait3A_112 : memref<128x128xf32, #tpu.memory_space<vmem>>)
      %dma_start3A_119 = arith.constant 1 : i32
      %dma_start3A_120 = arith.constant 1 : i32
      %dma_start3A_121 = arith.constant 0 : i32
      %dma_start3A_122 = arith.constant 0 : i32
      %dma_start3A_123 = tpu.memref_slice %arg8[%dma_start3A_119, %dma_start3A_121, %dma_start3A_122] : memref<4x128x128xf32, #tpu.memory_space<vmem>> -> memref<1x128x128xf32, #tpu.memory_space<vmem>>
      %dma_start3A_124 = tpu.memref_squeeze %dma_start3A_123 : memref<1x128x128xf32, #tpu.memory_space<vmem>> -> memref<128x128xf32, #tpu.memory_space<vmem>>
      %dma_start3A_125 = arith.constant 0 : i32
      %dma_start3A_126 = tpu.memref_slice %arg7[%dma_start3A_120, %dma_start3A_125] : memref<80x128xi32, #tpu.memory_space<vmem>> -> memref<1x128xi32, #tpu.memory_space<vmem>>
      %dma_start3A_127 = tpu.memref_squeeze %dma_start3A_126 : memref<1x128xi32, #tpu.memory_space<vmem>> -> memref<128xi32, #tpu.memory_space<vmem>>
      %dma_start3A_128 = arith.constant 0 : i32
      %dma_start3A_129 = arith.constant 0 : i32
      %dma_start3A_130 = tpu.memref_slice %arg10[%dma_start3A_128, %dma_start3A_129] : memref<5120x128xf32, #tpu.memory_space<vmem_shared>> -> memref<5120x128xf32, #tpu.memory_space<vmem_shared>>
      %dma_start3A_131 = arith.constant -1 : i32
      tpu.enqueue_indirect_dma source(%dma_start3A_124 : memref<128x128xf32, #tpu.memory_space<vmem>>) target(%dma_start3A_130 : memref<5120x128xf32, #tpu.memory_space<vmem_shared>>) offsets(%dma_start3A_127 : memref<128xi32, #tpu.memory_space<vmem>>) offset_filter(%dma_start3A_131) semaphore(%arg12 : memref<!tpu.dma_semaphore, #tpu.memory_space<semaphore_mem>>) {add = true}
      %dma_wait3A_132 = arith.constant 0 : i32
      %dma_wait3A_133 = arith.constant 2 : i32
      %dma_wait3A_134 = arith.constant 0 : i32
      %dma_wait3A_135 = arith.constant 0 : i32
      %dma_wait3A_136 = tpu.memref_slice %arg8[%dma_wait3A_133, %dma_wait3A_134, %dma_wait3A_135] : memref<4x128x128xf32, #tpu.memory_space<vmem>> -> memref<1x128x128xf32, #tpu.memory_space<vmem>>
      %dma_wait3A_137 = tpu.memref_squeeze %dma_wait3A_136 : memref<1x128x128xf32, #tpu.memory_space<vmem>> -> memref<128x128xf32, #tpu.memory_space<vmem>>
      %dma_wait3A_138 = arith.constant 0 : i32
      %dma_wait3A_139 = tpu.memref_slice %arg6[%dma_wait3A_132, %dma_wait3A_138] : memref<80x128xi32, #tpu.memory_space<vmem>> -> memref<1x128xi32, #tpu.memory_space<vmem>>
      %dma_wait3A_140 = tpu.memref_squeeze %dma_wait3A_139 : memref<1x128xi32, #tpu.memory_space<vmem>> -> memref<128xi32, #tpu.memory_space<vmem>>
      %dma_wait3A_141 = arith.constant 0 : i32
      %dma_wait3A_142 = arith.constant 0 : i32
      %dma_wait3A_143 = tpu.memref_slice %arg2[%dma_wait3A_141, %dma_wait3A_142] : memref<10240x128xf32, #tpu.memory_space<hbm>> -> memref<10240x128xf32, #tpu.memory_space<hbm>>
      tpu.wait_indirect_dma semaphore(%arg11 : memref<!tpu.dma_semaphore, #tpu.memory_space<semaphore_mem>>) src(%dma_wait3A_143 : memref<10240x128xf32, #tpu.memory_space<hbm>>) dst(%dma_wait3A_137 : memref<128x128xf32, #tpu.memory_space<vmem>>)
      %dma_start3A_144 = arith.constant 2 : i32
      %dma_start3A_145 = arith.constant 2 : i32
      %dma_start3A_146 = arith.constant 0 : i32
      %dma_start3A_147 = arith.constant 0 : i32
      %dma_start3A_148 = tpu.memref_slice %arg8[%dma_start3A_144, %dma_start3A_146, %dma_start3A_147] : memref<4x128x128xf32, #tpu.memory_space<vmem>> -> memref<1x128x128xf32, #tpu.memory_space<vmem>>
      %dma_start3A_149 = tpu.memref_squeeze %dma_start3A_148 : memref<1x128x128xf32, #tpu.memory_space<vmem>> -> memref<128x128xf32, #tpu.memory_space<vmem>>
      %dma_start3A_150 = arith.constant 0 : i32
      %dma_start3A_151 = tpu.memref_slice %arg7[%dma_start3A_145, %dma_start3A_150] : memref<80x128xi32, #tpu.memory_space<vmem>> -> memref<1x128xi32, #tpu.memory_space<vmem>>
      %dma_start3A_152 = tpu.memref_squeeze %dma_start3A_151 : memref<1x128xi32, #tpu.memory_space<vmem>> -> memref<128xi32, #tpu.memory_space<vmem>>
      %dma_start3A_153 = arith.constant 0 : i32
      %dma_start3A_154 = arith.constant 0 : i32
      %dma_start3A_155 = tpu.memref_slice %arg10[%dma_start3A_153, %dma_start3A_154] : memref<5120x128xf32, #tpu.memory_space<vmem_shared>> -> memref<5120x128xf32, #tpu.memory_space<vmem_shared>>
      %dma_start3A_156 = arith.constant -1 : i32
      tpu.enqueue_indirect_dma source(%dma_start3A_149 : memref<128x128xf32, #tpu.memory_space<vmem>>) target(%dma_start3A_155 : memref<5120x128xf32, #tpu.memory_space<vmem_shared>>) offsets(%dma_start3A_152 : memref<128xi32, #tpu.memory_space<vmem>>) offset_filter(%dma_start3A_156) semaphore(%arg12 : memref<!tpu.dma_semaphore, #tpu.memory_space<semaphore_mem>>) {add = true}
      %dma_wait3A_157 = arith.constant 0 : i32
      %dma_wait3A_158 = arith.constant 3 : i32
      %dma_wait3A_159 = arith.constant 0 : i32
      %dma_wait3A_160 = arith.constant 0 : i32
      %dma_wait3A_161 = tpu.memref_slice %arg8[%dma_wait3A_158, %dma_wait3A_159, %dma_wait3A_160] : memref<4x128x128xf32, #tpu.memory_space<vmem>> -> memref<1x128x128xf32, #tpu.memory_space<vmem>>
      %dma_wait3A_162 = tpu.memref_squeeze %dma_wait3A_161 : memref<1x128x128xf32, #tpu.memory_space<vmem>> -> memref<128x128xf32, #tpu.memory_space<vmem>>
      %dma_wait3A_163 = arith.constant 0 : i32
      %dma_wait3A_164 = tpu.memref_slice %arg6[%dma_wait3A_157, %dma_wait3A_163] : memref<80x128xi32, #tpu.memory_space<vmem>> -> memref<1x128xi32, #tpu.memory_space<vmem>>
      %dma_wait3A_165 = tpu.memref_squeeze %dma_wait3A_164 : memref<1x128xi32, #tpu.memory_space<vmem>> -> memref<128xi32, #tpu.memory_space<vmem>>
      %dma_wait3A_166 = arith.constant 0 : i32
      %dma_wait3A_167 = arith.constant 0 : i32
      %dma_wait3A_168 = tpu.memref_slice %arg2[%dma_wait3A_166, %dma_wait3A_167] : memref<10240x128xf32, #tpu.memory_space<hbm>> -> memref<10240x128xf32, #tpu.memory_space<hbm>>
      tpu.wait_indirect_dma semaphore(%arg11 : memref<!tpu.dma_semaphore, #tpu.memory_space<semaphore_mem>>) src(%dma_wait3A_168 : memref<10240x128xf32, #tpu.memory_space<hbm>>) dst(%dma_wait3A_162 : memref<128x128xf32, #tpu.memory_space<vmem>>)
      %dma_start3A_169 = arith.constant 3 : i32
      %dma_start3A_170 = arith.constant 3 : i32
      %dma_start3A_171 = arith.constant 0 : i32
      %dma_start3A_172 = arith.constant 0 : i32
      %dma_start3A_173 = tpu.memref_slice %arg8[%dma_start3A_169, %dma_start3A_171, %dma_start3A_172] : memref<4x128x128xf32, #tpu.memory_space<vmem>> -> memref<1x128x128xf32, #tpu.memory_space<vmem>>
      %dma_start3A_174 = tpu.memref_squeeze %dma_start3A_173 : memref<1x128x128xf32, #tpu.memory_space<vmem>> -> memref<128x128xf32, #tpu.memory_space<vmem>>
      %dma_start3A_175 = arith.constant 0 : i32
      %dma_start3A_176 = tpu.memref_slice %arg7[%dma_start3A_170, %dma_start3A_175] : memref<80x128xi32, #tpu.memory_space<vmem>> -> memref<1x128xi32, #tpu.memory_space<vmem>>
      %dma_start3A_177 = tpu.memref_squeeze %dma_start3A_176 : memref<1x128xi32, #tpu.memory_space<vmem>> -> memref<128xi32, #tpu.memory_space<vmem>>
      %dma_start3A_178 = arith.constant 0 : i32
      %dma_start3A_179 = arith.constant 0 : i32
      %dma_start3A_180 = tpu.memref_slice %arg10[%dma_start3A_178, %dma_start3A_179] : memref<5120x128xf32, #tpu.memory_space<vmem_shared>> -> memref<5120x128xf32, #tpu.memory_space<vmem_shared>>
      %dma_start3A_181 = arith.constant -1 : i32
      tpu.enqueue_indirect_dma source(%dma_start3A_174 : memref<128x128xf32, #tpu.memory_space<vmem>>) target(%dma_start3A_180 : memref<5120x128xf32, #tpu.memory_space<vmem_shared>>) offsets(%dma_start3A_177 : memref<128xi32, #tpu.memory_space<vmem>>) offset_filter(%dma_start3A_181) semaphore(%arg12 : memref<!tpu.dma_semaphore, #tpu.memory_space<semaphore_mem>>) {add = true}
      %scan3A_182 = arith.constant 0 : i32
      %scan3A_183 = arith.constant 1 : i32
      %scan3A_184 = arith.constant 19 : i32
      %scan3A_185 = arith.addi %scan3A_183, %scan3A_184 : i32
      %scan3A_186 = arith.constant 1 : i32
      %scan3A_187 = scf.for %scan3A_238 = %scan3A_183 to %scan3A_185 step %scan3A_186 iter_args(%scan3A_239 = %scan3A_182) -> (i32)  : i32 {
        %mul3A_240 = arith.constant 4 : i32
        %mul3A_241 = arith.muli %scan3A_238, %mul3A_240 : i32
        %dma_wait3A_242 = arith.constant 0 : i32
        %dma_wait3A_243 = arith.constant 0 : i32
        %dma_wait3A_244 = arith.constant 0 : i32
        %dma_wait3A_245 = arith.constant 0 : i32
        %dma_wait3A_246 = tpu.memref_slice %arg8[%dma_wait3A_242, %dma_wait3A_244, %dma_wait3A_245] : memref<4x128x128xf32, #tpu.memory_space<vmem>> -> memref<1x128x128xf32, #tpu.memory_space<vmem>>
        %dma_wait3A_247 = tpu.memref_squeeze %dma_wait3A_246 : memref<1x128x128xf32, #tpu.memory_space<vmem>> -> memref<128x128xf32, #tpu.memory_space<vmem>>
        %dma_wait3A_248 = arith.constant 0 : i32
        %dma_wait3A_249 = tpu.memref_slice %arg7[%dma_wait3A_243, %dma_wait3A_248] : memref<80x128xi32, #tpu.memory_space<vmem>> -> memref<1x128xi32, #tpu.memory_space<vmem>>
        %dma_wait3A_250 = tpu.memref_squeeze %dma_wait3A_249 : memref<1x128xi32, #tpu.memory_space<vmem>> -> memref<128xi32, #tpu.memory_space<vmem>>
        %dma_wait3A_251 = arith.constant 0 : i32
        %dma_wait3A_252 = arith.constant 0 : i32
        %dma_wait3A_253 = tpu.memref_slice %arg10[%dma_wait3A_251, %dma_wait3A_252] : memref<5120x128xf32, #tpu.memory_space<vmem_shared>> -> memref<5120x128xf32, #tpu.memory_space<vmem_shared>>
        tpu.wait_indirect_dma semaphore(%arg12 : memref<!tpu.dma_semaphore, #tpu.memory_space<semaphore_mem>>) src(%dma_wait3A_247 : memref<128x128xf32, #tpu.memory_space<vmem>>) dst(%dma_wait3A_253 : memref<5120x128xf32, #tpu.memory_space<vmem_shared>>)
        %add3A_254 = arith.constant 0 : i32
        %add3A_255 = arith.addi %mul3A_241, %add3A_254 : i32
        %dma_start3A_256 = arith.constant 0 : i32
        %dma_start3A_257 = arith.constant 0 : i32
        %dma_start3A_258 = arith.constant 0 : i32
        %dma_start3A_259 = tpu.memref_slice %arg8[%dma_start3A_256, %dma_start3A_257, %dma_start3A_258] : memref<4x128x128xf32, #tpu.memory_space<vmem>> -> memref<1x128x128xf32, #tpu.memory_space<vmem>>
        %dma_start3A_260 = tpu.memref_squeeze %dma_start3A_259 : memref<1x128x128xf32, #tpu.memory_space<vmem>> -> memref<128x128xf32, #tpu.memory_space<vmem>>
        %dma_start3A_261 = arith.constant 0 : i32
        %dma_start3A_262 = tpu.memref_slice %arg6[%add3A_255, %dma_start3A_261] : memref<80x128xi32, #tpu.memory_space<vmem>> -> memref<1x128xi32, #tpu.memory_space<vmem>>
        %dma_start3A_263 = tpu.memref_squeeze %dma_start3A_262 : memref<1x128xi32, #tpu.memory_space<vmem>> -> memref<128xi32, #tpu.memory_space<vmem>>
        %dma_start3A_264 = arith.constant 0 : i32
        %dma_start3A_265 = arith.constant 0 : i32
        %dma_start3A_266 = tpu.memref_slice %arg2[%dma_start3A_264, %dma_start3A_265] : memref<10240x128xf32, #tpu.memory_space<hbm>> -> memref<10240x128xf32, #tpu.memory_space<hbm>>
        %dma_start3A_267 = arith.constant -1 : i32
        tpu.enqueue_indirect_dma source(%dma_start3A_266 : memref<10240x128xf32, #tpu.memory_space<hbm>>) target(%dma_start3A_260 : memref<128x128xf32, #tpu.memory_space<vmem>>) offsets(%dma_start3A_263 : memref<128xi32, #tpu.memory_space<vmem>>) offset_filter(%dma_start3A_267) semaphore(%arg11 : memref<!tpu.dma_semaphore, #tpu.memory_space<semaphore_mem>>)
        %dma_wait3A_268 = arith.constant 1 : i32
        %dma_wait3A_269 = arith.constant 0 : i32
        %dma_wait3A_270 = arith.constant 0 : i32
        %dma_wait3A_271 = arith.constant 0 : i32
        %dma_wait3A_272 = tpu.memref_slice %arg8[%dma_wait3A_268, %dma_wait3A_270, %dma_wait3A_271] : memref<4x128x128xf32, #tpu.memory_space<vmem>> -> memref<1x128x128xf32, #tpu.memory_space<vmem>>
        %dma_wait3A_273 = tpu.memref_squeeze %dma_wait3A_272 : memref<1x128x128xf32, #tpu.memory_space<vmem>> -> memref<128x128xf32, #tpu.memory_space<vmem>>
        %dma_wait3A_274 = arith.constant 0 : i32
        %dma_wait3A_275 = tpu.memref_slice %arg7[%dma_wait3A_269, %dma_wait3A_274] : memref<80x128xi32, #tpu.memory_space<vmem>> -> memref<1x128xi32, #tpu.memory_space<vmem>>
        %dma_wait3A_276 = tpu.memref_squeeze %dma_wait3A_275 : memref<1x128xi32, #tpu.memory_space<vmem>> -> memref<128xi32, #tpu.memory_space<vmem>>
        %dma_wait3A_277 = arith.constant 0 : i32
        %dma_wait3A_278 = arith.constant 0 : i32
        %dma_wait3A_279 = tpu.memref_slice %arg10[%dma_wait3A_277, %dma_wait3A_278] : memref<5120x128xf32, #tpu.memory_space<vmem_shared>> -> memref<5120x128xf32, #tpu.memory_space<vmem_shared>>
        tpu.wait_indirect_dma semaphore(%arg12 : memref<!tpu.dma_semaphore, #tpu.memory_space<semaphore_mem>>) src(%dma_wait3A_273 : memref<128x128xf32, #tpu.memory_space<vmem>>) dst(%dma_wait3A_279 : memref<5120x128xf32, #tpu.memory_space<vmem_shared>>)
        %add3A_280 = arith.constant 1 : i32
        %add3A_281 = arith.addi %mul3A_241, %add3A_280 : i32
        %dma_start3A_282 = arith.constant 1 : i32
        %dma_start3A_283 = arith.constant 0 : i32
        %dma_start3A_284 = arith.constant 0 : i32
        %dma_start3A_285 = tpu.memref_slice %arg8[%dma_start3A_282, %dma_start3A_283, %dma_start3A_284] : memref<4x128x128xf32, #tpu.memory_space<vmem>> -> memref<1x128x128xf32, #tpu.memory_space<vmem>>
        %dma_start3A_286 = tpu.memref_squeeze %dma_start3A_285 : memref<1x128x128xf32, #tpu.memory_space<vmem>> -> memref<128x128xf32, #tpu.memory_space<vmem>>
        %dma_start3A_287 = arith.constant 0 : i32
        %dma_start3A_288 = tpu.memref_slice %arg6[%add3A_281, %dma_start3A_287] : memref<80x128xi32, #tpu.memory_space<vmem>> -> memref<1x128xi32, #tpu.memory_space<vmem>>
        %dma_start3A_289 = tpu.memref_squeeze %dma_start3A_288 : memref<1x128xi32, #tpu.memory_space<vmem>> -> memref<128xi32, #tpu.memory_space<vmem>>
        %dma_start3A_290 = arith.constant 0 : i32
        %dma_start3A_291 = arith.constant 0 : i32
        %dma_start3A_292 = tpu.memref_slice %arg2[%dma_start3A_290, %dma_start3A_291] : memref<10240x128xf32, #tpu.memory_space<hbm>> -> memref<10240x128xf32, #tpu.memory_space<hbm>>
        %dma_start3A_293 = arith.constant -1 : i32
        tpu.enqueue_indirect_dma source(%dma_start3A_292 : memref<10240x128xf32, #tpu.memory_space<hbm>>) target(%dma_start3A_286 : memref<128x128xf32, #tpu.memory_space<vmem>>) offsets(%dma_start3A_289 : memref<128xi32, #tpu.memory_space<vmem>>) offset_filter(%dma_start3A_293) semaphore(%arg11 : memref<!tpu.dma_semaphore, #tpu.memory_space<semaphore_mem>>)
        %dma_wait3A_294 = arith.constant 2 : i32
        %dma_wait3A_295 = arith.constant 0 : i32
        %dma_wait3A_296 = arith.constant 0 : i32
        %dma_wait3A_297 = arith.constant 0 : i32
        %dma_wait3A_298 = tpu.memref_slice %arg8[%dma_wait3A_294, %dma_wait3A_296, %dma_wait3A_297] : memref<4x128x128xf32, #tpu.memory_space<vmem>> -> memref<1x128x128xf32, #tpu.memory_space<vmem>>
        %dma_wait3A_299 = tpu.memref_squeeze %dma_wait3A_298 : memref<1x128x128xf32, #tpu.memory_space<vmem>> -> memref<128x128xf32, #tpu.memory_space<vmem>>
        %dma_wait3A_300 = arith.constant 0 : i32
        %dma_wait3A_301 = tpu.memref_slice %arg7[%dma_wait3A_295, %dma_wait3A_300] : memref<80x128xi32, #tpu.memory_space<vmem>> -> memref<1x128xi32, #tpu.memory_space<vmem>>
        %dma_wait3A_302 = tpu.memref_squeeze %dma_wait3A_301 : memref<1x128xi32, #tpu.memory_space<vmem>> -> memref<128xi32, #tpu.memory_space<vmem>>
        %dma_wait3A_303 = arith.constant 0 : i32
        %dma_wait3A_304 = arith.constant 0 : i32
        %dma_wait3A_305 = tpu.memref_slice %arg10[%dma_wait3A_303, %dma_wait3A_304] : memref<5120x128xf32, #tpu.memory_space<vmem_shared>> -> memref<5120x128xf32, #tpu.memory_space<vmem_shared>>
        tpu.wait_indirect_dma semaphore(%arg12 : memref<!tpu.dma_semaphore, #tpu.memory_space<semaphore_mem>>) src(%dma_wait3A_299 : memref<128x128xf32, #tpu.memory_space<vmem>>) dst(%dma_wait3A_305 : memref<5120x128xf32, #tpu.memory_space<vmem_shared>>)
        %add3A_306 = arith.constant 2 : i32
        %add3A_307 = arith.addi %mul3A_241, %add3A_306 : i32
        %dma_start3A_308 = arith.constant 2 : i32
        %dma_start3A_309 = arith.constant 0 : i32
        %dma_start3A_310 = arith.constant 0 : i32
        %dma_start3A_311 = tpu.memref_slice %arg8[%dma_start3A_308, %dma_start3A_309, %dma_start3A_310] : memref<4x128x128xf32, #tpu.memory_space<vmem>> -> memref<1x128x128xf32, #tpu.memory_space<vmem>>
        %dma_start3A_312 = tpu.memref_squeeze %dma_start3A_311 : memref<1x128x128xf32, #tpu.memory_space<vmem>> -> memref<128x128xf32, #tpu.memory_space<vmem>>
        %dma_start3A_313 = arith.constant 0 : i32
        %dma_start3A_314 = tpu.memref_slice %arg6[%add3A_307, %dma_start3A_313] : memref<80x128xi32, #tpu.memory_space<vmem>> -> memref<1x128xi32, #tpu.memory_space<vmem>>
        %dma_start3A_315 = tpu.memref_squeeze %dma_start3A_314 : memref<1x128xi32, #tpu.memory_space<vmem>> -> memref<128xi32, #tpu.memory_space<vmem>>
        %dma_start3A_316 = arith.constant 0 : i32
        %dma_start3A_317 = arith.constant 0 : i32
        %dma_start3A_318 = tpu.memref_slice %arg2[%dma_start3A_316, %dma_start3A_317] : memref<10240x128xf32, #tpu.memory_space<hbm>> -> memref<10240x128xf32, #tpu.memory_space<hbm>>
        %dma_start3A_319 = arith.constant -1 : i32
        tpu.enqueue_indirect_dma source(%dma_start3A_318 : memref<10240x128xf32, #tpu.memory_space<hbm>>) target(%dma_start3A_312 : memref<128x128xf32, #tpu.memory_space<vmem>>) offsets(%dma_start3A_315 : memref<128xi32, #tpu.memory_space<vmem>>) offset_filter(%dma_start3A_319) semaphore(%arg11 : memref<!tpu.dma_semaphore, #tpu.memory_space<semaphore_mem>>)
        %dma_wait3A_320 = arith.constant 3 : i32
        %dma_wait3A_321 = arith.constant 0 : i32
        %dma_wait3A_322 = arith.constant 0 : i32
        %dma_wait3A_323 = arith.constant 0 : i32
        %dma_wait3A_324 = tpu.memref_slice %arg8[%dma_wait3A_320, %dma_wait3A_322, %dma_wait3A_323] : memref<4x128x128xf32, #tpu.memory_space<vmem>> -> memref<1x128x128xf32, #tpu.memory_space<vmem>>
        %dma_wait3A_325 = tpu.memref_squeeze %dma_wait3A_324 : memref<1x128x128xf32, #tpu.memory_space<vmem>> -> memref<128x128xf32, #tpu.memory_space<vmem>>
        %dma_wait3A_326 = arith.constant 0 : i32
        %dma_wait3A_327 = tpu.memref_slice %arg7[%dma_wait3A_321, %dma_wait3A_326] : memref<80x128xi32, #tpu.memory_space<vmem>> -> memref<1x128xi32, #tpu.memory_space<vmem>>
        %dma_wait3A_328 = tpu.memref_squeeze %dma_wait3A_327 : memref<1x128xi32, #tpu.memory_space<vmem>> -> memref<128xi32, #tpu.memory_space<vmem>>
        %dma_wait3A_329 = arith.constant 0 : i32
        %dma_wait3A_330 = arith.constant 0 : i32
        %dma_wait3A_331 = tpu.memref_slice %arg10[%dma_wait3A_329, %dma_wait3A_330] : memref<5120x128xf32, #tpu.memory_space<vmem_shared>> -> memref<5120x128xf32, #tpu.memory_space<vmem_shared>>
        tpu.wait_indirect_dma semaphore(%arg12 : memref<!tpu.dma_semaphore, #tpu.memory_space<semaphore_mem>>) src(%dma_wait3A_325 : memref<128x128xf32, #tpu.memory_space<vmem>>) dst(%dma_wait3A_331 : memref<5120x128xf32, #tpu.memory_space<vmem_shared>>)
        %add3A_332 = arith.constant 3 : i32
        %add3A_333 = arith.addi %mul3A_241, %add3A_332 : i32
        %dma_start3A_334 = arith.constant 3 : i32
        %dma_start3A_335 = arith.constant 0 : i32
        %dma_start3A_336 = arith.constant 0 : i32
        %dma_start3A_337 = tpu.memref_slice %arg8[%dma_start3A_334, %dma_start3A_335, %dma_start3A_336] : memref<4x128x128xf32, #tpu.memory_space<vmem>> -> memref<1x128x128xf32, #tpu.memory_space<vmem>>
        %dma_start3A_338 = tpu.memref_squeeze %dma_start3A_337 : memref<1x128x128xf32, #tpu.memory_space<vmem>> -> memref<128x128xf32, #tpu.memory_space<vmem>>
        %dma_start3A_339 = arith.constant 0 : i32
        %dma_start3A_340 = tpu.memref_slice %arg6[%add3A_333, %dma_start3A_339] : memref<80x128xi32, #tpu.memory_space<vmem>> -> memref<1x128xi32, #tpu.memory_space<vmem>>
        %dma_start3A_341 = tpu.memref_squeeze %dma_start3A_340 : memref<1x128xi32, #tpu.memory_space<vmem>> -> memref<128xi32, #tpu.memory_space<vmem>>
        %dma_start3A_342 = arith.constant 0 : i32
        %dma_start3A_343 = arith.constant 0 : i32
        %dma_start3A_344 = tpu.memref_slice %arg2[%dma_start3A_342, %dma_start3A_343] : memref<10240x128xf32, #tpu.memory_space<hbm>> -> memref<10240x128xf32, #tpu.memory_space<hbm>>
        %dma_start3A_345 = arith.constant -1 : i32
        tpu.enqueue_indirect_dma source(%dma_start3A_344 : memref<10240x128xf32, #tpu.memory_space<hbm>>) target(%dma_start3A_338 : memref<128x128xf32, #tpu.memory_space<vmem>>) offsets(%dma_start3A_341 : memref<128xi32, #tpu.memory_space<vmem>>) offset_filter(%dma_start3A_345) semaphore(%arg11 : memref<!tpu.dma_semaphore, #tpu.memory_space<semaphore_mem>>)
        %dma_wait3A_346 = arith.constant 0 : i32
        %dma_wait3A_347 = arith.constant 0 : i32
        %dma_wait3A_348 = arith.constant 0 : i32
        %dma_wait3A_349 = arith.constant 0 : i32
        %dma_wait3A_350 = tpu.memref_slice %arg8[%dma_wait3A_347, %dma_wait3A_348, %dma_wait3A_349] : memref<4x128x128xf32, #tpu.memory_space<vmem>> -> memref<1x128x128xf32, #tpu.memory_space<vmem>>
        %dma_wait3A_351 = tpu.memref_squeeze %dma_wait3A_350 : memref<1x128x128xf32, #tpu.memory_space<vmem>> -> memref<128x128xf32, #tpu.memory_space<vmem>>
        %dma_wait3A_352 = arith.constant 0 : i32
        %dma_wait3A_353 = tpu.memref_slice %arg6[%dma_wait3A_346, %dma_wait3A_352] : memref<80x128xi32, #tpu.memory_space<vmem>> -> memref<1x128xi32, #tpu.memory_space<vmem>>
        %dma_wait3A_354 = tpu.memref_squeeze %dma_wait3A_353 : memref<1x128xi32, #tpu.memory_space<vmem>> -> memref<128xi32, #tpu.memory_space<vmem>>
        %dma_wait3A_355 = arith.constant 0 : i32
        %dma_wait3A_356 = arith.constant 0 : i32
        %dma_wait3A_357 = tpu.memref_slice %arg2[%dma_wait3A_355, %dma_wait3A_356] : memref<10240x128xf32, #tpu.memory_space<hbm>> -> memref<10240x128xf32, #tpu.memory_space<hbm>>
        tpu.wait_indirect_dma semaphore(%arg11 : memref<!tpu.dma_semaphore, #tpu.memory_space<semaphore_mem>>) src(%dma_wait3A_357 : memref<10240x128xf32, #tpu.memory_space<hbm>>) dst(%dma_wait3A_351 : memref<128x128xf32, #tpu.memory_space<vmem>>)
        %add3A_358 = arith.constant 0 : i32
        %add3A_359 = arith.addi %mul3A_241, %add3A_358 : i32
        %dma_start3A_360 = arith.constant 0 : i32
        %dma_start3A_361 = arith.constant 0 : i32
        %dma_start3A_362 = arith.constant 0 : i32
        %dma_start3A_363 = tpu.memref_slice %arg8[%dma_start3A_360, %dma_start3A_361, %dma_start3A_362] : memref<4x128x128xf32, #tpu.memory_space<vmem>> -> memref<1x128x128xf32, #tpu.memory_space<vmem>>
        %dma_start3A_364 = tpu.memref_squeeze %dma_start3A_363 : memref<1x128x128xf32, #tpu.memory_space<vmem>> -> memref<128x128xf32, #tpu.memory_space<vmem>>
        %dma_start3A_365 = arith.constant 0 : i32
        %dma_start3A_366 = tpu.memref_slice %arg7[%add3A_359, %dma_start3A_365] : memref<80x128xi32, #tpu.memory_space<vmem>> -> memref<1x128xi32, #tpu.memory_space<vmem>>
        %dma_start3A_367 = tpu.memref_squeeze %dma_start3A_366 : memref<1x128xi32, #tpu.memory_space<vmem>> -> memref<128xi32, #tpu.memory_space<vmem>>
        %dma_start3A_368 = arith.constant 0 : i32
        %dma_start3A_369 = arith.constant 0 : i32
        %dma_start3A_370 = tpu.memref_slice %arg10[%dma_start3A_368, %dma_start3A_369] : memref<5120x128xf32, #tpu.memory_space<vmem_shared>> -> memref<5120x128xf32, #tpu.memory_space<vmem_shared>>
        %dma_start3A_371 = arith.constant -1 : i32
        tpu.enqueue_indirect_dma source(%dma_start3A_364 : memref<128x128xf32, #tpu.memory_space<vmem>>) target(%dma_start3A_370 : memref<5120x128xf32, #tpu.memory_space<vmem_shared>>) offsets(%dma_start3A_367 : memref<128xi32, #tpu.memory_space<vmem>>) offset_filter(%dma_start3A_371) semaphore(%arg12 : memref<!tpu.dma_semaphore, #tpu.memory_space<semaphore_mem>>) {add = true}
        %dma_wait3A_372 = arith.constant 0 : i32
        %dma_wait3A_373 = arith.constant 1 : i32
        %dma_wait3A_374 = arith.constant 0 : i32
        %dma_wait3A_375 = arith.constant 0 : i32
        %dma_wait3A_376 = tpu.memref_slice %arg8[%dma_wait3A_373, %dma_wait3A_374, %dma_wait3A_375] : memref<4x128x128xf32, #tpu.memory_space<vmem>> -> memref<1x128x128xf32, #tpu.memory_space<vmem>>
        %dma_wait3A_377 = tpu.memref_squeeze %dma_wait3A_376 : memref<1x128x128xf32, #tpu.memory_space<vmem>> -> memref<128x128xf32, #tpu.memory_space<vmem>>
        %dma_wait3A_378 = arith.constant 0 : i32
        %dma_wait3A_379 = tpu.memref_slice %arg6[%dma_wait3A_372, %dma_wait3A_378] : memref<80x128xi32, #tpu.memory_space<vmem>> -> memref<1x128xi32, #tpu.memory_space<vmem>>
        %dma_wait3A_380 = tpu.memref_squeeze %dma_wait3A_379 : memref<1x128xi32, #tpu.memory_space<vmem>> -> memref<128xi32, #tpu.memory_space<vmem>>
        %dma_wait3A_381 = arith.constant 0 : i32
        %dma_wait3A_382 = arith.constant 0 : i32
        %dma_wait3A_383 = tpu.memref_slice %arg2[%dma_wait3A_381, %dma_wait3A_382] : memref<10240x128xf32, #tpu.memory_space<hbm>> -> memref<10240x128xf32, #tpu.memory_space<hbm>>
        tpu.wait_indirect_dma semaphore(%arg11 : memref<!tpu.dma_semaphore, #tpu.memory_space<semaphore_mem>>) src(%dma_wait3A_383 : memref<10240x128xf32, #tpu.memory_space<hbm>>) dst(%dma_wait3A_377 : memref<128x128xf32, #tpu.memory_space<vmem>>)
        %add3A_384 = arith.constant 1 : i32
        %add3A_385 = arith.addi %mul3A_241, %add3A_384 : i32
        %dma_start3A_386 = arith.constant 1 : i32
        %dma_start3A_387 = arith.constant 0 : i32
        %dma_start3A_388 = arith.constant 0 : i32
        %dma_start3A_389 = tpu.memref_slice %arg8[%dma_start3A_386, %dma_start3A_387, %dma_start3A_388] : memref<4x128x128xf32, #tpu.memory_space<vmem>> -> memref<1x128x128xf32, #tpu.memory_space<vmem>>
        %dma_start3A_390 = tpu.memref_squeeze %dma_start3A_389 : memref<1x128x128xf32, #tpu.memory_space<vmem>> -> memref<128x128xf32, #tpu.memory_space<vmem>>
        %dma_start3A_391 = arith.constant 0 : i32
        %dma_start3A_392 = tpu.memref_slice %arg7[%add3A_385, %dma_start3A_391] : memref<80x128xi32, #tpu.memory_space<vmem>> -> memref<1x128xi32, #tpu.memory_space<vmem>>
        %dma_start3A_393 = tpu.memref_squeeze %dma_start3A_392 : memref<1x128xi32, #tpu.memory_space<vmem>> -> memref<128xi32, #tpu.memory_space<vmem>>
        %dma_start3A_394 = arith.constant 0 : i32
        %dma_start3A_395 = arith.constant 0 : i32
        %dma_start3A_396 = tpu.memref_slice %arg10[%dma_start3A_394, %dma_start3A_395] : memref<5120x128xf32, #tpu.memory_space<vmem_shared>> -> memref<5120x128xf32, #tpu.memory_space<vmem_shared>>
        %dma_start3A_397 = arith.constant -1 : i32
        tpu.enqueue_indirect_dma source(%dma_start3A_390 : memref<128x128xf32, #tpu.memory_space<vmem>>) target(%dma_start3A_396 : memref<5120x128xf32, #tpu.memory_space<vmem_shared>>) offsets(%dma_start3A_393 : memref<128xi32, #tpu.memory_space<vmem>>) offset_filter(%dma_start3A_397) semaphore(%arg12 : memref<!tpu.dma_semaphore, #tpu.memory_space<semaphore_mem>>) {add = true}
        %dma_wait3A_398 = arith.constant 0 : i32
        %dma_wait3A_399 = arith.constant 2 : i32
        %dma_wait3A_400 = arith.constant 0 : i32
        %dma_wait3A_401 = arith.constant 0 : i32
        %dma_wait3A_402 = tpu.memref_slice %arg8[%dma_wait3A_399, %dma_wait3A_400, %dma_wait3A_401] : memref<4x128x128xf32, #tpu.memory_space<vmem>> -> memref<1x128x128xf32, #tpu.memory_space<vmem>>
        %dma_wait3A_403 = tpu.memref_squeeze %dma_wait3A_402 : memref<1x128x128xf32, #tpu.memory_space<vmem>> -> memref<128x128xf32, #tpu.memory_space<vmem>>
        %dma_wait3A_404 = arith.constant 0 : i32
        %dma_wait3A_405 = tpu.memref_slice %arg6[%dma_wait3A_398, %dma_wait3A_404] : memref<80x128xi32, #tpu.memory_space<vmem>> -> memref<1x128xi32, #tpu.memory_space<vmem>>
        %dma_wait3A_406 = tpu.memref_squeeze %dma_wait3A_405 : memref<1x128xi32, #tpu.memory_space<vmem>> -> memref<128xi32, #tpu.memory_space<vmem>>
        %dma_wait3A_407 = arith.constant 0 : i32
        %dma_wait3A_408 = arith.constant 0 : i32
        %dma_wait3A_409 = tpu.memref_slice %arg2[%dma_wait3A_407, %dma_wait3A_408] : memref<10240x128xf32, #tpu.memory_space<hbm>> -> memref<10240x128xf32, #tpu.memory_space<hbm>>
        tpu.wait_indirect_dma semaphore(%arg11 : memref<!tpu.dma_semaphore, #tpu.memory_space<semaphore_mem>>) src(%dma_wait3A_409 : memref<10240x128xf32, #tpu.memory_space<hbm>>) dst(%dma_wait3A_403 : memref<128x128xf32, #tpu.memory_space<vmem>>)
        %add3A_410 = arith.constant 2 : i32
        %add3A_411 = arith.addi %mul3A_241, %add3A_410 : i32
        %dma_start3A_412 = arith.constant 2 : i32
        %dma_start3A_413 = arith.constant 0 : i32
        %dma_start3A_414 = arith.constant 0 : i32
        %dma_start3A_415 = tpu.memref_slice %arg8[%dma_start3A_412, %dma_start3A_413, %dma_start3A_414] : memref<4x128x128xf32, #tpu.memory_space<vmem>> -> memref<1x128x128xf32, #tpu.memory_space<vmem>>
        %dma_start3A_416 = tpu.memref_squeeze %dma_start3A_415 : memref<1x128x128xf32, #tpu.memory_space<vmem>> -> memref<128x128xf32, #tpu.memory_space<vmem>>
        %dma_start3A_417 = arith.constant 0 : i32
        %dma_start3A_418 = tpu.memref_slice %arg7[%add3A_411, %dma_start3A_417] : memref<80x128xi32, #tpu.memory_space<vmem>> -> memref<1x128xi32, #tpu.memory_space<vmem>>
        %dma_start3A_419 = tpu.memref_squeeze %dma_start3A_418 : memref<1x128xi32, #tpu.memory_space<vmem>> -> memref<128xi32, #tpu.memory_space<vmem>>
        %dma_start3A_420 = arith.constant 0 : i32
        %dma_start3A_421 = arith.constant 0 : i32
        %dma_start3A_422 = tpu.memref_slice %arg10[%dma_start3A_420, %dma_start3A_421] : memref<5120x128xf32, #tpu.memory_space<vmem_shared>> -> memref<5120x128xf32, #tpu.memory_space<vmem_shared>>
        %dma_start3A_423 = arith.constant -1 : i32
        tpu.enqueue_indirect_dma source(%dma_start3A_416 : memref<128x128xf32, #tpu.memory_space<vmem>>) target(%dma_start3A_422 : memref<5120x128xf32, #tpu.memory_space<vmem_shared>>) offsets(%dma_start3A_419 : memref<128xi32, #tpu.memory_space<vmem>>) offset_filter(%dma_start3A_423) semaphore(%arg12 : memref<!tpu.dma_semaphore, #tpu.memory_space<semaphore_mem>>) {add = true}
        %dma_wait3A_424 = arith.constant 0 : i32
        %dma_wait3A_425 = arith.constant 3 : i32
        %dma_wait3A_426 = arith.constant 0 : i32
        %dma_wait3A_427 = arith.constant 0 : i32
        %dma_wait3A_428 = tpu.memref_slice %arg8[%dma_wait3A_425, %dma_wait3A_426, %dma_wait3A_427] : memref<4x128x128xf32, #tpu.memory_space<vmem>> -> memref<1x128x128xf32, #tpu.memory_space<vmem>>
        %dma_wait3A_429 = tpu.memref_squeeze %dma_wait3A_428 : memref<1x128x128xf32, #tpu.memory_space<vmem>> -> memref<128x128xf32, #tpu.memory_space<vmem>>
        %dma_wait3A_430 = arith.constant 0 : i32
        %dma_wait3A_431 = tpu.memref_slice %arg6[%dma_wait3A_424, %dma_wait3A_430] : memref<80x128xi32, #tpu.memory_space<vmem>> -> memref<1x128xi32, #tpu.memory_space<vmem>>
        %dma_wait3A_432 = tpu.memref_squeeze %dma_wait3A_431 : memref<1x128xi32, #tpu.memory_space<vmem>> -> memref<128xi32, #tpu.memory_space<vmem>>
        %dma_wait3A_433 = arith.constant 0 : i32
        %dma_wait3A_434 = arith.constant 0 : i32
        %dma_wait3A_435 = tpu.memref_slice %arg2[%dma_wait3A_433, %dma_wait3A_434] : memref<10240x128xf32, #tpu.memory_space<hbm>> -> memref<10240x128xf32, #tpu.memory_space<hbm>>
        tpu.wait_indirect_dma semaphore(%arg11 : memref<!tpu.dma_semaphore, #tpu.memory_space<semaphore_mem>>) src(%dma_wait3A_435 : memref<10240x128xf32, #tpu.memory_space<hbm>>) dst(%dma_wait3A_429 : memref<128x128xf32, #tpu.memory_space<vmem>>)
        %add3A_436 = arith.constant 3 : i32
        %add3A_437 = arith.addi %mul3A_241, %add3A_436 : i32
        %dma_start3A_438 = arith.constant 3 : i32
        %dma_start3A_439 = arith.constant 0 : i32
        %dma_start3A_440 = arith.constant 0 : i32
        %dma_start3A_441 = tpu.memref_slice %arg8[%dma_start3A_438, %dma_start3A_439, %dma_start3A_440] : memref<4x128x128xf32, #tpu.memory_space<vmem>> -> memref<1x128x128xf32, #tpu.memory_space<vmem>>
        %dma_start3A_442 = tpu.memref_squeeze %dma_start3A_441 : memref<1x128x128xf32, #tpu.memory_space<vmem>> -> memref<128x128xf32, #tpu.memory_space<vmem>>
        %dma_start3A_443 = arith.constant 0 : i32
        %dma_start3A_444 = tpu.memref_slice %arg7[%add3A_437, %dma_start3A_443] : memref<80x128xi32, #tpu.memory_space<vmem>> -> memref<1x128xi32, #tpu.memory_space<vmem>>
        %dma_start3A_445 = tpu.memref_squeeze %dma_start3A_444 : memref<1x128xi32, #tpu.memory_space<vmem>> -> memref<128xi32, #tpu.memory_space<vmem>>
        %dma_start3A_446 = arith.constant 0 : i32
        %dma_start3A_447 = arith.constant 0 : i32
        %dma_start3A_448 = tpu.memref_slice %arg10[%dma_start3A_446, %dma_start3A_447] : memref<5120x128xf32, #tpu.memory_space<vmem_shared>> -> memref<5120x128xf32, #tpu.memory_space<vmem_shared>>
        %dma_start3A_449 = arith.constant -1 : i32
        tpu.enqueue_indirect_dma source(%dma_start3A_442 : memref<128x128xf32, #tpu.memory_space<vmem>>) target(%dma_start3A_448 : memref<5120x128xf32, #tpu.memory_space<vmem_shared>>) offsets(%dma_start3A_445 : memref<128xi32, #tpu.memory_space<vmem>>) offset_filter(%dma_start3A_449) semaphore(%arg12 : memref<!tpu.dma_semaphore, #tpu.memory_space<semaphore_mem>>) {add = true}
        %scan3A_450 = arith.constant 0 : i32
        scf.yield %scan3A_450 : i32
      }
      %scan3A_188 = arith.constant 19 : i32
      %dma_wait3A_189 = arith.constant 0 : i32
      %dma_wait3A_190 = arith.constant 0 : i32
      %dma_wait3A_191 = arith.constant 0 : i32
      %dma_wait3A_192 = arith.constant 0 : i32
      %dma_wait3A_193 = tpu.memref_slice %arg8[%dma_wait3A_189, %dma_wait3A_191, %dma_wait3A_192] : memref<4x128x128xf32, #tpu.memory_space<vmem>> -> memref<1x128x128xf32, #tpu.memory_space<vmem>>
      %dma_wait3A_194 = tpu.memref_squeeze %dma_wait3A_193 : memref<1x128x128xf32, #tpu.memory_space<vmem>> -> memref<128x128xf32, #tpu.memory_space<vmem>>
      %dma_wait3A_195 = arith.constant 0 : i32
      %dma_wait3A_196 = tpu.memref_slice %arg7[%dma_wait3A_190, %dma_wait3A_195] : memref<80x128xi32, #tpu.memory_space<vmem>> -> memref<1x128xi32, #tpu.memory_space<vmem>>
      %dma_wait3A_197 = tpu.memref_squeeze %dma_wait3A_196 : memref<1x128xi32, #tpu.memory_space<vmem>> -> memref<128xi32, #tpu.memory_space<vmem>>
      %dma_wait3A_198 = arith.constant 0 : i32
      %dma_wait3A_199 = arith.constant 0 : i32
      %dma_wait3A_200 = tpu.memref_slice %arg10[%dma_wait3A_198, %dma_wait3A_199] : memref<5120x128xf32, #tpu.memory_space<vmem_shared>> -> memref<5120x128xf32, #tpu.memory_space<vmem_shared>>
      tpu.wait_indirect_dma semaphore(%arg12 : memref<!tpu.dma_semaphore, #tpu.memory_space<semaphore_mem>>) src(%dma_wait3A_194 : memref<128x128xf32, #tpu.memory_space<vmem>>) dst(%dma_wait3A_200 : memref<5120x128xf32, #tpu.memory_space<vmem_shared>>)
      %dma_wait3A_201 = arith.constant 1 : i32
      %dma_wait3A_202 = arith.constant 0 : i32
      %dma_wait3A_203 = arith.constant 0 : i32
      %dma_wait3A_204 = arith.constant 0 : i32
      %dma_wait3A_205 = tpu.memref_slice %arg8[%dma_wait3A_201, %dma_wait3A_203, %dma_wait3A_204] : memref<4x128x128xf32, #tpu.memory_space<vmem>> -> memref<1x128x128xf32, #tpu.memory_space<vmem>>
      %dma_wait3A_206 = tpu.memref_squeeze %dma_wait3A_205 : memref<1x128x128xf32, #tpu.memory_space<vmem>> -> memref<128x128xf32, #tpu.memory_space<vmem>>
      %dma_wait3A_207 = arith.constant 0 : i32
      %dma_wait3A_208 = tpu.memref_slice %arg7[%dma_wait3A_202, %dma_wait3A_207] : memref<80x128xi32, #tpu.memory_space<vmem>> -> memref<1x128xi32, #tpu.memory_space<vmem>>
      %dma_wait3A_209 = tpu.memref_squeeze %dma_wait3A_208 : memref<1x128xi32, #tpu.memory_space<vmem>> -> memref<128xi32, #tpu.memory_space<vmem>>
      %dma_wait3A_210 = arith.constant 0 : i32
      %dma_wait3A_211 = arith.constant 0 : i32
      %dma_wait3A_212 = tpu.memref_slice %arg10[%dma_wait3A_210, %dma_wait3A_211] : memref<5120x128xf32, #tpu.memory_space<vmem_shared>> -> memref<5120x128xf32, #tpu.memory_space<vmem_shared>>
      tpu.wait_indirect_dma semaphore(%arg12 : memref<!tpu.dma_semaphore, #tpu.memory_space<semaphore_mem>>) src(%dma_wait3A_206 : memref<128x128xf32, #tpu.memory_space<vmem>>) dst(%dma_wait3A_212 : memref<5120x128xf32, #tpu.memory_space<vmem_shared>>)
      %dma_wait3A_213 = arith.constant 2 : i32
      %dma_wait3A_214 = arith.constant 0 : i32
      %dma_wait3A_215 = arith.constant 0 : i32
      %dma_wait3A_216 = arith.constant 0 : i32
      %dma_wait3A_217 = tpu.memref_slice %arg8[%dma_wait3A_213, %dma_wait3A_215, %dma_wait3A_216] : memref<4x128x128xf32, #tpu.memory_space<vmem>> -> memref<1x128x128xf32, #tpu.memory_space<vmem>>
      %dma_wait3A_218 = tpu.memref_squeeze %dma_wait3A_217 : memref<1x128x128xf32, #tpu.memory_space<vmem>> -> memref<128x128xf32, #tpu.memory_space<vmem>>
      %dma_wait3A_219 = arith.constant 0 : i32
      %dma_wait3A_220 = tpu.memref_slice %arg7[%dma_wait3A_214, %dma_wait3A_219] : memref<80x128xi32, #tpu.memory_space<vmem>> -> memref<1x128xi32, #tpu.memory_space<vmem>>
      %dma_wait3A_221 = tpu.memref_squeeze %dma_wait3A_220 : memref<1x128xi32, #tpu.memory_space<vmem>> -> memref<128xi32, #tpu.memory_space<vmem>>
      %dma_wait3A_222 = arith.constant 0 : i32
      %dma_wait3A_223 = arith.constant 0 : i32
      %dma_wait3A_224 = tpu.memref_slice %arg10[%dma_wait3A_222, %dma_wait3A_223] : memref<5120x128xf32, #tpu.memory_space<vmem_shared>> -> memref<5120x128xf32, #tpu.memory_space<vmem_shared>>
      tpu.wait_indirect_dma semaphore(%arg12 : memref<!tpu.dma_semaphore, #tpu.memory_space<semaphore_mem>>) src(%dma_wait3A_218 : memref<128x128xf32, #tpu.memory_space<vmem>>) dst(%dma_wait3A_224 : memref<5120x128xf32, #tpu.memory_space<vmem_shared>>)
      %dma_wait3A_225 = arith.constant 3 : i32
      %dma_wait3A_226 = arith.constant 0 : i32
      %dma_wait3A_227 = arith.constant 0 : i32
      %dma_wait3A_228 = arith.constant 0 : i32
      %dma_wait3A_229 = tpu.memref_slice %arg8[%dma_wait3A_225, %dma_wait3A_227, %dma_wait3A_228] : memref<4x128x128xf32, #tpu.memory_space<vmem>> -> memref<1x128x128xf32, #tpu.memory_space<vmem>>
      %dma_wait3A_230 = tpu.memref_squeeze %dma_wait3A_229 : memref<1x128x128xf32, #tpu.memory_space<vmem>> -> memref<128x128xf32, #tpu.memory_space<vmem>>
      %dma_wait3A_231 = arith.constant 0 : i32
      %dma_wait3A_232 = tpu.memref_slice %arg7[%dma_wait3A_226, %dma_wait3A_231] : memref<80x128xi32, #tpu.memory_space<vmem>> -> memref<1x128xi32, #tpu.memory_space<vmem>>
      %dma_wait3A_233 = tpu.memref_squeeze %dma_wait3A_232 : memref<1x128xi32, #tpu.memory_space<vmem>> -> memref<128xi32, #tpu.memory_space<vmem>>
      %dma_wait3A_234 = arith.constant 0 : i32
      %dma_wait3A_235 = arith.constant 0 : i32
      %dma_wait3A_236 = tpu.memref_slice %arg10[%dma_wait3A_234, %dma_wait3A_235] : memref<5120x128xf32, #tpu.memory_space<vmem_shared>> -> memref<5120x128xf32, #tpu.memory_space<vmem_shared>>
      tpu.wait_indirect_dma semaphore(%arg12 : memref<!tpu.dma_semaphore, #tpu.memory_space<semaphore_mem>>) src(%dma_wait3A_230 : memref<128x128xf32, #tpu.memory_space<vmem>>) dst(%dma_wait3A_236 : memref<5120x128xf32, #tpu.memory_space<vmem_shared>>)
      %scan3A_237 = arith.constant 0 : i32
      scf.yield %scan3A_237 : i32
    }
    %scan3A_21 = arith.constant 2 : i32
    %barrier3A_22 = arith.constant 0 : index
    tpu.barrier barrier_id(%barrier3A_22)
    %mul3A_23 = arith.constant 320 : i32
    %mul3A_24 = arith.muli %arg1, %mul3A_23 : i32
    %mul3A_25 = arith.constant 5120 : i32
    %mul3A_26 = arith.muli %arg0, %mul3A_25 : i32
    %mul3A_27 = arith.constant 320 : i32
    %mul3A_28 = arith.muli %arg1, %mul3A_27 : i32
    %add3A_29 = arith.addi %mul3A_26, %mul3A_28 : i32
    "tpu.region"() ({
      %run_scoped3A = tpu.sem_alloc : memref<!tpu.dma_semaphore, #tpu.memory_space<semaphore_mem>>
      %dma_start3A = arith.constant 0 : i32
      %dma_start3A_30 = tpu.memref_slice %arg5[%add3A_29, %dma_start3A] : memref<10240x128xf32, #tpu.memory_space<hbm>> -> memref<320x128xf32, #tpu.memory_space<hbm>>
      %dma_start3A_31 = arith.constant 0 : i32
      %dma_start3A_32 = tpu.memref_slice %arg10[%mul3A_24, %dma_start3A_31] : memref<5120x128xf32, #tpu.memory_space<vmem_shared>> -> memref<320x128xf32, #tpu.memory_space<vmem_shared>>
      tpu.enqueue_dma source(%dma_start3A_32 : memref<320x128xf32, #tpu.memory_space<vmem_shared>>) target(%dma_start3A_30 : memref<320x128xf32, #tpu.memory_space<hbm>>) target_semaphore(%run_scoped3A : memref<!tpu.dma_semaphore, #tpu.memory_space<semaphore_mem>>)
      %dma_wait3A = arith.constant 0 : i32
      %dma_wait3A_33 = tpu.memref_slice %arg5[%add3A_29, %dma_wait3A] : memref<10240x128xf32, #tpu.memory_space<hbm>> -> memref<320x128xf32, #tpu.memory_space<hbm>>
      %dma_wait3A_34 = arith.constant 0 : i32
      %dma_wait3A_35 = tpu.memref_slice %arg10[%mul3A_24, %dma_wait3A_34] : memref<5120x128xf32, #tpu.memory_space<vmem_shared>> -> memref<320x128xf32, #tpu.memory_space<vmem_shared>>
      tpu.wait_dma2 semaphore(%run_scoped3A : memref<!tpu.dma_semaphore, #tpu.memory_space<semaphore_mem>>) src(%dma_wait3A_35 : memref<320x128xf32, #tpu.memory_space<vmem_shared>>) dst(%dma_wait3A_33 : memref<320x128xf32, #tpu.memory_space<hbm>>)
      tpu.yield
    }) : () -> ()
    return
  }
}

module attributes {stable_mosaic.version = 14 : i64} {
  func.func @body(%arg0: i32, %arg1: memref<2048x128xf32, #tpu.memory_space<vmem>>, %arg2: memref<128x128xf32, #tpu.memory_space<vmem>>, %arg3: memref<2048x128xf32, #tpu.memory_space<vmem>>) attributes {dimension_semantics = [#tpu.dimension_semantics<arbitrary>], iteration_bounds = array<i64: 5>, scalar_prefetch = 0 : i64, scratch_operands = 0 : i64, tpu.core_type = #tpu.core_type<tc>, window_params = [{transform_indices = @transform_0, window_bounds = array<i64: 2048, 128>}, {pipeline_mode = #tpu.pipeline_mode<synchronous>, transform_indices = @transform_1, window_bounds = array<i64: 128, 128>}, {transform_indices = @transform_2, window_bounds = array<i64: 2048, 128>}]} {
    %get3A = arith.constant 0 : index
    %get3A_0 = arith.constant 0 : index
    %get3A_1 = vector.load %arg1[%get3A, %get3A_0] : memref<2048x128xf32, #tpu.memory_space<vmem>>, vector<2048x128xf32>
    %get3A_2 = arith.constant 0 : index
    %get3A_3 = arith.constant 0 : index
    %get3A_4 = vector.load %arg2[%get3A_2, %get3A_3] : memref<128x128xf32, #tpu.memory_space<vmem>>, vector<128x128xf32>
    %dot_general3A = arith.constant dense<0.000000e+00> : vector<2048x128xf32>
    %dot_general3A_5 = tpu.matmul %get3A_1, %get3A_4, %dot_general3A {dimension_numbers = #tpu.dot_dimension_numbers<[1], [0], [0], [1], [0, 0, 1, 1], [], []>, transpose_lhs_hint = false} : vector<2048x128xf32>, vector<128x128xf32>, vector<2048x128xf32> -> vector<2048x128xf32>
    %swap3A = arith.constant 0 : index
    %swap3A_6 = arith.constant 0 : index
    %swap3A_7 = vector.load %arg3[%swap3A, %swap3A_6] : memref<2048x128xf32, #tpu.memory_space<vmem>>, vector<2048x128xf32>
    tpu.vector_store %arg3[%swap3A, %swap3A_6], %dot_general3A_5 {strides = array<i32>} : memref<2048x128xf32, #tpu.memory_space<vmem>>, vector<2048x128xf32>,
    return
  }
  func.func @transform_0(%arg0: i32) -> (i32, i32) {
    %c0_i32 = arith.constant 0 : i32
    %c0_i32_0 = arith.constant 0 : i32
    return %arg0, %c0_i32 : i32, i32
  }
  func.func @transform_1(%arg0: i32) -> (i32, i32) {
    %c0_i32 = arith.constant 0 : i32
    %c0_i32_0 = arith.constant 0 : i32
    %c0_i32_1 = arith.constant 0 : i32
    return %c0_i32, %c0_i32_0 : i32, i32
  }
  func.func @transform_2(%arg0: i32) -> (i32, i32) {
    %c0_i32 = arith.constant 0 : i32
    %c0_i32_0 = arith.constant 0 : i32
    return %arg0, %c0_i32 : i32, i32
  }
}

module attributes {stable_mosaic.version = 14 : i64} {
  func.func @body(%arg0: i32, %arg1: memref<2048x128xf32, #tpu.memory_space<vmem>>, %arg2: memref<2048x1xf32, #tpu.memory_space<vmem>>, %arg3: memref<2048x128xf32, #tpu.memory_space<vmem>>, %arg4: memref<2048x1xf32, #tpu.memory_space<vmem>>) attributes {dimension_semantics = [#tpu.dimension_semantics<arbitrary>], iteration_bounds = array<i64: 5>, scalar_prefetch = 0 : i64, scratch_operands = 0 : i64, tpu.core_type = #tpu.core_type<tc>, window_params = [{transform_indices = @transform_0, window_bounds = array<i64: 2048, 128>}, {transform_indices = @transform_1, window_bounds = array<i64: 2048, 1>}, {transform_indices = @transform_2, window_bounds = array<i64: 2048, 128>}, {transform_indices = @transform_3, window_bounds = array<i64: 2048, 1>}]} {
    %get3A = arith.constant 0 : index
    %get3A_0 = arith.constant 0 : index
    %get3A_1 = vector.load %arg2[%get3A, %get3A_0] : memref<2048x1xf32, #tpu.memory_space<vmem>>, vector<2048x1xf32>
    %add3A = arith.constant 1.000000e+00 : f32
    %add3A_2 = vector.broadcast %add3A : f32 to vector<2048x1xf32>
    %add3A_3 = arith.addf %add3A_2, %get3A_1 : vector<2048x1xf32>
    %rsqrt3A = math.rsqrt %add3A_3 : vector<2048x1xf32>
    %get3A_4 = arith.constant 0 : index
    %get3A_5 = arith.constant 0 : index
    %get3A_6 = vector.load %arg1[%get3A_4, %get3A_5] : memref<2048x128xf32, #tpu.memory_space<vmem>>, vector<2048x128xf32>
    %mul3A = vector.broadcast %rsqrt3A : vector<2048x1xf32> to vector<2048x128xf32>
    %mul3A_7 = arith.mulf %get3A_6, %mul3A : vector<2048x128xf32>
    %swap3A = arith.constant 0 : index
    %swap3A_8 = arith.constant 0 : index
    %swap3A_9 = vector.load %arg3[%swap3A, %swap3A_8] : memref<2048x128xf32, #tpu.memory_space<vmem>>, vector<2048x128xf32>
    tpu.vector_store %arg3[%swap3A, %swap3A_8], %mul3A_7 {strides = array<i32>} : memref<2048x128xf32, #tpu.memory_space<vmem>>, vector<2048x128xf32>,
    %swap3A_10 = arith.constant 0 : index
    %swap3A_11 = arith.constant 0 : index
    %swap3A_12 = vector.load %arg4[%swap3A_10, %swap3A_11] : memref<2048x1xf32, #tpu.memory_space<vmem>>, vector<2048x1xf32>
    tpu.vector_store %arg4[%swap3A_10, %swap3A_11], %rsqrt3A {strides = array<i32>} : memref<2048x1xf32, #tpu.memory_space<vmem>>, vector<2048x1xf32>,
    return
  }
  func.func @transform_0(%arg0: i32) -> (i32, i32) {
    %c0_i32 = arith.constant 0 : i32
    %c0_i32_0 = arith.constant 0 : i32
    return %arg0, %c0_i32 : i32, i32
  }
  func.func @transform_1(%arg0: i32) -> (i32, i32) {
    %c0_i32 = arith.constant 0 : i32
    %c0_i32_0 = arith.constant 0 : i32
    return %arg0, %c0_i32 : i32, i32
  }
  func.func @transform_2(%arg0: i32) -> (i32, i32) {
    %c0_i32 = arith.constant 0 : i32
    %c0_i32_0 = arith.constant 0 : i32
    return %arg0, %c0_i32 : i32, i32
  }
  func.func @transform_3(%arg0: i32) -> (i32, i32) {
    %c0_i32 = arith.constant 0 : i32
    %c0_i32_0 = arith.constant 0 : i32
    return %arg0, %c0_i32 : i32, i32
  }
}

module attributes {stable_mosaic.version = 14 : i64} {
  func.func @body(%arg0: i32, %arg1: memref<2048x128xf32, #tpu.memory_space<vmem>>, %arg2: memref<2048x128xf32, #tpu.memory_space<vmem>>, %arg3: memref<2048x1xf32, #tpu.memory_space<vmem>>, %arg4: memref<128x128xf32, #tpu.memory_space<vmem>>, %arg5: memref<1x128xf32, #tpu.memory_space<vmem>>, %arg6: memref<2048x128xf32, #tpu.memory_space<vmem>>) attributes {dimension_semantics = [#tpu.dimension_semantics<arbitrary>], iteration_bounds = array<i64: 5>, scalar_prefetch = 0 : i64, scratch_operands = 0 : i64, tpu.core_type = #tpu.core_type<tc>, window_params = [{transform_indices = @transform_0, window_bounds = array<i64: 2048, 128>}, {transform_indices = @transform_1, window_bounds = array<i64: 2048, 128>}, {transform_indices = @transform_2, window_bounds = array<i64: 2048, 1>}, {pipeline_mode = #tpu.pipeline_mode<synchronous>, transform_indices = @transform_3, window_bounds = array<i64: 128, 128>}, {pipeline_mode = #tpu.pipeline_mode<synchronous>, transform_indices = @transform_4, window_bounds = array<i64: 1, 128>}, {transform_indices = @transform_5, window_bounds = array<i64: 2048, 128>}]} {
    %get3A = arith.constant 0 : index
    %get3A_0 = arith.constant 0 : index
    %get3A_1 = vector.load %arg1[%get3A, %get3A_0] : memref<2048x128xf32, #tpu.memory_space<vmem>>, vector<2048x128xf32>
    %get3A_2 = arith.constant 0 : index
    %get3A_3 = arith.constant 0 : index
    %get3A_4 = vector.load %arg2[%get3A_2, %get3A_3] : memref<2048x128xf32, #tpu.memory_space<vmem>>, vector<2048x128xf32>
    %add3A = arith.addf %get3A_1, %get3A_4 : vector<2048x128xf32>
    %get3A_5 = arith.constant 0 : index
    %get3A_6 = arith.constant 0 : index
    %get3A_7 = vector.load %arg3[%get3A_5, %get3A_6] : memref<2048x1xf32, #tpu.memory_space<vmem>>, vector<2048x1xf32>
    %mul3A = vector.broadcast %get3A_7 : vector<2048x1xf32> to vector<2048x128xf32>
    %mul3A_8 = arith.mulf %add3A, %mul3A : vector<2048x128xf32>
    %get3A_9 = arith.constant 0 : index
    %get3A_10 = arith.constant 0 : index
    %get3A_11 = vector.load %arg5[%get3A_9, %get3A_10] : memref<1x128xf32, #tpu.memory_space<vmem>>, vector<1x128xf32>
    %add3A_12 = vector.broadcast %get3A_11 : vector<1x128xf32> to vector<2048x128xf32>
    %add3A_13 = arith.addf %mul3A_8, %add3A_12 : vector<2048x128xf32>
    %max3A = arith.constant 0.000000e+00 : f32
    %max3A_14 = vector.broadcast %max3A : f32 to vector<2048x128xf32>
    %max3A_15 = arith.maximumf %add3A_13, %max3A_14 : vector<2048x128xf32>
    %get3A_16 = arith.constant 0 : index
    %get3A_17 = arith.constant 0 : index
    %get3A_18 = vector.load %arg4[%get3A_16, %get3A_17] : memref<128x128xf32, #tpu.memory_space<vmem>>, vector<128x128xf32>
    %dot_general3A = arith.constant dense<0.000000e+00> : vector<2048x128xf32>
    %dot_general3A_19 = tpu.matmul %max3A_15, %get3A_18, %dot_general3A {dimension_numbers = #tpu.dot_dimension_numbers<[1], [0], [0], [1], [0, 0, 1, 1], [], []>, transpose_lhs_hint = false} : vector<2048x128xf32>, vector<128x128xf32>, vector<2048x128xf32> -> vector<2048x128xf32>
    %mul3A_20 = vector.broadcast %get3A_7 : vector<2048x1xf32> to vector<2048x128xf32>
    %mul3A_21 = arith.mulf %dot_general3A_19, %mul3A_20 : vector<2048x128xf32>
    %swap3A = arith.constant 0 : index
    %swap3A_22 = arith.constant 0 : index
    %swap3A_23 = vector.load %arg6[%swap3A, %swap3A_22] : memref<2048x128xf32, #tpu.memory_space<vmem>>, vector<2048x128xf32>
    tpu.vector_store %arg6[%swap3A, %swap3A_22], %mul3A_21 {strides = array<i32>} : memref<2048x128xf32, #tpu.memory_space<vmem>>, vector<2048x128xf32>,
    return
  }
  func.func @transform_0(%arg0: i32) -> (i32, i32) {
    %c0_i32 = arith.constant 0 : i32
    %c0_i32_0 = arith.constant 0 : i32
    return %arg0, %c0_i32 : i32, i32
  }
  func.func @transform_1(%arg0: i32) -> (i32, i32) {
    %c0_i32 = arith.constant 0 : i32
    %c0_i32_0 = arith.constant 0 : i32
    return %arg0, %c0_i32 : i32, i32
  }
  func.func @transform_2(%arg0: i32) -> (i32, i32) {
    %c0_i32 = arith.constant 0 : i32
    %c0_i32_0 = arith.constant 0 : i32
    return %arg0, %c0_i32 : i32, i32
  }
  func.func @transform_3(%arg0: i32) -> (i32, i32) {
    %c0_i32 = arith.constant 0 : i32
    %c0_i32_0 = arith.constant 0 : i32
    %c0_i32_1 = arith.constant 0 : i32
    return %c0_i32, %c0_i32_0 : i32, i32
  }
  func.func @transform_4(%arg0: i32) -> (i32, i32) {
    %c0_i32 = arith.constant 0 : i32
    %c0_i32_0 = arith.constant 0 : i32
    %c0_i32_1 = arith.constant 0 : i32
    return %c0_i32, %c0_i32_0 : i32, i32
  }
  func.func @transform_5(%arg0: i32) -> (i32, i32) {
    %c0_i32 = arith.constant 0 : i32
    %c0_i32_0 = arith.constant 0 : i32
    return %arg0, %c0_i32 : i32, i32
  }
}

module attributes {stable_mosaic.version = 14 : i64} {
  func.func @body(%arg0: i32, %arg1: memref<1000x128xf32, #tpu.memory_space<vmem>>, %arg2: memref<1000x128xf32, #tpu.memory_space<vmem>>, %arg3: memref<1000x1xf32, #tpu.memory_space<vmem>>, %arg4: memref<1x128xf32, #tpu.memory_space<vmem>>, %arg5: memref<1000x128xf32, #tpu.memory_space<vmem>>) attributes {dimension_semantics = [#tpu.dimension_semantics<arbitrary>], iteration_bounds = array<i64: 10>, scalar_prefetch = 0 : i64, scratch_operands = 0 : i64, tpu.core_type = #tpu.core_type<tc>, window_params = [{transform_indices = @transform_0, window_bounds = array<i64: 1000, 128>}, {transform_indices = @transform_1, window_bounds = array<i64: 1000, 128>}, {transform_indices = @transform_2, window_bounds = array<i64: 1000, 1>}, {pipeline_mode = #tpu.pipeline_mode<synchronous>, transform_indices = @transform_3, window_bounds = array<i64: 1, 128>}, {transform_indices = @transform_4, window_bounds = array<i64: 1000, 128>}]} {
    %get3A = arith.constant 0 : index
    %get3A_0 = arith.constant 0 : index
    %get3A_1 = vector.load %arg1[%get3A, %get3A_0] : memref<1000x128xf32, #tpu.memory_space<vmem>>, vector<1000x128xf32>
    %get3A_2 = arith.constant 0 : index
    %get3A_3 = arith.constant 0 : index
    %get3A_4 = vector.load %arg2[%get3A_2, %get3A_3] : memref<1000x128xf32, #tpu.memory_space<vmem>>, vector<1000x128xf32>
    %add3A = arith.addf %get3A_1, %get3A_4 : vector<1000x128xf32>
    %get3A_5 = arith.constant 0 : index
    %get3A_6 = arith.constant 0 : index
    %get3A_7 = vector.load %arg3[%get3A_5, %get3A_6] : memref<1000x1xf32, #tpu.memory_space<vmem>>, vector<1000x1xf32>
    %mul3A = vector.broadcast %get3A_7 : vector<1000x1xf32> to vector<1000x128xf32>
    %mul3A_8 = arith.mulf %add3A, %mul3A : vector<1000x128xf32>
    %get3A_9 = arith.constant 0 : index
    %get3A_10 = arith.constant 0 : index
    %get3A_11 = vector.load %arg4[%get3A_9, %get3A_10] : memref<1x128xf32, #tpu.memory_space<vmem>>, vector<1x128xf32>
    %add3A_12 = vector.broadcast %get3A_11 : vector<1x128xf32> to vector<1000x128xf32>
    %add3A_13 = arith.addf %mul3A_8, %add3A_12 : vector<1000x128xf32>
    %swap3A = arith.constant 0 : index
    %swap3A_14 = arith.constant 0 : index
    %swap3A_15 = vector.load %arg5[%swap3A, %swap3A_14] : memref<1000x128xf32, #tpu.memory_space<vmem>>, vector<1000x128xf32>
    tpu.vector_store %arg5[%swap3A, %swap3A_14], %add3A_13 {strides = array<i32>} : memref<1000x128xf32, #tpu.memory_space<vmem>>, vector<1000x128xf32>,
    return
  }
  func.func @transform_0(%arg0: i32) -> (i32, i32) {
    %c0_i32 = arith.constant 0 : i32
    %c0_i32_0 = arith.constant 0 : i32
    return %arg0, %c0_i32 : i32, i32
  }
  func.func @transform_1(%arg0: i32) -> (i32, i32) {
    %c0_i32 = arith.constant 0 : i32
    %c0_i32_0 = arith.constant 0 : i32
    return %arg0, %c0_i32 : i32, i32
  }
  func.func @transform_2(%arg0: i32) -> (i32, i32) {
    %c0_i32 = arith.constant 0 : i32
    %c0_i32_0 = arith.constant 0 : i32
    return %arg0, %c0_i32 : i32, i32
  }
  func.func @transform_3(%arg0: i32) -> (i32, i32) {
    %c0_i32 = arith.constant 0 : i32
    %c0_i32_0 = arith.constant 0 : i32
    %c0_i32_1 = arith.constant 0 : i32
    return %c0_i32, %c0_i32_0 : i32, i32
  }
  func.func @transform_4(%arg0: i32) -> (i32, i32) {
    %c0_i32 = arith.constant 0 : i32
    %c0_i32_0 = arith.constant 0 : i32
    return %arg0, %c0_i32 : i32, i32
  }
}

</mosaic_0001>

<sc_bundles>
// kernel: kernel.12.cloned.1.call-start
scs
__scs_entry_jumppad:
0x0: {  	(pc) =	sbr.rel $0x88, $3  }
0x1: {  	(tag) =	ssettag $0x0;
	lr =	simm.s32 $0x1  }
0x2: {  	[smem:$0x3F9B] =	sst lr;
	_ =	strace $0xD0000000  }
0x3: {  	_ = 	snop  }
0x4: {  	_ = 	snop  }
0x5: {  	_ = 	snop  }
0x6: {  	_ = 	snop  }
0x7: {  	_ = 	snop  }
__scs_overlays_trampoline_lowered:
0x8: {  	[smem:$0x3FAA] =	sst s0  }
0x9: {  	[smem:$0x3FAB] =	sst s1  }
0xa: {  	[smem:$0x3FAC] =	sst s2  }
0xb: {  	[smem:$0x3FAD] =	sst s3  }
0xc: {  	[smem:$0x3FAE] =	sst s4  }
0xd: {  	[smem:$0x3FAF] =	sst s5  }
0xe: {  	[smem:$0x3FB0] =	sst s6  }
0xf: {  	[smem:$0x3FB1] =	sst s7  }
0x10: {  	[smem:$0x3FB2] =	sst s8  }
0x11: {  	[smem:$0x3FB3] =	sst s9;
	s0 =	simm.s32 @!p0 $0x0  }
0x12: {  	s1 =	sld [smem:$0x3F99];
	s0 =	simm.s32 @p0 $0x1  }
0x13: {  	[smem:$0x3FB4] =	sst s0;
	s0 =	simm.s32 @!p1 $0x0  }
0x14: {  	s2 =	sld [smem:$0x3F98];
	s0 =	simm.s32 @p1 $0x1  }
0x15: {  	[smem:$0x3FB5] =	sst s0;
	s0 =	simm.s32 @!p2 $0x0  }
0x16: {  	s3 =	sld [smem:$0x3FDB];
	s0 =	simm.s32 @p2 $0x1  }
0x17: {  	s4 =	simm.s32 $0x1BF5;
	[smem:$0x3FB7] =	sst s0  }
0x18: {  	s0 =	sld [smem:$0x3F9A];
	_ =	swait.ge [sflag:s4], $0x0  }
0x19: {  	s7 =	sld [smem:$0x3F9B]  }
0x1a: {  	s8 =	sadd.s32 $0xFFFFE003, lr  }
0x1b: {  	s9 =	sadd.s32 $0xFFFFFEF7, lr;
	s5 =	simm.s32 $0xFFFFFFFF;
	p2 =	slt.u32 s8, $0xFFFFF086  }
0x1c: {  	p1 =	slt.u32 s9, $0xF7A;
	s5 =	simm.s32 @!p2 $0x0  }
0x1d: {  	s5 =	simm.s32 @p1 $0x1;
	p0 =	seq.s32 s7, s2  }
0x1e: {  	s7 =	smul.u32 @!p0 $0xF7A, s2;
	p2 =	seq.s32 @!p0 s5, $0x0  }
0x1f: {  	s9 =	smul.u32 $0xF7A, s1;
	s8 =	simm.s32 @!p0 $0x1BF5;
	p2 =	por !p2, p0  }
0x20: {  	[sflag:s8] =	ssyncset.s32 @!p0 $0xFFFFF086;
	s6 =	sadd.s32 @!p0 s3, s7;
	s7 =	simm.s32 @!p0 $0x108  }
0x21: {  	s3 =	sadd.s32 s3, s9;
	s6 =	sadd.s32 @!p0 $0x88, s6;
	s7 =	simm.s32 @p2 $0x1082  }
0x22: {  	[simem:s7], [sflag:s8] =	dma.local @!p0 [hbm:s6], $0xF7A  }
0x23: {  	s9 =	sor.u32 $0xD0000000, s2;
	s6 =	simm.s32 $0x108;
	_ =	swait.ge @!p0 [sflag:s8], $0x0  }
0x24: {  	s3 =	sadd.s32 $0x88, s3;
	s6 =	simm.s32 @!p1 $0x1082;
	[sflag:s4] =	ssyncset.s32 $0xFFFFF086  }
0x25: {  	[simem:s6], [sflag:s4] =	dma.local [hbm:s3], $0xF7A  }
0x26: {  	[smem:$0x3F9B] =	sst s1;
	(tag) =	ssettag s2;
	_ =	strace s9  }
0x27: {  	s1 =	sld [smem:$0x3FAB]  }
0x28: {  	s2 =	sld [smem:$0x3FAC]  }
0x29: {  	s4 =	sld [smem:$0x3FAE]  }
0x2a: {  	p0 =	seq.s32 s5, $0x0;
	s5 =	sld [smem:$0x3FAF]  }
0x2b: {  	s6 =	sld [smem:$0x3FB0]  }
0x2c: {  	s7 =	sld [smem:$0x3FB1]  }
0x2d: {  	s3 =	simm.s32 $0x108;
	s8 =	sld [smem:$0x3FB2]  }
0x2e: {  	s3 =	simm.s32 @!p0 $0x1082;
	s9 =	sld [smem:$0x3FB3]  }
0x2f: {  	lr =	sadd.s32 s0, s3;
	s0 =	sld [smem:$0x3FAA]  }
0x30: {  	s3 =	sld [smem:$0x3FAD]  }
0x31: {  	[smem:$0x3FB6] =	sst s10  }
0x32: {  	s10 =	sld [smem:$0x3FB4];
	_ =	sdelay $0x3  }
0x33: {  	p0 =	seq.s32 s10, $0x1;
	s10 =	sld [smem:$0x3FB6];
	_ =	sdelay $0x3  }
0x34: {  	[smem:$0x3FB6] =	sst s10  }
0x35: {  	s10 =	sld [smem:$0x3FB5];
	_ =	sdelay $0x3  }
0x36: {  	p1 =	seq.s32 s10, $0x1;
	s10 =	sld [smem:$0x3FB6];
	_ =	sdelay $0x3  }
0x37: {  	[smem:$0x3FB6] =	sst s10  }
0x38: {  	s10 =	sld [smem:$0x3FB7]  }
0x39: {  	_ = 	snop;
	(pc) =	sbr.ind lr, $3  }
0x3a: {  	_ = 	snop  }
0x3b: {  	_ = 	snop  }
0x3c: {  	p2 =	seq.s32 s10, $0x1;
	s10 =	sld [smem:$0x3FB6]  }
0x3d: {  	_ =	shalt  }
0x3e: {  	_ =	shalt  }
0x3f: {  	_ =	shalt  }
0x40: {  	_ =	shalt  }
0x41: {  	_ =	shalt  }
0x42: {  	_ =	shalt  }
0x43: {  	_ =	shalt  }
0x44: {  	_ =	shalt  }
0x45: {  	_ =	shalt  }
0x46: {  	_ =	shalt  }
0x47: {  	_ =	shalt  }
0x48: {  	_ =	shalt  }
0x49: {  	_ =	shalt  }
0x4a: {  	_ =	shalt  }
0x4b: {  	_ =	shalt  }
0x4c: {  	_ =	shalt  }
0x4d: {  	_ =	shalt  }
0x4e: {  	_ =	shalt  }
0x4f: {  	_ =	shalt  }
0x50: {  	_ =	shalt  }
0x51: {  	_ =	shalt  }
0x52: {  	_ =	shalt  }
0x53: {  	_ =	shalt  }
0x54: {  	_ =	shalt  }
0x55: {  	_ =	shalt  }
0x56: {  	_ =	shalt  }
0x57: {  	_ =	shalt  }
0x58: {  	_ =	shalt  }
0x59: {  	_ =	shalt  }
0x5a: {  	_ =	shalt  }
0x5b: {  	_ =	shalt  }
0x5c: {  	_ =	shalt  }
0x5d: {  	_ =	shalt  }
0x5e: {  	_ =	shalt  }
0x5f: {  	_ =	shalt  }
0x60: {  	_ =	shalt  }
0x61: {  	_ =	shalt  }
0x62: {  	_ =	shalt  }
0x63: {  	_ =	shalt  }
0x64: {  	_ =	shalt  }
0x65: {  	_ =	shalt  }
0x66: {  	_ =	shalt  }
0x67: {  	_ =	shalt  }
0x68: {  	_ =	shalt  }
0x69: {  	_ =	shalt  }
0x6a: {  	_ =	shalt  }
0x6b: {  	_ =	shalt  }
0x6c: {  	_ =	shalt  }
0x6d: {  	_ =	shalt  }
0x6e: {  	_ =	shalt  }
0x6f: {  	_ =	shalt  }
0x70: {  	_ =	shalt  }
0x71: {  	_ =	shalt  }
0x72: {  	_ =	shalt  }
0x73: {  	_ =	shalt  }
0x74: {  	_ =	shalt  }
0x75: {  	_ =	shalt  }
0x76: {  	_ =	shalt  }
0x77: {  	_ =	shalt  }
0x78: {  	_ =	shalt  }
0x79: {  	_ =	shalt  }
0x7a: {  	_ =	shalt  }
0x7b: {  	_ =	shalt  }
0x7c: {  	_ =	shalt  }
0x7d: {  	_ =	shalt  }
0x7e: {  	_ =	shalt  }
0x7f: {  	_ =	shalt  }
0x80: {  	_ =	shalt  }
0x81: {  	_ =	shalt  }
0x82: {  	_ =	shalt  }
0x83: {  	_ =	shalt  }
0x84: {  	_ =	shalt  }
0x85: {  	_ =	shalt  }
0x86: {  	_ =	shalt  }
0x87: {  	_ =	shalt  }
.Lfunc_end0:
.L_simem_size_0:
called_computation.1_lowered:
.L_overlay_start_0:
0x88: {  	s2 =	sld [smem:$0x3FD9]  }
0x89: {  	s3 =	sld [smem:$0x3FFE];
	_ =	sdelay $0x1  }
0x8a: {  	s1 =	srdreg.scid  }
0x8b: {  	s0 =	sand.u32 $0x1, s1  }
0x8c: {  	s17 =	sshll.u32 s0, $0xA;
	s2 =	sadd.s32 s3, s2  }
0x8d: {  	s2 =	sadd.s32 s2, s17  }
0x8e: {  	[smem:$0x3FC2] =	sst s2  }
0x8f: {  	_ = 	snop  }
0x90: {  	s2 =	sld [smem:$0x3FD0];
	(tm) =	ssettm $0x1  }
0x91: {  	s18 =	sld [smem:$0x3FFB];
	_ =	sdelay $0x3  }
0x92: {  	_ =	strace s18  }
0x93: {  	s3 =	sld [smem:$0x3FFC];
	_ =	sdelay $0x3  }
0x94: {  	_ =	strace s3  }
0x95: {  	s3 =	sld [smem:$0x3FFD];
	_ =	sdelay $0x3  }
0x96: {  	_ =	strace s3  }
0x97: {  	_ =	strace $0x8FFFFFFF  }
0x98: {  	s19 =	sld [smem:$0x3FDB];
	_ =	sdelay $0x1  }
0x99: {  	s4 =	simm.s32 $_scs_section_size  }
0x9a: {  	s5 =	simm.s32 $_size__tile_overlayer_lowered;
	s6 =	simm.s32 $_tile_overlayer_lowered  }
0x9b: {  	s22 =	simm.s32 $0x1BFF;
	s21 =	sshll.u32 s6, $0x1;
	s3 =	sadd.s32 s4, s19  }
0x9c: {  	s7 =	simm.s32 $0x0;
	s20 =	sshll.u32 s5, $0x1;
	s5 =	sadd.s32 s21, s3  }
0x9d: {  	[timem:s7], [sflag:s22] =	dma.local [hbm:s5], s20  }
0x9e: {  	_ =	swait.ge [sflag:s22], s20  }
0x9f: {  	s4 =	ssub.s32 $0x0, s20;
	[sflag:s22] =	ssyncset.done $0x0  }
0xa0: {  	[sflag:s22] =	ssyncadd.s32 s4;
	_ =	sdelay $0x1  }
0xa1: {  	s23 =	simm.s32 $0x1B8B  }
0xa2: {  	_ =	swait.ge [sflag:s23], $0x1  }
0xa3: {  	[sflag:s23] =	ssyncset.done $0x0  }
0xa4: {  	s25 =	simm.s32 $0x1B8E;
	s24 =	sld [smem:$0x3FFE];
	[sflag:s23] =	ssyncadd.s32 $0xFFFFFFFF  }
0xa5: {  	s26 =	simm.s32 $execute0_lowered;
	[smem:$0x3FD2] =	sst s25  }
0xa6: {  	s5 =	sshll.u32 s26, $0x1;
	_ =	strace $0x80000049;
	[dreg:$0x1] =	wrdreg $0xFFFFFFFF  }
0xa7: {  	s28 =	simm.s32 $_size_execute0_lowered;
	s3 =	sadd.s32 s3, s5;
	[dreg:$0x0] =	wrdreg $0x0  }
0xa8: {  	s5 =	sshll.u32 s28, $0x1;
	[dreg:$0x2] =	wrdreg s3  }
0xa9: {  	[dreg:$0x3] =	wrdreg s5  }
0xaa: {  	[dreg:$0x4] =	wrdreg $0xC0  }
0xab: {  	_ =	task [dreg:s7], $0x5FFFF  }
0xac: {  	[dreg:$0x1] =	wrdreg $0xFFFFFFFF  }
0xad: {  	[dreg:$0x0] =	wrdreg $0x60  }
0xae: {  	[dreg:$0x2] =	wrdreg s24  }
0xaf: {  	[dreg:$0x3] =	wrdreg s2  }
0xb0: {  	[dreg:$0x4] =	wrdreg $0x15C000  }
0xb1: {  	[dreg:$0x5] =	wrdreg $0x9  }
0xb2: {  	_ =	task.clear_ibuf [dreg:s7], $0x6FFFF;
	_ =	strace $0x90000049  }
0xb3: {  	s29 =	simm.s32 $0x9;
	_ =	strace $0x8000004B  }
0xb4: {  	_ =	swait.ge [sflag:s29], $0x1  }
0xb5: {  	[sflag:s29] =	ssyncadd.s32 $0xFFFFFFFF  }
0xb6: {  	_ =	strace $0x9000004B  }
0xb7: {  	_ =	sfence  }
0xb8: {  	s30 =	sld [smem:$0x0];
	_ =	sdelay $0x2  }
0xb9: {  	s31 =	sshll.u32 s1, $0xD;
	s1 =	sshrl.u32 s1, $0x2  }
0xba: {  	s3 =	sand.u32 $0x4000, s31;
	s1 =	sadd.s32 s1, s30  }
0xbb: {  	s0 =	sor.u32 s3, s0;
	s1 =	sshll.u32 s1, $0x11  }
0xbc: {  	s0 =	sor.u32 s1, s0  }
0xbd: {  	s0 =	sadd.s32 $0x8F2B, s0  }
0xbe: {  	[sflag:s0] =	ssyncadd.remote.s32 $0x1  }
0xbf: {  	_ =	sfence.sel $0xFFFF  }
0xc0: {  	[dreg:$0x0] =	wrdreg $0xFFFFFFFF;
	(pc) =	sbr.abs _section_cstart, $3  }
0xc1: {  	[dreg:$0x1] =	wrdreg $0xFFFFFFFF  }
0xc2: {  	_ =	task.clear_ibuf [dreg:s7], $0x2FFFF;
	_ =	strace $0x9FFFFFFF  }
0xc3: {  	(tm) =	ssettm $0x7FFFFFFF  }
tec
execute0_lowered:
.L_overlay_start_1:
0x0: {  	(tag) =	ssettag $0x1  }
0x1: {  	s0 =	rddreg [dreg:$0x0]  }
0x2: {  	s1 =	rddreg [dreg:$0x1]  }
0x3: {  	s2 =	rddreg [dreg:$0x2];
	s3 =	srdreg.scid;
	s4 =	simm.s32 $0x0  }
0x4: {  	s10 =	stileid.u32;
	s28 =	simm.s32 $0x3;
	s29 =	simm.s32 $0x2800  }
0x5: {  	s30 =	simm.s32 $0x80;
	s31 =	simm.s32 $0x5000;
	s11 =	simm.s32 $0x11000  }
0x6: {  	s3 =	sand.u32 $0x1, s3;
	[smem:$0x7FF] =	sst s4;
	s8 =	smul.u32 $0x1400, s10  }
0x7: {  	s5 =	sadd.s32 $0x17000, s0;
	s9 =	smul.u32 $0x28000, s10;
	s12 =	ssub.s32 $0x2, s3  }
0x8: {  	s6 =	sadd.s32 $0x3000, s0;
	s7 =	smul.u32 $0x14000, s3;
	s13 =	sshrl.u32 s12, $0x1  }
0x9: {  	_ =	strace $0x8000004A;
	s15 =	sshrl.u32 s9, $0x2;
	s14 =	ssub.s32 s12, s13  }
0xa: {  	s7 =	sadd.s32 s8, s7;
	s8 =	sadd.s32 s15, s2;
	s16 =	smax.u32 s14, $0x1  }
0xb: {  	s3 =	sshll.u32 s3, $0x4;
	s17 =	sadd.s32 $0xA00, s8;
	[dreg:$0x5] =	wrdreg s16  }
0xc: {  	s3 =	sor.u32 s10, s3;
	s18 =	sadd.s32 $0x1400, s8;
	[dreg:$0x6] =	wrdreg s17  }
0xd: {  	s9 =	simm.s32 $0xD000;
	s19 =	sadd.s32 $0x1E00, s8;
	[dreg:$0x7] =	wrdreg s18  }
0xe: {  	s10 =	simm.s32 $0x180;
	s20 =	sadd.s32 $0x2800, s8;
	[dreg:$0x8] =	wrdreg s19  }
0xf: {  	s12 =	simm.s32 $0x1;
	s21 =	sadd.s32 $0x3200, s8;
	[dreg:$0x9] =	wrdreg s20  }
0x10: {  	s13 =	simm.s32 $0x2880;
	s22 =	sadd.s32 $0x3C00, s8;
	[dreg:$0xa] =	wrdreg s21  }
0x11: {  	s15 =	simm.s32 $0x2980;
	s23 =	sadd.s32 $0x4600, s8;
	[dreg:$0xb] =	wrdreg s22  }
0x12: {  	s0 =	sadd.s32 s7, s0;
	s24 =	sadd.s32 $0x5000, s8;
	[dreg:$0xc] =	wrdreg s23  }
0x13: {  	s7 =	smul.u32 $0x5000, s3;
	s25 =	sadd.s32 $0x5A00, s8;
	[dreg:$0xd] =	wrdreg s24  }
0x14: {  	s26 =	sadd.s32 $0x6400, s8;
	s3 =	simm.s32 $0x100;
	[dreg:$0xe] =	wrdreg s25  }
0x15: {  	s14 =	simm.s32 $0x2900;
	s0 =	sadd.s32 $0x3F000, s0;
	[dreg:$0xf] =	wrdreg s26  }
0x16: {  	s21 =	sadd.s32 $0x6E00, s8;
	s22 =	sadd.s32 $0x7800, s8;
	s23 =	sadd.s32 $0x8200, s8  }
0x17: {  	s24 =	sadd.s32 $0x8C00, s8;
	s25 =	sadd.s32 $0x9600, s8;
	s26 =	simm.s32 $0x15000  }
0x18: {  	v0 =	vimm.f32 $0.0e+00;
	s16 =	simm.s32 $0x2;
	[dreg:$0x4] =	wrdreg s0;
	s0 =	simm.s32 $0x9000  }
.LBB2_1:
0x19: {  	s17 =	simm.s32 $0x0;
	s18 =	simm.s32 $0x200  }
.LBB2_2:
0x1a: {  	p0 =	sne.s32 s18, $0x2600;
	[tilespmem:s17+$0x15070] =	vst v0  }
0x1b: {  	[tilespmem:s17+$0x15000] =	vst v0  }
0x1c: {  	[tilespmem:s17+$0x15010] =	vst v0  }
.Ltmp0:
0x1d: {  	[tilespmem:s17+$0x15020] =	vst v0;
	(pc) =	sbr.rel @p0 .LBB2_2-.Ltmp0, $4  }
0x1e: {  	[tilespmem:s17+$0x15030] =	vst v0  }
0x1f: {  	[tilespmem:s17+$0x15040] =	vst v0  }
0x20: {  	[tilespmem:s17+$0x15050] =	vst v0  }
0x21: {  	[tilespmem:s17+$0x15060] =	vst v0;
	s17 =	sshra.s32 s18, $0x2;
	s18 =	sadd.s32 $0x200, s18  }
0x22: {  	[tilespmem:s17+$0x15070] =	vst v0  }
0x23: {  	[tilespmem:s17+$0x15000] =	vst v0  }
0x24: {  	[tilespmem:s17+$0x15010] =	vst v0  }
0x25: {  	[tilespmem:s17+$0x15020] =	vst v0  }
0x26: {  	[tilespmem:s17+$0x15030] =	vst v0  }
0x27: {  	[tilespmem:s17+$0x15040] =	vst v0  }
0x28: {  	[tilespmem:s17+$0x15050] =	vst v0  }
0x29: {  	[tilespmem:s17+$0x15060] =	vst v0  }
0x2a: {  	[spmem:s8] =	stream.linear.scatter [tilespmem:s26], [sflag:$0x3], $0xA00, $0x38;
	[tilespmem:$0x1FC00] =	vst v63  }
0x2b: {  	_ =	swait.ge [sflag:s28], $0xA00  }
0x2c: {  	[sflag:s28] =	ssyncset.done $0x0  }
0x2d: {  	s20 =	rddreg [dreg:$0x6];
	[sflag:s28] =	ssyncadd.s32 $0xFFFFF600  }
0x2e: {  	[spmem:s20] =	stream.linear.scatter [tilespmem:s26], [sflag:$0x3], $0xA00, $0x38;
	[tilespmem:$0x1FC00] =	vst v63  }
0x2f: {  	_ =	swait.ge [sflag:s28], $0xA00  }
0x30: {  	[sflag:s28] =	ssyncset.done $0x0  }
0x31: {  	s18 =	rddreg [dreg:$0x7];
	[sflag:s28] =	ssyncadd.s32 $0xFFFFF600  }
0x32: {  	[spmem:s18] =	stream.linear.scatter [tilespmem:s26], [sflag:$0x3], $0xA00, $0x38;
	[tilespmem:$0x1FC00] =	vst v63  }
0x33: {  	_ =	swait.ge [sflag:s28], $0xA00  }
0x34: {  	[sflag:s28] =	ssyncset.done $0x0  }
0x35: {  	s19 =	rddreg [dreg:$0x8];
	[sflag:s28] =	ssyncadd.s32 $0xFFFFF600  }
0x36: {  	[spmem:s19] =	stream.linear.scatter [tilespmem:s26], [sflag:$0x3], $0xA00, $0x38;
	[tilespmem:$0x1FC00] =	vst v63  }
0x37: {  	_ =	swait.ge [sflag:s28], $0xA00  }
0x38: {  	[sflag:s28] =	ssyncset.done $0x0  }
0x39: {  	s20 =	rddreg [dreg:$0x9];
	[sflag:s28] =	ssyncadd.s32 $0xFFFFF600  }
0x3a: {  	[spmem:s20] =	stream.linear.scatter [tilespmem:s26], [sflag:$0x3], $0xA00, $0x38;
	[tilespmem:$0x1FC00] =	vst v63  }
0x3b: {  	_ =	swait.ge [sflag:s28], $0xA00  }
0x3c: {  	[sflag:s28] =	ssyncset.done $0x0  }
0x3d: {  	s18 =	rddreg [dreg:$0xa];
	[sflag:s28] =	ssyncadd.s32 $0xFFFFF600  }
0x3e: {  	[spmem:s18] =	stream.linear.scatter [tilespmem:s26], [sflag:$0x3], $0xA00, $0x38;
	[tilespmem:$0x1FC00] =	vst v63  }
0x3f: {  	_ =	swait.ge [sflag:s28], $0xA00  }
0x40: {  	[sflag:s28] =	ssyncset.done $0x0  }
0x41: {  	s19 =	rddreg [dreg:$0xb];
	[sflag:s28] =	ssyncadd.s32 $0xFFFFF600  }
0x42: {  	[spmem:s19] =	stream.linear.scatter [tilespmem:s26], [sflag:$0x3], $0xA00, $0x38;
	[tilespmem:$0x1FC00] =	vst v63  }
0x43: {  	_ =	swait.ge [sflag:s28], $0xA00  }
0x44: {  	[sflag:s28] =	ssyncset.done $0x0  }
0x45: {  	s20 =	rddreg [dreg:$0xc];
	[sflag:s28] =	ssyncadd.s32 $0xFFFFF600  }
0x46: {  	[spmem:s20] =	stream.linear.scatter [tilespmem:s26], [sflag:$0x3], $0xA00, $0x38;
	[tilespmem:$0x1FC00] =	vst v63  }
0x47: {  	_ =	swait.ge [sflag:s28], $0xA00  }
0x48: {  	[sflag:s28] =	ssyncset.done $0x0  }
0x49: {  	s18 =	rddreg [dreg:$0xd];
	[sflag:s28] =	ssyncadd.s32 $0xFFFFF600  }
0x4a: {  	[spmem:s18] =	stream.linear.scatter [tilespmem:s26], [sflag:$0x3], $0xA00, $0x38;
	[tilespmem:$0x1FC00] =	vst v63  }
0x4b: {  	_ =	swait.ge [sflag:s28], $0xA00  }
0x4c: {  	[sflag:s28] =	ssyncset.done $0x0  }
0x4d: {  	s19 =	rddreg [dreg:$0xe];
	[sflag:s28] =	ssyncadd.s32 $0xFFFFF600  }
0x4e: {  	[spmem:s19] =	stream.linear.scatter [tilespmem:s26], [sflag:$0x3], $0xA00, $0x38;
	[tilespmem:$0x1FC00] =	vst v63  }
0x4f: {  	_ =	swait.ge [sflag:s28], $0xA00  }
0x50: {  	[sflag:s28] =	ssyncset.done $0x0  }
0x51: {  	s20 =	rddreg [dreg:$0xf];
	[sflag:s28] =	ssyncadd.s32 $0xFFFFF600  }
0x52: {  	[spmem:s20] =	stream.linear.scatter [tilespmem:s26], [sflag:$0x3], $0xA00, $0x38;
	[tilespmem:$0x1FC00] =	vst v63  }
0x53: {  	_ =	swait.ge [sflag:s28], $0xA00  }
0x54: {  	[sflag:s28] =	ssyncset.done $0x0  }
0x55: {  	[sflag:s28] =	ssyncadd.s32 $0xFFFFF600  }
0x56: {  	[spmem:s21] =	stream.linear.scatter [tilespmem:s26], [sflag:$0x3], $0xA00, $0x38;
	[tilespmem:$0x1FC00] =	vst v63  }
0x57: {  	_ =	swait.ge [sflag:s28], $0xA00  }
0x58: {  	[sflag:s28] =	ssyncset.done $0x0  }
0x59: {  	[sflag:s28] =	ssyncadd.s32 $0xFFFFF600  }
0x5a: {  	[spmem:s22] =	stream.linear.scatter [tilespmem:s26], [sflag:$0x3], $0xA00, $0x38;
	[tilespmem:$0x1FC00] =	vst v63  }
0x5b: {  	_ =	swait.ge [sflag:s28], $0xA00  }
0x5c: {  	[sflag:s28] =	ssyncset.done $0x0  }
0x5d: {  	[sflag:s28] =	ssyncadd.s32 $0xFFFFF600  }
0x5e: {  	[spmem:s23] =	stream.linear.scatter [tilespmem:s26], [sflag:$0x3], $0xA00, $0x38;
	[tilespmem:$0x1FC00] =	vst v63  }
0x5f: {  	_ =	swait.ge [sflag:s28], $0xA00  }
0x60: {  	[sflag:s28] =	ssyncset.done $0x0  }
0x61: {  	[sflag:s28] =	ssyncadd.s32 $0xFFFFF600  }
0x62: {  	[spmem:s24] =	stream.linear.scatter [tilespmem:s26], [sflag:$0x3], $0xA00, $0x38;
	[tilespmem:$0x1FC00] =	vst v63  }
0x63: {  	_ =	swait.ge [sflag:s28], $0xA00  }
0x64: {  	[sflag:s28] =	ssyncset.done $0x0  }
0x65: {  	[sflag:s28] =	ssyncadd.s32 $0xFFFFF600  }
0x66: {  	[spmem:s25] =	stream.linear.scatter [tilespmem:s26], [sflag:$0x3], $0xA00, $0x38;
	[tilespmem:$0x1FC00] =	vst v63  }
0x67: {  	_ =	swait.ge [sflag:s28], $0xA00  }
0x68: {  	[sflag:s28] =	ssyncset.done $0x0  }
0x69: {  	s17 =	simm.s32 $0x0;
	[sflag:s28] =	ssyncadd.s32 $0xFFFFF600  }
0x6a: {  	p1 =	por $0x1, $0x1;
	s18 =	simm.s32 $0x0;
	[bflag:$0x0] =	sbarrier.arrive $0xFFFF  }
.LBB2_4:
0x6b: {  	s18 =	sadd.s32 s7, s18  }
0x6c: {  	s18 =	sshrl.u32 s18, $0x3  }
0x6d: {  	s19 =	sadd.s32 s6, s18  }
0x6e: {  	[tilespmem:s17], [sflag:$0x3] =	stream.linear.gather [hbm4b:s19+s17], $0x2800, $0x38;
	[tilespmem:$0x1FC00] =	vst v63  }
0x6f: {  	_ =	swait.ge [sflag:s28], $0x2800  }
0x70: {  	[sflag:s28] =	ssyncset.done $0x0  }
0x71: {  	s18 =	sadd.s32 s1, s18;
	[sflag:s28] =	ssyncadd.s32 $0xFFFFD800  }
0x72: {  	[tilespmem:s29], [sflag:$0x3] =	stream.linear.gather [hbm4b:s18+s17], $0x2800, $0x38;
	[tilespmem:$0x1FC00] =	vst v63  }
0x73: {  	_ =	swait.ge [sflag:s28], $0x2800  }
0x74: {  	[sflag:s28] =	ssyncset.done $0x0  }
0x75: {  	[sflag:s28] =	ssyncadd.s32 $0xFFFFD800;
	(ifvalue) =	ssetifvalue $0xFFFFFFFF  }
0x76: {  	(ifvalue) =	ssetifvalue $0xFFFFFFFF  }
0x77: {  	[tilespmem:s31], [sflag:$0x1] =	stream.indirect.gather [hbm4b:s5+s30], $0x80, s17, s30, $0x40b8;
	[tilespmem:$0x1FC00] =	vst v63  }
0x78: {  	(ifvalue) =	ssetifvalue $0xFFFFFFFF  }
0x79: {  	(ifvalue) =	ssetifvalue $0xFFFFFFFF  }
0x7a: {  	[tilespmem:s0], [sflag:$0x1] =	stream.indirect.gather [hbm4b:s5+s30], $0x80, s30, s30, $0x40b8;
	[tilespmem:$0x1FC00] =	vst v63  }
0x7b: {  	(ifvalue) =	ssetifvalue $0xFFFFFFFF  }
0x7c: {  	(ifvalue) =	ssetifvalue $0xFFFFFFFF  }
0x7d: {  	[tilespmem:s9], [sflag:$0x1] =	stream.indirect.gather [hbm4b:s5+s30], $0x80, s3, s30, $0x40b8;
	[tilespmem:$0x1FC00] =	vst v63  }
0x7e: {  	(ifvalue) =	ssetifvalue $0xFFFFFFFF  }
0x7f: {  	(ifvalue) =	ssetifvalue $0xFFFFFFFF  }
0x80: {  	[tilespmem:s11], [sflag:$0x1] =	stream.indirect.gather [hbm4b:s5+s30], $0x80, s10, s30, $0x40b8;
	[tilespmem:$0x1FC00] =	vst v63  }
0x81: {  	_ =	swait.ge [sflag:s12], $0x4000  }
0x82: {  	[sflag:s12] =	ssyncset.done $0x0  }
0x83: {  	[sflag:s12] =	ssyncadd.s32 $0xFFFFC000;
	(ifvalue) =	ssetifvalue $0xFFFFFFFF  }
0x84: {  	[spmem:s2] =	stream.indirect.scatter.add.f32 [tilespmem:s31], [sflag:$0x2], $0x80, s29, s30, $0x40b8;
	[tilespmem:$0x1FC00] =	vst v63  }
0x85: {  	_ =	swait.ge [sflag:s12], $0x4000  }
0x86: {  	[sflag:s12] =	ssyncset.done $0x0  }
0x87: {  	[sflag:s12] =	ssyncadd.s32 $0xFFFFC000;
	(ifvalue) =	ssetifvalue $0xFFFFFFFF  }
0x88: {  	[spmem:s2] =	stream.indirect.scatter.add.f32 [tilespmem:s0], [sflag:$0x2], $0x80, s13, s30, $0x40b8;
	[tilespmem:$0x1FC00] =	vst v63  }
0x89: {  	_ =	swait.ge [sflag:s12], $0x4000  }
0x8a: {  	[sflag:s12] =	ssyncset.done $0x0  }
0x8b: {  	[sflag:s12] =	ssyncadd.s32 $0xFFFFC000;
	(ifvalue) =	ssetifvalue $0xFFFFFFFF  }
0x8c: {  	[spmem:s2] =	stream.indirect.scatter.add.f32 [tilespmem:s9], [sflag:$0x2], $0x80, s14, s30, $0x40b8;
	[tilespmem:$0x1FC00] =	vst v63  }
0x8d: {  	_ =	swait.ge [sflag:s12], $0x4000  }
0x8e: {  	p0 =	por p1, p1;
	[sflag:s12] =	ssyncset.done $0x0  }
0x8f: {  	s18 =	simm.s32 $0x0;
	[sflag:s12] =	ssyncadd.s32 $0xFFFFC000;
	(ifvalue) =	ssetifvalue $0xFFFFFFFF  }
0x90: {  	[spmem:s2] =	stream.indirect.scatter.add.f32 [tilespmem:s11], [sflag:$0x2], $0x80, s15, s30, $0x40b8;
	[tilespmem:$0x1FC00] =	vst v63  }
.LBB2_5:
0x91: {  	_ =	swait.ge [sflag:s16], $0x4000  }
0x92: {  	[sflag:s16] =	ssyncset.done $0x0  }
0x93: {  	s19 =	sshra.s32 s18, $0x2;
	[sflag:s16] =	ssyncadd.s32 $0xFFFFC000;
	(ifvalue) =	ssetifvalue $0xFFFFFFFF  }
0x94: {  	s20 =	sadd.s32 $0x200, s19;
	(ifvalue) =	ssetifvalue $0xFFFFFFFF  }
0x95: {  	[tilespmem:s31], [sflag:$0x1] =	stream.indirect.gather [hbm4b:s5+s30], $0x80, s20, s30, $0x40b8;
	[tilespmem:$0x1FC00] =	vst v63  }
0x96: {  	_ =	swait.ge [sflag:s16], $0x4000  }
0x97: {  	[sflag:s16] =	ssyncset.done $0x0  }
0x98: {  	[sflag:s16] =	ssyncadd.s32 $0xFFFFC000;
	(ifvalue) =	ssetifvalue $0xFFFFFFFF  }
0x99: {  	s20 =	sadd.s32 $0x280, s19;
	(ifvalue) =	ssetifvalue $0xFFFFFFFF  }
0x9a: {  	[tilespmem:s0], [sflag:$0x1] =	stream.indirect.gather [hbm4b:s5+s30], $0x80, s20, s30, $0x40b8;
	[tilespmem:$0x1FC00] =	vst v63  }
0x9b: {  	_ =	swait.ge [sflag:s16], $0x4000  }
0x9c: {  	[sflag:s16] =	ssyncset.done $0x0  }
0x9d: {  	[sflag:s16] =	ssyncadd.s32 $0xFFFFC000;
	(ifvalue) =	ssetifvalue $0xFFFFFFFF  }
0x9e: {  	s20 =	sadd.s32 $0x300, s19;
	(ifvalue) =	ssetifvalue $0xFFFFFFFF  }
0x9f: {  	[tilespmem:s9], [sflag:$0x1] =	stream.indirect.gather [hbm4b:s5+s30], $0x80, s20, s30, $0x40b8;
	[tilespmem:$0x1FC00] =	vst v63  }
0xa0: {  	_ =	swait.ge [sflag:s16], $0x4000  }
0xa1: {  	[sflag:s16] =	ssyncset.done $0x0  }
0xa2: {  	[sflag:s16] =	ssyncadd.s32 $0xFFFFC000;
	(ifvalue) =	ssetifvalue $0xFFFFFFFF  }
0xa3: {  	s20 =	sadd.s32 $0x380, s19;
	(ifvalue) =	ssetifvalue $0xFFFFFFFF  }
0xa4: {  	[tilespmem:s11], [sflag:$0x1] =	stream.indirect.gather [hbm4b:s5+s30], $0x80, s20, s30, $0x40b8;
	[tilespmem:$0x1FC00] =	vst v63  }
0xa5: {  	_ =	swait.ge [sflag:s12], $0x4000  }
0xa6: {  	[sflag:s12] =	ssyncset.done $0x0  }
0xa7: {  	s20 =	sadd.s32 $0x2A00, s19;
	[sflag:s12] =	ssyncadd.s32 $0xFFFFC000;
	(ifvalue) =	ssetifvalue $0xFFFFFFFF  }
0xa8: {  	[spmem:s2] =	stream.indirect.scatter.add.f32 [tilespmem:s31], [sflag:$0x2], $0x80, s20, s30, $0x40b8;
	[tilespmem:$0x1FC00] =	vst v63  }
0xa9: {  	_ =	swait.ge [sflag:s12], $0x4000  }
0xaa: {  	[sflag:s12] =	ssyncset.done $0x0  }
0xab: {  	s20 =	sadd.s32 $0x2A80, s19;
	[sflag:s12] =	ssyncadd.s32 $0xFFFFC000;
	(ifvalue) =	ssetifvalue $0xFFFFFFFF  }
0xac: {  	[spmem:s2] =	stream.indirect.scatter.add.f32 [tilespmem:s0], [sflag:$0x2], $0x80, s20, s30, $0x40b8;
	[tilespmem:$0x1FC00] =	vst v63  }
0xad: {  	_ =	swait.ge [sflag:s12], $0x4000  }
0xae: {  	p1 =	sne.s32 s18, $0x9000;
	[sflag:s12] =	ssyncset.done $0x0  }
0xaf: {  	s20 =	sadd.s32 $0x2B00, s19;
	[sflag:s12] =	ssyncadd.s32 $0xFFFFC000;
	(ifvalue) =	ssetifvalue $0xFFFFFFFF  }
0xb0: {  	[spmem:s2] =	stream.indirect.scatter.add.f32 [tilespmem:s9], [sflag:$0x2], $0x80, s20, s30, $0x40b8;
	[tilespmem:$0x1FC00] =	vst v63  }
.Ltmp1:
0xb1: {  	_ = 	snop;
	(pc) =	sbr.rel @p1 .LBB2_5-.Ltmp1, $4  }
0xb2: {  	_ =	swait.ge [sflag:s12], $0x4000  }
0xb3: {  	s18 =	sadd.s32 $0x800, s18;
	[sflag:s12] =	ssyncset.done $0x0  }
0xb4: {  	s19 =	sadd.s32 $0x2B80, s19;
	[sflag:s12] =	ssyncadd.s32 $0xFFFFC000;
	(ifvalue) =	ssetifvalue $0xFFFFFFFF  }
0xb5: {  	[spmem:s2] =	stream.indirect.scatter.add.f32 [tilespmem:s11], [sflag:$0x2], $0x80, s19, s30, $0x40b8;
	[tilespmem:$0x1FC00] =	vst v63  }
0xb6: {  	_ =	swait.ge [sflag:s16], $0x4000  }
0xb7: {  	[sflag:s16] =	ssyncset.done $0x0  }
0xb8: {  	[sflag:s16] =	ssyncadd.s32 $0xFFFFC000  }
0xb9: {  	_ =	swait.ge [sflag:s16], $0x4000  }
0xba: {  	[sflag:s16] =	ssyncset.done $0x0  }
0xbb: {  	[sflag:s16] =	ssyncadd.s32 $0xFFFFC000  }
0xbc: {  	_ =	swait.ge [sflag:s16], $0x4000  }
.Ltmp2:
0xbd: {  	[sflag:s16] =	ssyncset.done $0x0;
	(pc) =	sbr.rel @p0 .LBB2_4-.Ltmp2, $4  }
0xbe: {  	[sflag:s16] =	ssyncadd.s32 $0xFFFFC000  }
0xbf: {  	_ =	swait.ge [sflag:s16], $0x4000  }
0xc0: {  	[sflag:s16] =	ssyncset.done $0x0  }
0xc1: {  	s18 =	simm.s32 $0x2800;
	p1 =	por $0x0, $0x0;
	[sflag:s16] =	ssyncadd.s32 $0xFFFFC000  }
0xc2: {  	s17 =	stileid.u32  }
0xc3: {  	[bflag:$0x0] =	sbarrier.arrive $0xFFFF;
	s17 =	sshll.u32 s17, $0x6  }
0xc4: {  	s18 =	sshrl.u32 s8, $0x3;
	s19 =	rddreg [dreg:$0x4];
	s17 =	sor.u32 $0x1C03, s17  }
0xc5: {  	[hbm:s19], [sflag:s17] =	dma.local [spmem:s18], $0x1400  }
0xc6: {  	_ =	swait.ge [sflag:s28], $0x1400  }
0xc7: {  	s4 =	sadd.s32 $0x1, s4;
	s20 =	rddreg [dreg:$0x5]  }
0xc8: {  	p0 =	sne.s32 s4, s20  }
.Ltmp3:
0xc9: {  	_ = 	snop;
	(pc) =	sbr.rel @p0 .LBB2_1-.Ltmp3, $3  }
0xca: {  	_ =	sdelay $0x1  }
0xcb: {  	[sflag:s28] =	ssyncset.done $0x0  }
0xcc: {  	[sflag:s28] =	ssyncadd.s32 $0xFFFFEC00  }
0xcd: {  	_ =	sfence.sel $0x180000  }
0xce: {  	[bflag:$0x0] =	sbarrier.arrive $0xFFFF  }
0xcf: {  	_ =	strace $0x9000004A  }
0xd0: {  	s0 =	stileid.u32;
	[bflag:$0x2] =	sbarrier.arrive $0xFFFF  }
0xd1: {  	p0 =	sne.s32 s0, $0x0;
	s0 =	rddreg [dreg:$0x3]  }
0xd2: {  	s0 =	sadd.s32 @!p0 $0x100000, s0  }
0xd3: {  	[sflag:s0] =	ssyncadd.tile.s32 @!p0 $0x1;
	_ =	shalt  }
.Lfunc_end2:
_tile_overlayer_lowered:
.L_overlay_start_2:
0xd4: {  	(tag) =	ssettag $0x2  }
0xd5: {  	s0 =	rddreg [dreg:$0x0];
	s2 =	stileid.u32  }
0xd6: {  	s1 =	rddreg [dreg:$0x1];
	p0 =	sne.s32 s2, $0x0  }
0xd7: {  	s3 =	rddreg [dreg:$0x2];
	[bflag:$0x3] =	sbarrier.arrive $0xFFFF;
	s2 =	simm.s32 @!p0 $0x1C03  }
0xd8: {  	[timem:s3], [sflag:s2] =	dma.local @!p0 [hbm:s0], s1  }
0xd9: {  	s0 =	simm.s32 @!p0 $0x3  }
0xda: {  	_ =	swait.ge @!p0 [sflag:s0], s1  }
0xdb: {  	s1 =	ssub.s32 @!p0 $0x0, s1;
	[sflag:s0] =	ssyncset.done @!p0 $0x0  }
0xdc: {  	[sflag:s0] =	ssyncadd.s32 @!p0 s1  }
0xdd: {  	[bflag:$0x3] =	sbarrier.arrive $0xFFFF  }
0xde: {  	_ =	shalt  }

// kernel: kernel.15.cloned.1.call-start
scs
__scs_entry_jumppad:
0x0: {  	(pc) =	sbr.rel $0x88, $3  }
0x1: {  	(tag) =	ssettag $0x0;
	lr =	simm.s32 $0x1  }
0x2: {  	[smem:$0x3F9B] =	sst lr;
	_ =	strace $0xD0000000  }
0x3: {  	_ = 	snop  }
0x4: {  	_ = 	snop  }
0x5: {  	_ = 	snop  }
0x6: {  	_ = 	snop  }
0x7: {  	_ = 	snop  }
__scs_overlays_trampoline_lowered:
0x8: {  	[smem:$0x3FAA] =	sst s0  }
0x9: {  	[smem:$0x3FAB] =	sst s1  }
0xa: {  	[smem:$0x3FAC] =	sst s2  }
0xb: {  	[smem:$0x3FAD] =	sst s3  }
0xc: {  	[smem:$0x3FAE] =	sst s4  }
0xd: {  	[smem:$0x3FAF] =	sst s5  }
0xe: {  	[smem:$0x3FB0] =	sst s6  }
0xf: {  	[smem:$0x3FB1] =	sst s7  }
0x10: {  	[smem:$0x3FB2] =	sst s8  }
0x11: {  	[smem:$0x3FB3] =	sst s9;
	s0 =	simm.s32 @!p0 $0x0  }
0x12: {  	s1 =	sld [smem:$0x3F99];
	s0 =	simm.s32 @p0 $0x1  }
0x13: {  	[smem:$0x3FB4] =	sst s0;
	s0 =	simm.s32 @!p1 $0x0  }
0x14: {  	s2 =	sld [smem:$0x3F98];
	s0 =	simm.s32 @p1 $0x1  }
0x15: {  	[smem:$0x3FB5] =	sst s0;
	s0 =	simm.s32 @!p2 $0x0  }
0x16: {  	s3 =	sld [smem:$0x3FDB];
	s0 =	simm.s32 @p2 $0x1  }
0x17: {  	s4 =	simm.s32 $0x1BF5;
	[smem:$0x3FB7] =	sst s0  }
0x18: {  	s0 =	sld [smem:$0x3F9A];
	_ =	swait.ge [sflag:s4], $0x0  }
0x19: {  	s7 =	sld [smem:$0x3F9B]  }
0x1a: {  	s8 =	sadd.s32 $0xFFFFE003, lr  }
0x1b: {  	s9 =	sadd.s32 $0xFFFFFEF7, lr;
	s5 =	simm.s32 $0xFFFFFFFF;
	p2 =	slt.u32 s8, $0xFFFFF086  }
0x1c: {  	p1 =	slt.u32 s9, $0xF7A;
	s5 =	simm.s32 @!p2 $0x0  }
0x1d: {  	s5 =	simm.s32 @p1 $0x1;
	p0 =	seq.s32 s7, s2  }
0x1e: {  	s7 =	smul.u32 @!p0 $0xF7A, s2;
	p2 =	seq.s32 @!p0 s5, $0x0  }
0x1f: {  	s9 =	smul.u32 $0xF7A, s1;
	s8 =	simm.s32 @!p0 $0x1BF5;
	p2 =	por !p2, p0  }
0x20: {  	[sflag:s8] =	ssyncset.s32 @!p0 $0xFFFFF086;
	s6 =	sadd.s32 @!p0 s3, s7;
	s7 =	simm.s32 @!p0 $0x108  }
0x21: {  	s3 =	sadd.s32 s3, s9;
	s6 =	sadd.s32 @!p0 $0x88, s6;
	s7 =	simm.s32 @p2 $0x1082  }
0x22: {  	[simem:s7], [sflag:s8] =	dma.local @!p0 [hbm:s6], $0xF7A  }
0x23: {  	s9 =	sor.u32 $0xD0000000, s2;
	s6 =	simm.s32 $0x108;
	_ =	swait.ge @!p0 [sflag:s8], $0x0  }
0x24: {  	s3 =	sadd.s32 $0x88, s3;
	s6 =	simm.s32 @!p1 $0x1082;
	[sflag:s4] =	ssyncset.s32 $0xFFFFF086  }
0x25: {  	[simem:s6], [sflag:s4] =	dma.local [hbm:s3], $0xF7A  }
0x26: {  	[smem:$0x3F9B] =	sst s1;
	(tag) =	ssettag s2;
	_ =	strace s9  }
0x27: {  	s1 =	sld [smem:$0x3FAB]  }
0x28: {  	s2 =	sld [smem:$0x3FAC]  }
0x29: {  	s4 =	sld [smem:$0x3FAE]  }
0x2a: {  	p0 =	seq.s32 s5, $0x0;
	s5 =	sld [smem:$0x3FAF]  }
0x2b: {  	s6 =	sld [smem:$0x3FB0]  }
0x2c: {  	s7 =	sld [smem:$0x3FB1]  }
0x2d: {  	s3 =	simm.s32 $0x108;
	s8 =	sld [smem:$0x3FB2]  }
0x2e: {  	s3 =	simm.s32 @!p0 $0x1082;
	s9 =	sld [smem:$0x3FB3]  }
0x2f: {  	lr =	sadd.s32 s0, s3;
	s0 =	sld [smem:$0x3FAA]  }
0x30: {  	s3 =	sld [smem:$0x3FAD]  }
0x31: {  	[smem:$0x3FB6] =	sst s10  }
0x32: {  	s10 =	sld [smem:$0x3FB4];
	_ =	sdelay $0x3  }
0x33: {  	p0 =	seq.s32 s10, $0x1;
	s10 =	sld [smem:$0x3FB6];
	_ =	sdelay $0x3  }
0x34: {  	[smem:$0x3FB6] =	sst s10  }
0x35: {  	s10 =	sld [smem:$0x3FB5];
	_ =	sdelay $0x3  }
0x36: {  	p1 =	seq.s32 s10, $0x1;
	s10 =	sld [smem:$0x3FB6];
	_ =	sdelay $0x3  }
0x37: {  	[smem:$0x3FB6] =	sst s10  }
0x38: {  	s10 =	sld [smem:$0x3FB7]  }
0x39: {  	_ = 	snop;
	(pc) =	sbr.ind lr, $3  }
0x3a: {  	_ = 	snop  }
0x3b: {  	_ = 	snop  }
0x3c: {  	p2 =	seq.s32 s10, $0x1;
	s10 =	sld [smem:$0x3FB6]  }
0x3d: {  	_ =	shalt  }
0x3e: {  	_ =	shalt  }
0x3f: {  	_ =	shalt  }
0x40: {  	_ =	shalt  }
0x41: {  	_ =	shalt  }
0x42: {  	_ =	shalt  }
0x43: {  	_ =	shalt  }
0x44: {  	_ =	shalt  }
0x45: {  	_ =	shalt  }
0x46: {  	_ =	shalt  }
0x47: {  	_ =	shalt  }
0x48: {  	_ =	shalt  }
0x49: {  	_ =	shalt  }
0x4a: {  	_ =	shalt  }
0x4b: {  	_ =	shalt  }
0x4c: {  	_ =	shalt  }
0x4d: {  	_ =	shalt  }
0x4e: {  	_ =	shalt  }
0x4f: {  	_ =	shalt  }
0x50: {  	_ =	shalt  }
0x51: {  	_ =	shalt  }
0x52: {  	_ =	shalt  }
0x53: {  	_ =	shalt  }
0x54: {  	_ =	shalt  }
0x55: {  	_ =	shalt  }
0x56: {  	_ =	shalt  }
0x57: {  	_ =	shalt  }
0x58: {  	_ =	shalt  }
0x59: {  	_ =	shalt  }
0x5a: {  	_ =	shalt  }
0x5b: {  	_ =	shalt  }
0x5c: {  	_ =	shalt  }
0x5d: {  	_ =	shalt  }
0x5e: {  	_ =	shalt  }
0x5f: {  	_ =	shalt  }
0x60: {  	_ =	shalt  }
0x61: {  	_ =	shalt  }
0x62: {  	_ =	shalt  }
0x63: {  	_ =	shalt  }
0x64: {  	_ =	shalt  }
0x65: {  	_ =	shalt  }
0x66: {  	_ =	shalt  }
0x67: {  	_ =	shalt  }
0x68: {  	_ =	shalt  }
0x69: {  	_ =	shalt  }
0x6a: {  	_ =	shalt  }
0x6b: {  	_ =	shalt  }
0x6c: {  	_ =	shalt  }
0x6d: {  	_ =	shalt  }
0x6e: {  	_ =	shalt  }
0x6f: {  	_ =	shalt  }
0x70: {  	_ =	shalt  }
0x71: {  	_ =	shalt  }
0x72: {  	_ =	shalt  }
0x73: {  	_ =	shalt  }
0x74: {  	_ =	shalt  }
0x75: {  	_ =	shalt  }
0x76: {  	_ =	shalt  }
0x77: {  	_ =	shalt  }
0x78: {  	_ =	shalt  }
0x79: {  	_ =	shalt  }
0x7a: {  	_ =	shalt  }
0x7b: {  	_ =	shalt  }
0x7c: {  	_ =	shalt  }
0x7d: {  	_ =	shalt  }
0x7e: {  	_ =	shalt  }
0x7f: {  	_ =	shalt  }
0x80: {  	_ =	shalt  }
0x81: {  	_ =	shalt  }
0x82: {  	_ =	shalt  }
0x83: {  	_ =	shalt  }
0x84: {  	_ =	shalt  }
0x85: {  	_ =	shalt  }
0x86: {  	_ =	shalt  }
0x87: {  	_ =	shalt  }
.Lfunc_end0:
.L_simem_size_0:
called_computation.2_lowered:
.L_overlay_start_0:
0x88: {  	s2 =	sld [smem:$0x3FD9]  }
0x89: {  	s3 =	sld [smem:$0x3FFE];
	_ =	sdelay $0x1  }
0x8a: {  	s1 =	srdreg.scid  }
0x8b: {  	s0 =	sand.u32 $0x1, s1  }
0x8c: {  	s17 =	sshll.u32 s0, $0xA;
	s2 =	sadd.s32 s3, s2  }
0x8d: {  	s2 =	sadd.s32 s2, s17  }
0x8e: {  	[smem:$0x3FC2] =	sst s2  }
0x8f: {  	_ = 	snop  }
0x90: {  	s2 =	sld [smem:$0x3FD0];
	(tm) =	ssettm $0x1  }
0x91: {  	s18 =	sld [smem:$0x3FFB];
	_ =	sdelay $0x3  }
0x92: {  	_ =	strace s18  }
0x93: {  	s3 =	sld [smem:$0x3FFC];
	_ =	sdelay $0x3  }
0x94: {  	_ =	strace s3  }
0x95: {  	s3 =	sld [smem:$0x3FFD];
	_ =	sdelay $0x3  }
0x96: {  	_ =	strace s3  }
0x97: {  	_ =	strace $0x8FFFFFFF  }
0x98: {  	s19 =	sld [smem:$0x3FDB];
	_ =	sdelay $0x1  }
0x99: {  	s4 =	simm.s32 $_scs_section_size  }
0x9a: {  	s5 =	simm.s32 $_size__tile_overlayer_lowered;
	s6 =	simm.s32 $_tile_overlayer_lowered  }
0x9b: {  	s22 =	simm.s32 $0x1BFF;
	s21 =	sshll.u32 s6, $0x1;
	s3 =	sadd.s32 s4, s19  }
0x9c: {  	s7 =	simm.s32 $0x0;
	s20 =	sshll.u32 s5, $0x1;
	s5 =	sadd.s32 s21, s3  }
0x9d: {  	[timem:s7], [sflag:s22] =	dma.local [hbm:s5], s20  }
0x9e: {  	_ =	swait.ge [sflag:s22], s20  }
0x9f: {  	s4 =	ssub.s32 $0x0, s20;
	[sflag:s22] =	ssyncset.done $0x0  }
0xa0: {  	[sflag:s22] =	ssyncadd.s32 s4;
	_ =	sdelay $0x1  }
0xa1: {  	s23 =	simm.s32 $0x1B8B  }
0xa2: {  	_ =	swait.ge [sflag:s23], $0x1  }
0xa3: {  	[sflag:s23] =	ssyncset.done $0x0  }
0xa4: {  	s25 =	simm.s32 $0x1B8E;
	s24 =	sld [smem:$0x3FFE];
	[sflag:s23] =	ssyncadd.s32 $0xFFFFFFFF  }
0xa5: {  	s26 =	simm.s32 $execute0_lowered;
	[smem:$0x3FD2] =	sst s25  }
0xa6: {  	s5 =	sshll.u32 s26, $0x1;
	_ =	strace $0x8000004C;
	[dreg:$0x1] =	wrdreg $0xFFFFFFFF  }
0xa7: {  	s28 =	simm.s32 $_size_execute0_lowered;
	s3 =	sadd.s32 s3, s5;
	[dreg:$0x0] =	wrdreg $0x0  }
0xa8: {  	s5 =	sshll.u32 s28, $0x1;
	[dreg:$0x2] =	wrdreg s3  }
0xa9: {  	[dreg:$0x3] =	wrdreg s5  }
0xaa: {  	[dreg:$0x4] =	wrdreg $0xC0  }
0xab: {  	_ =	task [dreg:s7], $0x5FFFF  }
0xac: {  	[dreg:$0x1] =	wrdreg $0xFFFFFFFF  }
0xad: {  	[dreg:$0x0] =	wrdreg $0x60  }
0xae: {  	[dreg:$0x2] =	wrdreg s24  }
0xaf: {  	[dreg:$0x3] =	wrdreg s2  }
0xb0: {  	[dreg:$0x4] =	wrdreg $0x15C000  }
0xb1: {  	[dreg:$0x5] =	wrdreg $0x9  }
0xb2: {  	_ =	task.clear_ibuf [dreg:s7], $0x6FFFF;
	_ =	strace $0x9000004C  }
0xb3: {  	s29 =	simm.s32 $0x9;
	_ =	strace $0x8000004E  }
0xb4: {  	_ =	swait.ge [sflag:s29], $0x1  }
0xb5: {  	[sflag:s29] =	ssyncadd.s32 $0xFFFFFFFF  }
0xb6: {  	_ =	strace $0x9000004E  }
0xb7: {  	_ =	sfence  }
0xb8: {  	s30 =	sld [smem:$0x0];
	_ =	sdelay $0x2  }
0xb9: {  	s31 =	sshll.u32 s1, $0xD;
	s1 =	sshrl.u32 s1, $0x2  }
0xba: {  	s3 =	sand.u32 $0x4000, s31;
	s1 =	sadd.s32 s1, s30  }
0xbb: {  	s0 =	sor.u32 s3, s0;
	s1 =	sshll.u32 s1, $0x11  }
0xbc: {  	s0 =	sor.u32 s1, s0  }
0xbd: {  	s0 =	sadd.s32 $0x8F2B, s0  }
0xbe: {  	[sflag:s0] =	ssyncadd.remote.s32 $0x1  }
0xbf: {  	_ =	sfence.sel $0xFFFF  }
0xc0: {  	[dreg:$0x0] =	wrdreg $0xFFFFFFFF;
	(pc) =	sbr.abs _section_cstart, $3  }
0xc1: {  	[dreg:$0x1] =	wrdreg $0xFFFFFFFF  }
0xc2: {  	_ =	task.clear_ibuf [dreg:s7], $0x2FFFF;
	_ =	strace $0x9FFFFFFF  }
0xc3: {  	(tm) =	ssettm $0x7FFFFFFF  }
tec
execute0_lowered:
.L_overlay_start_1:
0x0: {  	(tag) =	ssettag $0x1  }
0x1: {  	s0 =	rddreg [dreg:$0x0]  }
0x2: {  	s1 =	rddreg [dreg:$0x1]  }
0x3: {  	s2 =	rddreg [dreg:$0x2];
	s3 =	srdreg.scid;
	s4 =	simm.s32 $0x0  }
0x4: {  	s10 =	stileid.u32;
	s28 =	simm.s32 $0x3;
	s29 =	simm.s32 $0x2800  }
0x5: {  	s30 =	simm.s32 $0x80;
	s31 =	simm.s32 $0x5000;
	s11 =	simm.s32 $0x11000  }
0x6: {  	s3 =	sand.u32 $0x1, s3;
	[smem:$0x7FF] =	sst s4;
	s8 =	smul.u32 $0x1400, s10  }
0x7: {  	s5 =	sadd.s32 $0x17000, s0;
	s9 =	smul.u32 $0x28000, s10;
	s12 =	ssub.s32 $0x2, s3  }
0x8: {  	s6 =	sadd.s32 $0x3000, s0;
	s7 =	smul.u32 $0x14000, s3;
	s13 =	sshrl.u32 s12, $0x1  }
0x9: {  	_ =	strace $0x8000004D;
	s15 =	sshrl.u32 s9, $0x2;
	s14 =	ssub.s32 s12, s13  }
0xa: {  	s7 =	sadd.s32 s8, s7;
	s8 =	sadd.s32 s15, s2;
	s16 =	smax.u32 s14, $0x1  }
0xb: {  	s3 =	sshll.u32 s3, $0x4;
	s17 =	sadd.s32 $0xA00, s8;
	[dreg:$0x5] =	wrdreg s16  }
0xc: {  	s3 =	sor.u32 s10, s3;
	s18 =	sadd.s32 $0x1400, s8;
	[dreg:$0x6] =	wrdreg s17  }
0xd: {  	s9 =	simm.s32 $0xD000;
	s19 =	sadd.s32 $0x1E00, s8;
	[dreg:$0x7] =	wrdreg s18  }
0xe: {  	s10 =	simm.s32 $0x180;
	s20 =	sadd.s32 $0x2800, s8;
	[dreg:$0x8] =	wrdreg s19  }
0xf: {  	s12 =	simm.s32 $0x1;
	s21 =	sadd.s32 $0x3200, s8;
	[dreg:$0x9] =	wrdreg s20  }
0x10: {  	s13 =	simm.s32 $0x2880;
	s22 =	sadd.s32 $0x3C00, s8;
	[dreg:$0xa] =	wrdreg s21  }
0x11: {  	s15 =	simm.s32 $0x2980;
	s23 =	sadd.s32 $0x4600, s8;
	[dreg:$0xb] =	wrdreg s22  }
0x12: {  	s0 =	sadd.s32 s7, s0;
	s24 =	sadd.s32 $0x5000, s8;
	[dreg:$0xc] =	wrdreg s23  }
0x13: {  	s7 =	smul.u32 $0x5000, s3;
	s25 =	sadd.s32 $0x5A00, s8;
	[dreg:$0xd] =	wrdreg s24  }
0x14: {  	s26 =	sadd.s32 $0x6400, s8;
	s3 =	simm.s32 $0x100;
	[dreg:$0xe] =	wrdreg s25  }
0x15: {  	s14 =	simm.s32 $0x2900;
	s0 =	sadd.s32 $0x3F000, s0;
	[dreg:$0xf] =	wrdreg s26  }
0x16: {  	s21 =	sadd.s32 $0x6E00, s8;
	s22 =	sadd.s32 $0x7800, s8;
	s23 =	sadd.s32 $0x8200, s8  }
0x17: {  	s24 =	sadd.s32 $0x8C00, s8;
	s25 =	sadd.s32 $0x9600, s8;
	s26 =	simm.s32 $0x15000  }
0x18: {  	v0 =	vimm.f32 $0.0e+00;
	s16 =	simm.s32 $0x2;
	[dreg:$0x4] =	wrdreg s0;
	s0 =	simm.s32 $0x9000  }
.LBB2_1:
0x19: {  	s17 =	simm.s32 $0x0;
	s18 =	simm.s32 $0x200  }
.LBB2_2:
0x1a: {  	p0 =	sne.s32 s18, $0x2600;
	[tilespmem:s17+$0x15070] =	vst v0  }
0x1b: {  	[tilespmem:s17+$0x15000] =	vst v0  }
0x1c: {  	[tilespmem:s17+$0x15010] =	vst v0  }
.Ltmp0:
0x1d: {  	[tilespmem:s17+$0x15020] =	vst v0;
	(pc) =	sbr.rel @p0 .LBB2_2-.Ltmp0, $4  }
0x1e: {  	[tilespmem:s17+$0x15030] =	vst v0  }
0x1f: {  	[tilespmem:s17+$0x15040] =	vst v0  }
0x20: {  	[tilespmem:s17+$0x15050] =	vst v0  }
0x21: {  	[tilespmem:s17+$0x15060] =	vst v0;
	s17 =	sshra.s32 s18, $0x2;
	s18 =	sadd.s32 $0x200, s18  }
0x22: {  	[tilespmem:s17+$0x15070] =	vst v0  }
0x23: {  	[tilespmem:s17+$0x15000] =	vst v0  }
0x24: {  	[tilespmem:s17+$0x15010] =	vst v0  }
0x25: {  	[tilespmem:s17+$0x15020] =	vst v0  }
0x26: {  	[tilespmem:s17+$0x15030] =	vst v0  }
0x27: {  	[tilespmem:s17+$0x15040] =	vst v0  }
0x28: {  	[tilespmem:s17+$0x15050] =	vst v0  }
0x29: {  	[tilespmem:s17+$0x15060] =	vst v0  }
0x2a: {  	[spmem:s8] =	stream.linear.scatter [tilespmem:s26], [sflag:$0x3], $0xA00, $0x38;
	[tilespmem:$0x1FC00] =	vst v63  }
0x2b: {  	_ =	swait.ge [sflag:s28], $0xA00  }
0x2c: {  	[sflag:s28] =	ssyncset.done $0x0  }
0x2d: {  	s20 =	rddreg [dreg:$0x6];
	[sflag:s28] =	ssyncadd.s32 $0xFFFFF600  }
0x2e: {  	[spmem:s20] =	stream.linear.scatter [tilespmem:s26], [sflag:$0x3], $0xA00, $0x38;
	[tilespmem:$0x1FC00] =	vst v63  }
0x2f: {  	_ =	swait.ge [sflag:s28], $0xA00  }
0x30: {  	[sflag:s28] =	ssyncset.done $0x0  }
0x31: {  	s18 =	rddreg [dreg:$0x7];
	[sflag:s28] =	ssyncadd.s32 $0xFFFFF600  }
0x32: {  	[spmem:s18] =	stream.linear.scatter [tilespmem:s26], [sflag:$0x3], $0xA00, $0x38;
	[tilespmem:$0x1FC00] =	vst v63  }
0x33: {  	_ =	swait.ge [sflag:s28], $0xA00  }
0x34: {  	[sflag:s28] =	ssyncset.done $0x0  }
0x35: {  	s19 =	rddreg [dreg:$0x8];
	[sflag:s28] =	ssyncadd.s32 $0xFFFFF600  }
0x36: {  	[spmem:s19] =	stream.linear.scatter [tilespmem:s26], [sflag:$0x3], $0xA00, $0x38;
	[tilespmem:$0x1FC00] =	vst v63  }
0x37: {  	_ =	swait.ge [sflag:s28], $0xA00  }
0x38: {  	[sflag:s28] =	ssyncset.done $0x0  }
0x39: {  	s20 =	rddreg [dreg:$0x9];
	[sflag:s28] =	ssyncadd.s32 $0xFFFFF600  }
0x3a: {  	[spmem:s20] =	stream.linear.scatter [tilespmem:s26], [sflag:$0x3], $0xA00, $0x38;
	[tilespmem:$0x1FC00] =	vst v63  }
0x3b: {  	_ =	swait.ge [sflag:s28], $0xA00  }
0x3c: {  	[sflag:s28] =	ssyncset.done $0x0  }
0x3d: {  	s18 =	rddreg [dreg:$0xa];
	[sflag:s28] =	ssyncadd.s32 $0xFFFFF600  }
0x3e: {  	[spmem:s18] =	stream.linear.scatter [tilespmem:s26], [sflag:$0x3], $0xA00, $0x38;
	[tilespmem:$0x1FC00] =	vst v63  }
0x3f: {  	_ =	swait.ge [sflag:s28], $0xA00  }
0x40: {  	[sflag:s28] =	ssyncset.done $0x0  }
0x41: {  	s19 =	rddreg [dreg:$0xb];
	[sflag:s28] =	ssyncadd.s32 $0xFFFFF600  }
0x42: {  	[spmem:s19] =	stream.linear.scatter [tilespmem:s26], [sflag:$0x3], $0xA00, $0x38;
	[tilespmem:$0x1FC00] =	vst v63  }
0x43: {  	_ =	swait.ge [sflag:s28], $0xA00  }
0x44: {  	[sflag:s28] =	ssyncset.done $0x0  }
0x45: {  	s20 =	rddreg [dreg:$0xc];
	[sflag:s28] =	ssyncadd.s32 $0xFFFFF600  }
0x46: {  	[spmem:s20] =	stream.linear.scatter [tilespmem:s26], [sflag:$0x3], $0xA00, $0x38;
	[tilespmem:$0x1FC00] =	vst v63  }
0x47: {  	_ =	swait.ge [sflag:s28], $0xA00  }
0x48: {  	[sflag:s28] =	ssyncset.done $0x0  }
0x49: {  	s18 =	rddreg [dreg:$0xd];
	[sflag:s28] =	ssyncadd.s32 $0xFFFFF600  }
0x4a: {  	[spmem:s18] =	stream.linear.scatter [tilespmem:s26], [sflag:$0x3], $0xA00, $0x38;
	[tilespmem:$0x1FC00] =	vst v63  }
0x4b: {  	_ =	swait.ge [sflag:s28], $0xA00  }
0x4c: {  	[sflag:s28] =	ssyncset.done $0x0  }
0x4d: {  	s19 =	rddreg [dreg:$0xe];
	[sflag:s28] =	ssyncadd.s32 $0xFFFFF600  }
0x4e: {  	[spmem:s19] =	stream.linear.scatter [tilespmem:s26], [sflag:$0x3], $0xA00, $0x38;
	[tilespmem:$0x1FC00] =	vst v63  }
0x4f: {  	_ =	swait.ge [sflag:s28], $0xA00  }
0x50: {  	[sflag:s28] =	ssyncset.done $0x0  }
0x51: {  	s20 =	rddreg [dreg:$0xf];
	[sflag:s28] =	ssyncadd.s32 $0xFFFFF600  }
0x52: {  	[spmem:s20] =	stream.linear.scatter [tilespmem:s26], [sflag:$0x3], $0xA00, $0x38;
	[tilespmem:$0x1FC00] =	vst v63  }
0x53: {  	_ =	swait.ge [sflag:s28], $0xA00  }
0x54: {  	[sflag:s28] =	ssyncset.done $0x0  }
0x55: {  	[sflag:s28] =	ssyncadd.s32 $0xFFFFF600  }
0x56: {  	[spmem:s21] =	stream.linear.scatter [tilespmem:s26], [sflag:$0x3], $0xA00, $0x38;
	[tilespmem:$0x1FC00] =	vst v63  }
0x57: {  	_ =	swait.ge [sflag:s28], $0xA00  }
0x58: {  	[sflag:s28] =	ssyncset.done $0x0  }
0x59: {  	[sflag:s28] =	ssyncadd.s32 $0xFFFFF600  }
0x5a: {  	[spmem:s22] =	stream.linear.scatter [tilespmem:s26], [sflag:$0x3], $0xA00, $0x38;
	[tilespmem:$0x1FC00] =	vst v63  }
0x5b: {  	_ =	swait.ge [sflag:s28], $0xA00  }
0x5c: {  	[sflag:s28] =	ssyncset.done $0x0  }
0x5d: {  	[sflag:s28] =	ssyncadd.s32 $0xFFFFF600  }
0x5e: {  	[spmem:s23] =	stream.linear.scatter [tilespmem:s26], [sflag:$0x3], $0xA00, $0x38;
	[tilespmem:$0x1FC00] =	vst v63  }
0x5f: {  	_ =	swait.ge [sflag:s28], $0xA00  }
0x60: {  	[sflag:s28] =	ssyncset.done $0x0  }
0x61: {  	[sflag:s28] =	ssyncadd.s32 $0xFFFFF600  }
0x62: {  	[spmem:s24] =	stream.linear.scatter [tilespmem:s26], [sflag:$0x3], $0xA00, $0x38;
	[tilespmem:$0x1FC00] =	vst v63  }
0x63: {  	_ =	swait.ge [sflag:s28], $0xA00  }
0x64: {  	[sflag:s28] =	ssyncset.done $0x0  }
0x65: {  	[sflag:s28] =	ssyncadd.s32 $0xFFFFF600  }
0x66: {  	[spmem:s25] =	stream.linear.scatter [tilespmem:s26], [sflag:$0x3], $0xA00, $0x38;
	[tilespmem:$0x1FC00] =	vst v63  }
0x67: {  	_ =	swait.ge [sflag:s28], $0xA00  }
0x68: {  	[sflag:s28] =	ssyncset.done $0x0  }
0x69: {  	s17 =	simm.s32 $0x0;
	[sflag:s28] =	ssyncadd.s32 $0xFFFFF600  }
0x6a: {  	p1 =	por $0x1, $0x1;
	s18 =	simm.s32 $0x0;
	[bflag:$0x0] =	sbarrier.arrive $0xFFFF  }
.LBB2_4:
0x6b: {  	s18 =	sadd.s32 s7, s18  }
0x6c: {  	s18 =	sshrl.u32 s18, $0x3  }
0x6d: {  	s19 =	sadd.s32 s6, s18  }
0x6e: {  	[tilespmem:s17], [sflag:$0x3] =	stream.linear.gather [hbm4b:s19+s17], $0x2800, $0x38;
	[tilespmem:$0x1FC00] =	vst v63  }
0x6f: {  	_ =	swait.ge [sflag:s28], $0x2800  }
0x70: {  	[sflag:s28] =	ssyncset.done $0x0  }
0x71: {  	s18 =	sadd.s32 s1, s18;
	[sflag:s28] =	ssyncadd.s32 $0xFFFFD800  }
0x72: {  	[tilespmem:s29], [sflag:$0x3] =	stream.linear.gather [hbm4b:s18+s17], $0x2800, $0x38;
	[tilespmem:$0x1FC00] =	vst v63  }
0x73: {  	_ =	swait.ge [sflag:s28], $0x2800  }
0x74: {  	[sflag:s28] =	ssyncset.done $0x0  }
0x75: {  	[sflag:s28] =	ssyncadd.s32 $0xFFFFD800;
	(ifvalue) =	ssetifvalue $0xFFFFFFFF  }
0x76: {  	(ifvalue) =	ssetifvalue $0xFFFFFFFF  }
0x77: {  	[tilespmem:s31], [sflag:$0x1] =	stream.indirect.gather [hbm4b:s5+s30], $0x80, s17, s30, $0x40b8;
	[tilespmem:$0x1FC00] =	vst v63  }
0x78: {  	(ifvalue) =	ssetifvalue $0xFFFFFFFF  }
0x79: {  	(ifvalue) =	ssetifvalue $0xFFFFFFFF  }
0x7a: {  	[tilespmem:s0], [sflag:$0x1] =	stream.indirect.gather [hbm4b:s5+s30], $0x80, s30, s30, $0x40b8;
	[tilespmem:$0x1FC00] =	vst v63  }
0x7b: {  	(ifvalue) =	ssetifvalue $0xFFFFFFFF  }
0x7c: {  	(ifvalue) =	ssetifvalue $0xFFFFFFFF  }
0x7d: {  	[tilespmem:s9], [sflag:$0x1] =	stream.indirect.gather [hbm4b:s5+s30], $0x80, s3, s30, $0x40b8;
	[tilespmem:$0x1FC00] =	vst v63  }
0x7e: {  	(ifvalue) =	ssetifvalue $0xFFFFFFFF  }
0x7f: {  	(ifvalue) =	ssetifvalue $0xFFFFFFFF  }
0x80: {  	[tilespmem:s11], [sflag:$0x1] =	stream.indirect.gather [hbm4b:s5+s30], $0x80, s10, s30, $0x40b8;
	[tilespmem:$0x1FC00] =	vst v63  }
0x81: {  	_ =	swait.ge [sflag:s12], $0x4000  }
0x82: {  	[sflag:s12] =	ssyncset.done $0x0  }
0x83: {  	[sflag:s12] =	ssyncadd.s32 $0xFFFFC000;
	(ifvalue) =	ssetifvalue $0xFFFFFFFF  }
0x84: {  	[spmem:s2] =	stream.indirect.scatter.add.f32 [tilespmem:s31], [sflag:$0x2], $0x80, s29, s30, $0x40b8;
	[tilespmem:$0x1FC00] =	vst v63  }
0x85: {  	_ =	swait.ge [sflag:s12], $0x4000  }
0x86: {  	[sflag:s12] =	ssyncset.done $0x0  }
0x87: {  	[sflag:s12] =	ssyncadd.s32 $0xFFFFC000;
	(ifvalue) =	ssetifvalue $0xFFFFFFFF  }
0x88: {  	[spmem:s2] =	stream.indirect.scatter.add.f32 [tilespmem:s0], [sflag:$0x2], $0x80, s13, s30, $0x40b8;
	[tilespmem:$0x1FC00] =	vst v63  }
0x89: {  	_ =	swait.ge [sflag:s12], $0x4000  }
0x8a: {  	[sflag:s12] =	ssyncset.done $0x0  }
0x8b: {  	[sflag:s12] =	ssyncadd.s32 $0xFFFFC000;
	(ifvalue) =	ssetifvalue $0xFFFFFFFF  }
0x8c: {  	[spmem:s2] =	stream.indirect.scatter.add.f32 [tilespmem:s9], [sflag:$0x2], $0x80, s14, s30, $0x40b8;
	[tilespmem:$0x1FC00] =	vst v63  }
0x8d: {  	_ =	swait.ge [sflag:s12], $0x4000  }
0x8e: {  	p0 =	por p1, p1;
	[sflag:s12] =	ssyncset.done $0x0  }
0x8f: {  	s18 =	simm.s32 $0x0;
	[sflag:s12] =	ssyncadd.s32 $0xFFFFC000;
	(ifvalue) =	ssetifvalue $0xFFFFFFFF  }
0x90: {  	[spmem:s2] =	stream.indirect.scatter.add.f32 [tilespmem:s11], [sflag:$0x2], $0x80, s15, s30, $0x40b8;
	[tilespmem:$0x1FC00] =	vst v63  }
.LBB2_5:
0x91: {  	_ =	swait.ge [sflag:s16], $0x4000  }
0x92: {  	[sflag:s16] =	ssyncset.done $0x0  }
0x93: {  	s19 =	sshra.s32 s18, $0x2;
	[sflag:s16] =	ssyncadd.s32 $0xFFFFC000;
	(ifvalue) =	ssetifvalue $0xFFFFFFFF  }
0x94: {  	s20 =	sadd.s32 $0x200, s19;
	(ifvalue) =	ssetifvalue $0xFFFFFFFF  }
0x95: {  	[tilespmem:s31], [sflag:$0x1] =	stream.indirect.gather [hbm4b:s5+s30], $0x80, s20, s30, $0x40b8;
	[tilespmem:$0x1FC00] =	vst v63  }
0x96: {  	_ =	swait.ge [sflag:s16], $0x4000  }
0x97: {  	[sflag:s16] =	ssyncset.done $0x0  }
0x98: {  	[sflag:s16] =	ssyncadd.s32 $0xFFFFC000;
	(ifvalue) =	ssetifvalue $0xFFFFFFFF  }
0x99: {  	s20 =	sadd.s32 $0x280, s19;
	(ifvalue) =	ssetifvalue $0xFFFFFFFF  }
0x9a: {  	[tilespmem:s0], [sflag:$0x1] =	stream.indirect.gather [hbm4b:s5+s30], $0x80, s20, s30, $0x40b8;
	[tilespmem:$0x1FC00] =	vst v63  }
0x9b: {  	_ =	swait.ge [sflag:s16], $0x4000  }
0x9c: {  	[sflag:s16] =	ssyncset.done $0x0  }
0x9d: {  	[sflag:s16] =	ssyncadd.s32 $0xFFFFC000;
	(ifvalue) =	ssetifvalue $0xFFFFFFFF  }
0x9e: {  	s20 =	sadd.s32 $0x300, s19;
	(ifvalue) =	ssetifvalue $0xFFFFFFFF  }
0x9f: {  	[tilespmem:s9], [sflag:$0x1] =	stream.indirect.gather [hbm4b:s5+s30], $0x80, s20, s30, $0x40b8;
	[tilespmem:$0x1FC00] =	vst v63  }
0xa0: {  	_ =	swait.ge [sflag:s16], $0x4000  }
0xa1: {  	[sflag:s16] =	ssyncset.done $0x0  }
0xa2: {  	[sflag:s16] =	ssyncadd.s32 $0xFFFFC000;
	(ifvalue) =	ssetifvalue $0xFFFFFFFF  }
0xa3: {  	s20 =	sadd.s32 $0x380, s19;
	(ifvalue) =	ssetifvalue $0xFFFFFFFF  }
0xa4: {  	[tilespmem:s11], [sflag:$0x1] =	stream.indirect.gather [hbm4b:s5+s30], $0x80, s20, s30, $0x40b8;
	[tilespmem:$0x1FC00] =	vst v63  }
0xa5: {  	_ =	swait.ge [sflag:s12], $0x4000  }
0xa6: {  	[sflag:s12] =	ssyncset.done $0x0  }
0xa7: {  	s20 =	sadd.s32 $0x2A00, s19;
	[sflag:s12] =	ssyncadd.s32 $0xFFFFC000;
	(ifvalue) =	ssetifvalue $0xFFFFFFFF  }
0xa8: {  	[spmem:s2] =	stream.indirect.scatter.add.f32 [tilespmem:s31], [sflag:$0x2], $0x80, s20, s30, $0x40b8;
	[tilespmem:$0x1FC00] =	vst v63  }
0xa9: {  	_ =	swait.ge [sflag:s12], $0x4000  }
0xaa: {  	[sflag:s12] =	ssyncset.done $0x0  }
0xab: {  	s20 =	sadd.s32 $0x2A80, s19;
	[sflag:s12] =	ssyncadd.s32 $0xFFFFC000;
	(ifvalue) =	ssetifvalue $0xFFFFFFFF  }
0xac: {  	[spmem:s2] =	stream.indirect.scatter.add.f32 [tilespmem:s0], [sflag:$0x2], $0x80, s20, s30, $0x40b8;
	[tilespmem:$0x1FC00] =	vst v63  }
0xad: {  	_ =	swait.ge [sflag:s12], $0x4000  }
0xae: {  	p1 =	sne.s32 s18, $0x9000;
	[sflag:s12] =	ssyncset.done $0x0  }
0xaf: {  	s20 =	sadd.s32 $0x2B00, s19;
	[sflag:s12] =	ssyncadd.s32 $0xFFFFC000;
	(ifvalue) =	ssetifvalue $0xFFFFFFFF  }
0xb0: {  	[spmem:s2] =	stream.indirect.scatter.add.f32 [tilespmem:s9], [sflag:$0x2], $0x80, s20, s30, $0x40b8;
	[tilespmem:$0x1FC00] =	vst v63  }
.Ltmp1:
0xb1: {  	_ = 	snop;
	(pc) =	sbr.rel @p1 .LBB2_5-.Ltmp1, $4  }
0xb2: {  	_ =	swait.ge [sflag:s12], $0x4000  }
0xb3: {  	s18 =	sadd.s32 $0x800, s18;
	[sflag:s12] =	ssyncset.done $0x0  }
0xb4: {  	s19 =	sadd.s32 $0x2B80, s19;
	[sflag:s12] =	ssyncadd.s32 $0xFFFFC000;
	(ifvalue) =	ssetifvalue $0xFFFFFFFF  }
0xb5: {  	[spmem:s2] =	stream.indirect.scatter.add.f32 [tilespmem:s11], [sflag:$0x2], $0x80, s19, s30, $0x40b8;
	[tilespmem:$0x1FC00] =	vst v63  }
0xb6: {  	_ =	swait.ge [sflag:s16], $0x4000  }
0xb7: {  	[sflag:s16] =	ssyncset.done $0x0  }
0xb8: {  	[sflag:s16] =	ssyncadd.s32 $0xFFFFC000  }
0xb9: {  	_ =	swait.ge [sflag:s16], $0x4000  }
0xba: {  	[sflag:s16] =	ssyncset.done $0x0  }
0xbb: {  	[sflag:s16] =	ssyncadd.s32 $0xFFFFC000  }
0xbc: {  	_ =	swait.ge [sflag:s16], $0x4000  }
.Ltmp2:
0xbd: {  	[sflag:s16] =	ssyncset.done $0x0;
	(pc) =	sbr.rel @p0 .LBB2_4-.Ltmp2, $4  }
0xbe: {  	[sflag:s16] =	ssyncadd.s32 $0xFFFFC000  }
0xbf: {  	_ =	swait.ge [sflag:s16], $0x4000  }
0xc0: {  	[sflag:s16] =	ssyncset.done $0x0  }
0xc1: {  	s18 =	simm.s32 $0x2800;
	p1 =	por $0x0, $0x0;
	[sflag:s16] =	ssyncadd.s32 $0xFFFFC000  }
0xc2: {  	s17 =	stileid.u32  }
0xc3: {  	[bflag:$0x0] =	sbarrier.arrive $0xFFFF;
	s17 =	sshll.u32 s17, $0x6  }
0xc4: {  	s18 =	sshrl.u32 s8, $0x3;
	s19 =	rddreg [dreg:$0x4];
	s17 =	sor.u32 $0x1C03, s17  }
0xc5: {  	[hbm:s19], [sflag:s17] =	dma.local [spmem:s18], $0x1400  }
0xc6: {  	_ =	swait.ge [sflag:s28], $0x1400  }
0xc7: {  	s4 =	sadd.s32 $0x1, s4;
	s20 =	rddreg [dreg:$0x5]  }
0xc8: {  	p0 =	sne.s32 s4, s20  }
.Ltmp3:
0xc9: {  	_ = 	snop;
	(pc) =	sbr.rel @p0 .LBB2_1-.Ltmp3, $3  }
0xca: {  	_ =	sdelay $0x1  }
0xcb: {  	[sflag:s28] =	ssyncset.done $0x0  }
0xcc: {  	[sflag:s28] =	ssyncadd.s32 $0xFFFFEC00  }
0xcd: {  	_ =	sfence.sel $0x180000  }
0xce: {  	[bflag:$0x0] =	sbarrier.arrive $0xFFFF  }
0xcf: {  	_ =	strace $0x9000004D  }
0xd0: {  	s0 =	stileid.u32;
	[bflag:$0x2] =	sbarrier.arrive $0xFFFF  }
0xd1: {  	p0 =	sne.s32 s0, $0x0;
	s0 =	rddreg [dreg:$0x3]  }
0xd2: {  	s0 =	sadd.s32 @!p0 $0x100000, s0  }
0xd3: {  	[sflag:s0] =	ssyncadd.tile.s32 @!p0 $0x1;
	_ =	shalt  }
.Lfunc_end2:
_tile_overlayer_lowered:
.L_overlay_start_2:
0xd4: {  	(tag) =	ssettag $0x2  }
0xd5: {  	s0 =	rddreg [dreg:$0x0];
	s2 =	stileid.u32  }
0xd6: {  	s1 =	rddreg [dreg:$0x1];
	p0 =	sne.s32 s2, $0x0  }
0xd7: {  	s3 =	rddreg [dreg:$0x2];
	[bflag:$0x3] =	sbarrier.arrive $0xFFFF;
	s2 =	simm.s32 @!p0 $0x1C03  }
0xd8: {  	[timem:s3], [sflag:s2] =	dma.local @!p0 [hbm:s0], s1  }
0xd9: {  	s0 =	simm.s32 @!p0 $0x3  }
0xda: {  	_ =	swait.ge @!p0 [sflag:s0], s1  }
0xdb: {  	s1 =	ssub.s32 @!p0 $0x0, s1;
	[sflag:s0] =	ssyncset.done @!p0 $0x0  }
0xdc: {  	[sflag:s0] =	ssyncadd.s32 @!p0 s1  }
0xdd: {  	[bflag:$0x3] =	sbarrier.arrive $0xFFFF  }
0xde: {  	_ =	shalt  }

// kernel: kernel.9.cloned.1.call-start
scs
__scs_entry_jumppad:
0x0: {  	(pc) =	sbr.rel $0x88, $3  }
0x1: {  	(tag) =	ssettag $0x0;
	lr =	simm.s32 $0x1  }
0x2: {  	[smem:$0x3F9B] =	sst lr;
	_ =	strace $0xD0000000  }
0x3: {  	_ = 	snop  }
0x4: {  	_ = 	snop  }
0x5: {  	_ = 	snop  }
0x6: {  	_ = 	snop  }
0x7: {  	_ = 	snop  }
__scs_overlays_trampoline_lowered:
0x8: {  	[smem:$0x3FAA] =	sst s0  }
0x9: {  	[smem:$0x3FAB] =	sst s1  }
0xa: {  	[smem:$0x3FAC] =	sst s2  }
0xb: {  	[smem:$0x3FAD] =	sst s3  }
0xc: {  	[smem:$0x3FAE] =	sst s4  }
0xd: {  	[smem:$0x3FAF] =	sst s5  }
0xe: {  	[smem:$0x3FB0] =	sst s6  }
0xf: {  	[smem:$0x3FB1] =	sst s7  }
0x10: {  	[smem:$0x3FB2] =	sst s8  }
0x11: {  	[smem:$0x3FB3] =	sst s9;
	s0 =	simm.s32 @!p0 $0x0  }
0x12: {  	s1 =	sld [smem:$0x3F99];
	s0 =	simm.s32 @p0 $0x1  }
0x13: {  	[smem:$0x3FB4] =	sst s0;
	s0 =	simm.s32 @!p1 $0x0  }
0x14: {  	s2 =	sld [smem:$0x3F98];
	s0 =	simm.s32 @p1 $0x1  }
0x15: {  	[smem:$0x3FB5] =	sst s0;
	s0 =	simm.s32 @!p2 $0x0  }
0x16: {  	s3 =	sld [smem:$0x3FDB];
	s0 =	simm.s32 @p2 $0x1  }
0x17: {  	s4 =	simm.s32 $0x1BF5;
	[smem:$0x3FB7] =	sst s0  }
0x18: {  	s0 =	sld [smem:$0x3F9A];
	_ =	swait.ge [sflag:s4], $0x0  }
0x19: {  	s7 =	sld [smem:$0x3F9B]  }
0x1a: {  	s8 =	sadd.s32 $0xFFFFE003, lr  }
0x1b: {  	s9 =	sadd.s32 $0xFFFFFEF7, lr;
	s5 =	simm.s32 $0xFFFFFFFF;
	p2 =	slt.u32 s8, $0xFFFFF086  }
0x1c: {  	p1 =	slt.u32 s9, $0xF7A;
	s5 =	simm.s32 @!p2 $0x0  }
0x1d: {  	s5 =	simm.s32 @p1 $0x1;
	p0 =	seq.s32 s7, s2  }
0x1e: {  	s7 =	smul.u32 @!p0 $0xF7A, s2;
	p2 =	seq.s32 @!p0 s5, $0x0  }
0x1f: {  	s9 =	smul.u32 $0xF7A, s1;
	s8 =	simm.s32 @!p0 $0x1BF5;
	p2 =	por !p2, p0  }
0x20: {  	[sflag:s8] =	ssyncset.s32 @!p0 $0xFFFFF086;
	s6 =	sadd.s32 @!p0 s3, s7;
	s7 =	simm.s32 @!p0 $0x108  }
0x21: {  	s3 =	sadd.s32 s3, s9;
	s6 =	sadd.s32 @!p0 $0x88, s6;
	s7 =	simm.s32 @p2 $0x1082  }
0x22: {  	[simem:s7], [sflag:s8] =	dma.local @!p0 [hbm:s6], $0xF7A  }
0x23: {  	s9 =	sor.u32 $0xD0000000, s2;
	s6 =	simm.s32 $0x108;
	_ =	swait.ge @!p0 [sflag:s8], $0x0  }
0x24: {  	s3 =	sadd.s32 $0x88, s3;
	s6 =	simm.s32 @!p1 $0x1082;
	[sflag:s4] =	ssyncset.s32 $0xFFFFF086  }
0x25: {  	[simem:s6], [sflag:s4] =	dma.local [hbm:s3], $0xF7A  }
0x26: {  	[smem:$0x3F9B] =	sst s1;
	(tag) =	ssettag s2;
	_ =	strace s9  }
0x27: {  	s1 =	sld [smem:$0x3FAB]  }
0x28: {  	s2 =	sld [smem:$0x3FAC]  }
0x29: {  	s4 =	sld [smem:$0x3FAE]  }
0x2a: {  	p0 =	seq.s32 s5, $0x0;
	s5 =	sld [smem:$0x3FAF]  }
0x2b: {  	s6 =	sld [smem:$0x3FB0]  }
0x2c: {  	s7 =	sld [smem:$0x3FB1]  }
0x2d: {  	s3 =	simm.s32 $0x108;
	s8 =	sld [smem:$0x3FB2]  }
0x2e: {  	s3 =	simm.s32 @!p0 $0x1082;
	s9 =	sld [smem:$0x3FB3]  }
0x2f: {  	lr =	sadd.s32 s0, s3;
	s0 =	sld [smem:$0x3FAA]  }
0x30: {  	s3 =	sld [smem:$0x3FAD]  }
0x31: {  	[smem:$0x3FB6] =	sst s10  }
0x32: {  	s10 =	sld [smem:$0x3FB4];
	_ =	sdelay $0x3  }
0x33: {  	p0 =	seq.s32 s10, $0x1;
	s10 =	sld [smem:$0x3FB6];
	_ =	sdelay $0x3  }
0x34: {  	[smem:$0x3FB6] =	sst s10  }
0x35: {  	s10 =	sld [smem:$0x3FB5];
	_ =	sdelay $0x3  }
0x36: {  	p1 =	seq.s32 s10, $0x1;
	s10 =	sld [smem:$0x3FB6];
	_ =	sdelay $0x3  }
0x37: {  	[smem:$0x3FB6] =	sst s10  }
0x38: {  	s10 =	sld [smem:$0x3FB7]  }
0x39: {  	_ = 	snop;
	(pc) =	sbr.ind lr, $3  }
0x3a: {  	_ = 	snop  }
0x3b: {  	_ = 	snop  }
0x3c: {  	p2 =	seq.s32 s10, $0x1;
	s10 =	sld [smem:$0x3FB6]  }
0x3d: {  	_ =	shalt  }
0x3e: {  	_ =	shalt  }
0x3f: {  	_ =	shalt  }
0x40: {  	_ =	shalt  }
0x41: {  	_ =	shalt  }
0x42: {  	_ =	shalt  }
0x43: {  	_ =	shalt  }
0x44: {  	_ =	shalt  }
0x45: {  	_ =	shalt  }
0x46: {  	_ =	shalt  }
0x47: {  	_ =	shalt  }
0x48: {  	_ =	shalt  }
0x49: {  	_ =	shalt  }
0x4a: {  	_ =	shalt  }
0x4b: {  	_ =	shalt  }
0x4c: {  	_ =	shalt  }
0x4d: {  	_ =	shalt  }
0x4e: {  	_ =	shalt  }
0x4f: {  	_ =	shalt  }
0x50: {  	_ =	shalt  }
0x51: {  	_ =	shalt  }
0x52: {  	_ =	shalt  }
0x53: {  	_ =	shalt  }
0x54: {  	_ =	shalt  }
0x55: {  	_ =	shalt  }
0x56: {  	_ =	shalt  }
0x57: {  	_ =	shalt  }
0x58: {  	_ =	shalt  }
0x59: {  	_ =	shalt  }
0x5a: {  	_ =	shalt  }
0x5b: {  	_ =	shalt  }
0x5c: {  	_ =	shalt  }
0x5d: {  	_ =	shalt  }
0x5e: {  	_ =	shalt  }
0x5f: {  	_ =	shalt  }
0x60: {  	_ =	shalt  }
0x61: {  	_ =	shalt  }
0x62: {  	_ =	shalt  }
0x63: {  	_ =	shalt  }
0x64: {  	_ =	shalt  }
0x65: {  	_ =	shalt  }
0x66: {  	_ =	shalt  }
0x67: {  	_ =	shalt  }
0x68: {  	_ =	shalt  }
0x69: {  	_ =	shalt  }
0x6a: {  	_ =	shalt  }
0x6b: {  	_ =	shalt  }
0x6c: {  	_ =	shalt  }
0x6d: {  	_ =	shalt  }
0x6e: {  	_ =	shalt  }
0x6f: {  	_ =	shalt  }
0x70: {  	_ =	shalt  }
0x71: {  	_ =	shalt  }
0x72: {  	_ =	shalt  }
0x73: {  	_ =	shalt  }
0x74: {  	_ =	shalt  }
0x75: {  	_ =	shalt  }
0x76: {  	_ =	shalt  }
0x77: {  	_ =	shalt  }
0x78: {  	_ =	shalt  }
0x79: {  	_ =	shalt  }
0x7a: {  	_ =	shalt  }
0x7b: {  	_ =	shalt  }
0x7c: {  	_ =	shalt  }
0x7d: {  	_ =	shalt  }
0x7e: {  	_ =	shalt  }
0x7f: {  	_ =	shalt  }
0x80: {  	_ =	shalt  }
0x81: {  	_ =	shalt  }
0x82: {  	_ =	shalt  }
0x83: {  	_ =	shalt  }
0x84: {  	_ =	shalt  }
0x85: {  	_ =	shalt  }
0x86: {  	_ =	shalt  }
0x87: {  	_ =	shalt  }
.Lfunc_end0:
.L_simem_size_0:
called_computation_lowered:
.L_overlay_start_0:
0x88: {  	s2 =	sld [smem:$0x3FD9]  }
0x89: {  	s3 =	sld [smem:$0x3FFE];
	_ =	sdelay $0x1  }
0x8a: {  	s1 =	srdreg.scid  }
0x8b: {  	s0 =	sand.u32 $0x1, s1  }
0x8c: {  	s17 =	sshll.u32 s0, $0xA;
	s2 =	sadd.s32 s3, s2  }
0x8d: {  	s2 =	sadd.s32 s2, s17  }
0x8e: {  	[smem:$0x3FC2] =	sst s2  }
0x8f: {  	_ = 	snop  }
0x90: {  	s2 =	sld [smem:$0x3FD0];
	(tm) =	ssettm $0x1  }
0x91: {  	s18 =	sld [smem:$0x3FFB];
	_ =	sdelay $0x3  }
0x92: {  	_ =	strace s18  }
0x93: {  	s3 =	sld [smem:$0x3FFC];
	_ =	sdelay $0x3  }
0x94: {  	_ =	strace s3  }
0x95: {  	s3 =	sld [smem:$0x3FFD];
	_ =	sdelay $0x3  }
0x96: {  	_ =	strace s3  }
0x97: {  	_ =	strace $0x8FFFFFFF  }
0x98: {  	s19 =	sld [smem:$0x3FDB];
	_ =	sdelay $0x1  }
0x99: {  	s4 =	simm.s32 $_scs_section_size  }
0x9a: {  	s5 =	simm.s32 $_size__tile_overlayer_lowered;
	s6 =	simm.s32 $_tile_overlayer_lowered  }
0x9b: {  	s22 =	simm.s32 $0x1BFF;
	s21 =	sshll.u32 s6, $0x1;
	s3 =	sadd.s32 s4, s19  }
0x9c: {  	s7 =	simm.s32 $0x0;
	s20 =	sshll.u32 s5, $0x1;
	s5 =	sadd.s32 s21, s3  }
0x9d: {  	[timem:s7], [sflag:s22] =	dma.local [hbm:s5], s20  }
0x9e: {  	_ =	swait.ge [sflag:s22], s20  }
0x9f: {  	s4 =	ssub.s32 $0x0, s20;
	[sflag:s22] =	ssyncset.done $0x0  }
0xa0: {  	[sflag:s22] =	ssyncadd.s32 s4;
	_ =	sdelay $0x1  }
0xa1: {  	s23 =	simm.s32 $0x1B8B  }
0xa2: {  	_ =	swait.ge [sflag:s23], $0x1  }
0xa3: {  	[sflag:s23] =	ssyncset.done $0x0  }
0xa4: {  	s25 =	simm.s32 $0x1B8E;
	s24 =	sld [smem:$0x3FFE];
	[sflag:s23] =	ssyncadd.s32 $0xFFFFFFFF  }
0xa5: {  	s26 =	simm.s32 $execute0_lowered;
	[smem:$0x3FD2] =	sst s25  }
0xa6: {  	s5 =	sshll.u32 s26, $0x1;
	_ =	strace $0x80000046;
	[dreg:$0x1] =	wrdreg $0xFFFFFFFF  }
0xa7: {  	s28 =	simm.s32 $_size_execute0_lowered;
	s3 =	sadd.s32 s3, s5;
	[dreg:$0x0] =	wrdreg $0x0  }
0xa8: {  	s5 =	sshll.u32 s28, $0x1;
	[dreg:$0x2] =	wrdreg s3  }
0xa9: {  	[dreg:$0x3] =	wrdreg s5  }
0xaa: {  	[dreg:$0x4] =	wrdreg $0xC0  }
0xab: {  	_ =	task [dreg:s7], $0x5FFFF  }
0xac: {  	[dreg:$0x1] =	wrdreg $0xFFFFFFFF  }
0xad: {  	[dreg:$0x0] =	wrdreg $0x60  }
0xae: {  	[dreg:$0x2] =	wrdreg s2  }
0xaf: {  	[dreg:$0x3] =	wrdreg s24  }
0xb0: {  	[dreg:$0x4] =	wrdreg $0x52000  }
0xb1: {  	[dreg:$0x5] =	wrdreg $0x9  }
0xb2: {  	_ =	task.clear_ibuf [dreg:s7], $0x6FFFF;
	_ =	strace $0x90000046  }
0xb3: {  	s29 =	simm.s32 $0x9;
	_ =	strace $0x80000048  }
0xb4: {  	_ =	swait.ge [sflag:s29], $0x1  }
0xb5: {  	[sflag:s29] =	ssyncadd.s32 $0xFFFFFFFF  }
0xb6: {  	_ =	strace $0x90000048  }
0xb7: {  	_ =	sfence  }
0xb8: {  	s30 =	sld [smem:$0x0];
	_ =	sdelay $0x2  }
0xb9: {  	s31 =	sshll.u32 s1, $0xD;
	s1 =	sshrl.u32 s1, $0x2  }
0xba: {  	s3 =	sand.u32 $0x4000, s31;
	s1 =	sadd.s32 s1, s30  }
0xbb: {  	s0 =	sor.u32 s3, s0;
	s1 =	sshll.u32 s1, $0x11  }
0xbc: {  	s0 =	sor.u32 s1, s0  }
0xbd: {  	s0 =	sadd.s32 $0x8F2B, s0  }
0xbe: {  	[sflag:s0] =	ssyncadd.remote.s32 $0x1  }
0xbf: {  	_ =	sfence.sel $0xFFFF  }
0xc0: {  	[dreg:$0x0] =	wrdreg $0xFFFFFFFF;
	(pc) =	sbr.abs _section_cstart, $3  }
0xc1: {  	[dreg:$0x1] =	wrdreg $0xFFFFFFFF  }
0xc2: {  	_ =	task.clear_ibuf [dreg:s7], $0x2FFFF;
	_ =	strace $0x9FFFFFFF  }
0xc3: {  	(tm) =	ssettm $0x7FFFFFFF  }
tec
execute0_lowered:
.L_overlay_start_1:
0x0: {  	(tag) =	ssettag $0x1  }
0x1: {  	s5 =	rddreg [dreg:$0x0]  }
0x2: {  	s4 =	rddreg [dreg:$0x1]  }
0x3: {  	s2 =	rddreg [dreg:$0x2]  }
0x4: {  	s0 =	rddreg [dreg:$0x3]  }
0x5: {  	s6 =	srdreg.scid;
	s1 =	stileid.u32;
	s3 =	simm.s32 $0x0  }
0x6: {  	s11 =	simm.s32 $0x5000;
	s6 =	sand.u32 $0x1, s6;
	s7 =	smul.u32 $0x140, s1  }
0x7: {  	s12 =	simm.s32 $0x1;
	[smem:$0x7FF] =	sst s3;
	s8 =	smul.u32 $0x1400, s6  }
0x8: {  	s13 =	simm.s32 $0x0;
	_ =	strace $0x80000047;
	s9 =	sshll.u32 s6, $0x4  }
0x9: {  	s6 =	ssub.s32 $0x2, s6;
	s9 =	sor.u32 s1, s9;
	s8 =	sadd.s32 s7, s8  }
0xa: {  	s10 =	sshrl.u32 s6, $0x1;
	s9 =	smul.u32 $0xA00, s9;
	s8 =	sshrl.u32 s8, $0x3  }
0xb: {  	s10 =	ssub.s32 s6, s10;
	s8 =	sadd.s32 s8, s4;
	s4 =	sadd.s32 s7, s2  }
0xc: {  	s5 =	sadd.s32 s5, s9;
	s7 =	smax.u32 s10, $0x1;
	s9 =	simm.s32 $0x2  }
0xd: {  	v0 =	vimm.f32 $1.000000000e+00;
	v1 =	vimm.f32 $0.0e+00;
	s10 =	simm.s32 $0x80;
	s6 =	sadd.s32 $0x2A00, s8;
	s8 =	simm.s32 $0x5080  }
.LBB2_1:
0xe: {  	[tilespmem:$0x5000] =	vst v0  }
0xf: {  	[tilespmem:$0x5010] =	vst v0  }
0x10: {  	[tilespmem:$0x5020] =	vst v0  }
0x11: {  	[tilespmem:$0x5030] =	vst v0  }
0x12: {  	[tilespmem:$0x5040] =	vst v0  }
0x13: {  	[tilespmem:$0x5050] =	vst v0  }
0x14: {  	[tilespmem:$0x5060] =	vst v0  }
0x15: {  	[tilespmem:$0x5070] =	vst v0  }
0x16: {  	[tilespmem:$0x5080] =	vst v1  }
0x17: {  	[tilespmem:$0x5090] =	vst v1  }
0x18: {  	[tilespmem:$0x50A0] =	vst v1  }
0x19: {  	[tilespmem:$0x50B0] =	vst v1  }
0x1a: {  	[tilespmem:$0x50C0] =	vst v1  }
0x1b: {  	[tilespmem:$0x50D0] =	vst v1  }
0x1c: {  	[tilespmem:$0x50E0] =	vst v1  }
0x1d: {  	[tilespmem:$0x50F0] =	vst v1  }
0x1e: {  	[tilespmem:$0x5100] =	vst v1  }
0x1f: {  	[tilespmem:$0x5110] =	vst v1  }
0x20: {  	[tilespmem:$0x5120] =	vst v1  }
0x21: {  	[tilespmem:$0x5130] =	vst v1  }
0x22: {  	[tilespmem:$0x5140] =	vst v1  }
0x23: {  	[tilespmem:$0x5150] =	vst v1  }
0x24: {  	[tilespmem:$0x5160] =	vst v1  }
0x25: {  	[tilespmem:$0x5170] =	vst v1  }
0x26: {  	[tilespmem:$0x5180] =	vst v1  }
0x27: {  	[tilespmem:$0x5190] =	vst v1  }
0x28: {  	[tilespmem:$0x51A0] =	vst v1  }
0x29: {  	[tilespmem:$0x51B0] =	vst v1  }
0x2a: {  	[spmem:s4] =	stream.linear.scatter [tilespmem:s8], [sflag:$0x2], $0x140, $0x38;
	[tilespmem:$0x5340] =	vst v63  }
0x2b: {  	_ =	swait.ge [sflag:s9], $0x140  }
0x2c: {  	[sflag:s9] =	ssyncset.done $0x0  }
0x2d: {  	[sflag:s9] =	ssyncadd.s32 $0xFFFFFEC0  }
0x2e: {  	[tilespmem:s3], [sflag:$0x2] =	stream.linear.gather [hbm4b:s5+s3], $0x5000, $0x38;
	[tilespmem:$0x5340] =	vst v63  }
0x2f: {  	_ =	swait.ge [sflag:s9], $0x5000  }
0x30: {  	[sflag:s9] =	ssyncset.done $0x0  }
0x31: {  	[sflag:s9] =	ssyncadd.s32 $0xFFFFB000  }
0x32: {  	[bflag:$0x0] =	sbarrier.arrive $0xFFFF  }
0x33: {  	s14 =	simm.s32 $0x0;
	(ifvalue) =	ssetifvalue $0xFFFFFFFF  }
0x34: {  	[spmem:s2] =	stream.indirect.scatter.add.f32 [tilespmem:s11], [sflag:$0x1], $0x1, s14, s10, $0x40b8;
	[tilespmem:$0x5340] =	vst v63  }
0x35: {  	s16 =	simm.s32 $0x80;
	(ifvalue) =	ssetifvalue $0xFFFFFFFF  }
0x36: {  	[spmem:s2] =	stream.indirect.scatter.add.f32 [tilespmem:s11], [sflag:$0x1], $0x1, s16, s10, $0x40b8;
	[tilespmem:$0x5340] =	vst v63  }
0x37: {  	s17 =	simm.s32 $0x100;
	(ifvalue) =	ssetifvalue $0xFFFFFFFF  }
0x38: {  	[spmem:s2] =	stream.indirect.scatter.add.f32 [tilespmem:s11], [sflag:$0x1], $0x1, s17, s10, $0x40b8;
	[tilespmem:$0x5340] =	vst v63  }
0x39: {  	s18 =	simm.s32 $0x180;
	(ifvalue) =	ssetifvalue $0xFFFFFFFF  }
0x3a: {  	[spmem:s2] =	stream.indirect.scatter.add.f32 [tilespmem:s11], [sflag:$0x1], $0x1, s18, s10, $0x40b8;
	[tilespmem:$0x5340] =	vst v63  }
0x3b: {  	s19 =	simm.s32 $0x200;
	(ifvalue) =	ssetifvalue $0xFFFFFFFF  }
0x3c: {  	[spmem:s2] =	stream.indirect.scatter.add.f32 [tilespmem:s11], [sflag:$0x1], $0x1, s19, s10, $0x40b8;
	[tilespmem:$0x5340] =	vst v63  }
0x3d: {  	s20 =	simm.s32 $0x280;
	(ifvalue) =	ssetifvalue $0xFFFFFFFF  }
0x3e: {  	[spmem:s2] =	stream.indirect.scatter.add.f32 [tilespmem:s11], [sflag:$0x1], $0x1, s20, s10, $0x40b8;
	[tilespmem:$0x5340] =	vst v63  }
0x3f: {  	s21 =	simm.s32 $0x300;
	(ifvalue) =	ssetifvalue $0xFFFFFFFF  }
0x40: {  	[spmem:s2] =	stream.indirect.scatter.add.f32 [tilespmem:s11], [sflag:$0x1], $0x1, s21, s10, $0x40b8;
	[tilespmem:$0x5340] =	vst v63  }
0x41: {  	s22 =	simm.s32 $0x380;
	(ifvalue) =	ssetifvalue $0xFFFFFFFF  }
0x42: {  	[spmem:s2] =	stream.indirect.scatter.add.f32 [tilespmem:s11], [sflag:$0x1], $0x1, s22, s10, $0x40b8;
	[tilespmem:$0x5340] =	vst v63  }
0x43: {  	s23 =	simm.s32 $0x400;
	(ifvalue) =	ssetifvalue $0xFFFFFFFF  }
0x44: {  	[spmem:s2] =	stream.indirect.scatter.add.f32 [tilespmem:s11], [sflag:$0x1], $0x1, s23, s10, $0x40b8;
	[tilespmem:$0x5340] =	vst v63  }
0x45: {  	s24 =	simm.s32 $0x480;
	(ifvalue) =	ssetifvalue $0xFFFFFFFF  }
0x46: {  	[spmem:s2] =	stream.indirect.scatter.add.f32 [tilespmem:s11], [sflag:$0x1], $0x1, s24, s10, $0x40b8;
	[tilespmem:$0x5340] =	vst v63  }
0x47: {  	s25 =	simm.s32 $0x500;
	(ifvalue) =	ssetifvalue $0xFFFFFFFF  }
0x48: {  	[spmem:s2] =	stream.indirect.scatter.add.f32 [tilespmem:s11], [sflag:$0x1], $0x1, s25, s10, $0x40b8;
	[tilespmem:$0x5340] =	vst v63  }
0x49: {  	s26 =	simm.s32 $0x580;
	(ifvalue) =	ssetifvalue $0xFFFFFFFF  }
0x4a: {  	[spmem:s2] =	stream.indirect.scatter.add.f32 [tilespmem:s11], [sflag:$0x1], $0x1, s26, s10, $0x40b8;
	[tilespmem:$0x5340] =	vst v63  }
0x4b: {  	s28 =	simm.s32 $0x600;
	(ifvalue) =	ssetifvalue $0xFFFFFFFF  }
0x4c: {  	[spmem:s2] =	stream.indirect.scatter.add.f32 [tilespmem:s11], [sflag:$0x1], $0x1, s28, s10, $0x40b8;
	[tilespmem:$0x5340] =	vst v63  }
0x4d: {  	s29 =	simm.s32 $0x680;
	(ifvalue) =	ssetifvalue $0xFFFFFFFF  }
0x4e: {  	[spmem:s2] =	stream.indirect.scatter.add.f32 [tilespmem:s11], [sflag:$0x1], $0x1, s29, s10, $0x40b8;
	[tilespmem:$0x5340] =	vst v63  }
0x4f: {  	s30 =	simm.s32 $0x700;
	(ifvalue) =	ssetifvalue $0xFFFFFFFF  }
0x50: {  	[spmem:s2] =	stream.indirect.scatter.add.f32 [tilespmem:s11], [sflag:$0x1], $0x1, s30, s10, $0x40b8;
	[tilespmem:$0x5340] =	vst v63  }
0x51: {  	s31 =	simm.s32 $0x780;
	(ifvalue) =	ssetifvalue $0xFFFFFFFF  }
0x52: {  	[spmem:s2] =	stream.indirect.scatter.add.f32 [tilespmem:s11], [sflag:$0x1], $0x1, s31, s10, $0x40b8;
	[tilespmem:$0x5340] =	vst v63  }
0x53: {  	_ =	swait.ge [sflag:s12], $0x80  }
0x54: {  	[sflag:s12] =	ssyncset.done $0x0  }
0x55: {  	[sflag:s12] =	ssyncadd.s32 $0xFFFFFF80  }
0x56: {  	_ =	swait.ge [sflag:s12], $0x80  }
0x57: {  	[sflag:s12] =	ssyncset.done $0x0  }
0x58: {  	[sflag:s12] =	ssyncadd.s32 $0xFFFFFF80  }
0x59: {  	_ =	swait.ge [sflag:s12], $0x80  }
0x5a: {  	[sflag:s12] =	ssyncset.done $0x0  }
0x5b: {  	[sflag:s12] =	ssyncadd.s32 $0xFFFFFF80  }
0x5c: {  	_ =	swait.ge [sflag:s12], $0x80  }
0x5d: {  	[sflag:s12] =	ssyncset.done $0x0  }
0x5e: {  	[sflag:s12] =	ssyncadd.s32 $0xFFFFFF80  }
0x5f: {  	_ =	swait.ge [sflag:s12], $0x80  }
0x60: {  	[sflag:s12] =	ssyncset.done $0x0  }
0x61: {  	[sflag:s12] =	ssyncadd.s32 $0xFFFFFF80  }
0x62: {  	_ =	swait.ge [sflag:s12], $0x80  }
0x63: {  	[sflag:s12] =	ssyncset.done $0x0  }
0x64: {  	[sflag:s12] =	ssyncadd.s32 $0xFFFFFF80  }
0x65: {  	_ =	swait.ge [sflag:s12], $0x80  }
0x66: {  	[sflag:s12] =	ssyncset.done $0x0  }
0x67: {  	[sflag:s12] =	ssyncadd.s32 $0xFFFFFF80  }
0x68: {  	_ =	swait.ge [sflag:s12], $0x80  }
0x69: {  	[sflag:s12] =	ssyncset.done $0x0  }
0x6a: {  	[sflag:s12] =	ssyncadd.s32 $0xFFFFFF80  }
0x6b: {  	_ =	swait.ge [sflag:s12], $0x80  }
0x6c: {  	[sflag:s12] =	ssyncset.done $0x0  }
0x6d: {  	[sflag:s12] =	ssyncadd.s32 $0xFFFFFF80  }
0x6e: {  	_ =	swait.ge [sflag:s12], $0x80  }
0x6f: {  	[sflag:s12] =	ssyncset.done $0x0  }
0x70: {  	[sflag:s12] =	ssyncadd.s32 $0xFFFFFF80  }
0x71: {  	_ =	swait.ge [sflag:s12], $0x80  }
0x72: {  	[sflag:s12] =	ssyncset.done $0x0  }
0x73: {  	[sflag:s12] =	ssyncadd.s32 $0xFFFFFF80  }
0x74: {  	_ =	swait.ge [sflag:s12], $0x80  }
0x75: {  	[sflag:s12] =	ssyncset.done $0x0  }
0x76: {  	[sflag:s12] =	ssyncadd.s32 $0xFFFFFF80  }
0x77: {  	_ =	swait.ge [sflag:s12], $0x80  }
0x78: {  	[sflag:s12] =	ssyncset.done $0x0  }
0x79: {  	[sflag:s12] =	ssyncadd.s32 $0xFFFFFF80  }
0x7a: {  	_ =	swait.ge [sflag:s12], $0x80  }
0x7b: {  	[sflag:s12] =	ssyncset.done $0x0  }
0x7c: {  	[sflag:s12] =	ssyncadd.s32 $0xFFFFFF80  }
0x7d: {  	_ =	swait.ge [sflag:s12], $0x80  }
0x7e: {  	[sflag:s12] =	ssyncset.done $0x0  }
0x7f: {  	[sflag:s12] =	ssyncadd.s32 $0xFFFFFF80  }
0x80: {  	_ =	swait.ge [sflag:s12], $0x80  }
0x81: {  	s14 =	simm.s32 $0x800;
	s17 =	simm.s32 $0x4000;
	[sflag:s12] =	ssyncset.done $0x0  }
.LBB2_2:
0x82: {  	s16 =	sshra.s32 s17, $0x2  }
0x83: {  	(ifvalue) =	ssetifvalue $0xFFFFFFFF;
	[sflag:s12] =	ssyncadd.s32 $0xFFFFFF80;
	s15 =	smov.u32 s17  }
0x84: {  	[spmem:s2] =	stream.indirect.scatter.add.f32 [tilespmem:s11], [sflag:$0x1], $0x1, s14, s10, $0x40b8;
	[tilespmem:$0x5340] =	vst v63  }
0x85: {  	s18 =	sadd.s32 $0x80, s14;
	s15 =	sadd.s32 $0x2000, s17;
	(ifvalue) =	ssetifvalue $0xFFFFFFFF  }
0x86: {  	[spmem:s2] =	stream.indirect.scatter.add.f32 [tilespmem:s11], [sflag:$0x1], $0x1, s18, s10, $0x40b8;
	[tilespmem:$0x5340] =	vst v63  }
0x87: {  	p0 =	sne.s32 s17, $0x12000;
	s17 =	sadd.s32 $0x100, s14;
	(ifvalue) =	ssetifvalue $0xFFFFFFFF  }
0x88: {  	[spmem:s2] =	stream.indirect.scatter.add.f32 [tilespmem:s11], [sflag:$0x1], $0x1, s17, s10, $0x40b8;
	[tilespmem:$0x5340] =	vst v63  }
0x89: {  	s17 =	sadd.s32 $0x180, s14;
	(ifvalue) =	ssetifvalue $0xFFFFFFFF  }
0x8a: {  	[spmem:s2] =	stream.indirect.scatter.add.f32 [tilespmem:s11], [sflag:$0x1], $0x1, s17, s10, $0x40b8;
	[tilespmem:$0x5340] =	vst v63  }
0x8b: {  	s17 =	sadd.s32 $0x200, s14;
	(ifvalue) =	ssetifvalue $0xFFFFFFFF  }
0x8c: {  	[spmem:s2] =	stream.indirect.scatter.add.f32 [tilespmem:s11], [sflag:$0x1], $0x1, s17, s10, $0x40b8;
	[tilespmem:$0x5340] =	vst v63  }
0x8d: {  	s17 =	sadd.s32 $0x280, s14;
	(ifvalue) =	ssetifvalue $0xFFFFFFFF  }
0x8e: {  	[spmem:s2] =	stream.indirect.scatter.add.f32 [tilespmem:s11], [sflag:$0x1], $0x1, s17, s10, $0x40b8;
	[tilespmem:$0x5340] =	vst v63  }
0x8f: {  	s17 =	sadd.s32 $0x300, s14;
	(ifvalue) =	ssetifvalue $0xFFFFFFFF  }
0x90: {  	[spmem:s2] =	stream.indirect.scatter.add.f32 [tilespmem:s11], [sflag:$0x1], $0x1, s17, s10, $0x40b8;
	[tilespmem:$0x5340] =	vst v63  }
0x91: {  	s17 =	sadd.s32 $0x380, s14;
	(ifvalue) =	ssetifvalue $0xFFFFFFFF  }
0x92: {  	[spmem:s2] =	stream.indirect.scatter.add.f32 [tilespmem:s11], [sflag:$0x1], $0x1, s17, s10, $0x40b8;
	[tilespmem:$0x5340] =	vst v63  }
0x93: {  	s17 =	sadd.s32 $0x400, s14;
	(ifvalue) =	ssetifvalue $0xFFFFFFFF  }
0x94: {  	[spmem:s2] =	stream.indirect.scatter.add.f32 [tilespmem:s11], [sflag:$0x1], $0x1, s17, s10, $0x40b8;
	[tilespmem:$0x5340] =	vst v63  }
0x95: {  	s17 =	sadd.s32 $0x480, s14;
	(ifvalue) =	ssetifvalue $0xFFFFFFFF  }
0x96: {  	[spmem:s2] =	stream.indirect.scatter.add.f32 [tilespmem:s11], [sflag:$0x1], $0x1, s17, s10, $0x40b8;
	[tilespmem:$0x5340] =	vst v63  }
0x97: {  	s17 =	sadd.s32 $0x500, s14;
	(ifvalue) =	ssetifvalue $0xFFFFFFFF  }
0x98: {  	[spmem:s2] =	stream.indirect.scatter.add.f32 [tilespmem:s11], [sflag:$0x1], $0x1, s17, s10, $0x40b8;
	[tilespmem:$0x5340] =	vst v63  }
0x99: {  	s17 =	sadd.s32 $0x580, s14;
	(ifvalue) =	ssetifvalue $0xFFFFFFFF  }
0x9a: {  	[spmem:s2] =	stream.indirect.scatter.add.f32 [tilespmem:s11], [sflag:$0x1], $0x1, s17, s10, $0x40b8;
	[tilespmem:$0x5340] =	vst v63  }
0x9b: {  	s17 =	sadd.s32 $0x600, s14;
	(ifvalue) =	ssetifvalue $0xFFFFFFFF  }
0x9c: {  	[spmem:s2] =	stream.indirect.scatter.add.f32 [tilespmem:s11], [sflag:$0x1], $0x1, s17, s10, $0x40b8;
	[tilespmem:$0x5340] =	vst v63  }
0x9d: {  	s17 =	sadd.s32 $0x680, s14;
	(ifvalue) =	ssetifvalue $0xFFFFFFFF  }
0x9e: {  	[spmem:s2] =	stream.indirect.scatter.add.f32 [tilespmem:s11], [sflag:$0x1], $0x1, s17, s10, $0x40b8;
	[tilespmem:$0x5340] =	vst v63  }
0x9f: {  	s17 =	sadd.s32 $0x700, s14;
	(ifvalue) =	ssetifvalue $0xFFFFFFFF  }
0xa0: {  	[spmem:s2] =	stream.indirect.scatter.add.f32 [tilespmem:s11], [sflag:$0x1], $0x1, s17, s10, $0x40b8;
	[tilespmem:$0x5340] =	vst v63  }
0xa1: {  	s17 =	sadd.s32 $0x780, s14;
	s14 =	smov.u32 s16;
	(ifvalue) =	ssetifvalue $0xFFFFFFFF  }
0xa2: {  	[spmem:s2] =	stream.indirect.scatter.add.f32 [tilespmem:s11], [sflag:$0x1], $0x1, s17, s10, $0x40b8;
	[tilespmem:$0x5340] =	vst v63  }
0xa3: {  	_ =	swait.ge [sflag:s12], $0x80  }
0xa4: {  	[sflag:s12] =	ssyncset.done $0x0  }
0xa5: {  	[sflag:s12] =	ssyncadd.s32 $0xFFFFFF80  }
0xa6: {  	_ =	swait.ge [sflag:s12], $0x80  }
0xa7: {  	[sflag:s12] =	ssyncset.done $0x0  }
0xa8: {  	[sflag:s12] =	ssyncadd.s32 $0xFFFFFF80  }
0xa9: {  	_ =	swait.ge [sflag:s12], $0x80  }
0xaa: {  	[sflag:s12] =	ssyncset.done $0x0  }
0xab: {  	[sflag:s12] =	ssyncadd.s32 $0xFFFFFF80  }
0xac: {  	_ =	swait.ge [sflag:s12], $0x80  }
0xad: {  	[sflag:s12] =	ssyncset.done $0x0  }
0xae: {  	[sflag:s12] =	ssyncadd.s32 $0xFFFFFF80  }
0xaf: {  	_ =	swait.ge [sflag:s12], $0x80  }
0xb0: {  	[sflag:s12] =	ssyncset.done $0x0  }
0xb1: {  	[sflag:s12] =	ssyncadd.s32 $0xFFFFFF80  }
0xb2: {  	_ =	swait.ge [sflag:s12], $0x80  }
0xb3: {  	[sflag:s12] =	ssyncset.done $0x0  }
0xb4: {  	[sflag:s12] =	ssyncadd.s32 $0xFFFFFF80  }
0xb5: {  	_ =	swait.ge [sflag:s12], $0x80  }
0xb6: {  	[sflag:s12] =	ssyncset.done $0x0  }
0xb7: {  	[sflag:s12] =	ssyncadd.s32 $0xFFFFFF80  }
0xb8: {  	_ =	swait.ge [sflag:s12], $0x80  }
0xb9: {  	[sflag:s12] =	ssyncset.done $0x0  }
0xba: {  	[sflag:s12] =	ssyncadd.s32 $0xFFFFFF80  }
0xbb: {  	_ =	swait.ge [sflag:s12], $0x80  }
0xbc: {  	[sflag:s12] =	ssyncset.done $0x0  }
0xbd: {  	[sflag:s12] =	ssyncadd.s32 $0xFFFFFF80  }
0xbe: {  	_ =	swait.ge [sflag:s12], $0x80  }
0xbf: {  	[sflag:s12] =	ssyncset.done $0x0  }
0xc0: {  	[sflag:s12] =	ssyncadd.s32 $0xFFFFFF80  }
0xc1: {  	_ =	swait.ge [sflag:s12], $0x80  }
0xc2: {  	[sflag:s12] =	ssyncset.done $0x0  }
0xc3: {  	[sflag:s12] =	ssyncadd.s32 $0xFFFFFF80  }
0xc4: {  	_ =	swait.ge [sflag:s12], $0x80  }
0xc5: {  	[sflag:s12] =	ssyncset.done $0x0  }
0xc6: {  	[sflag:s12] =	ssyncadd.s32 $0xFFFFFF80  }
0xc7: {  	_ =	swait.ge [sflag:s12], $0x80  }
0xc8: {  	[sflag:s12] =	ssyncset.done $0x0  }
0xc9: {  	[sflag:s12] =	ssyncadd.s32 $0xFFFFFF80  }
0xca: {  	_ =	swait.ge [sflag:s12], $0x80  }
0xcb: {  	[sflag:s12] =	ssyncset.done $0x0  }
0xcc: {  	[sflag:s12] =	ssyncadd.s32 $0xFFFFFF80  }
.Ltmp0:
0xcd: {  	_ =	swait.ge [sflag:s12], $0x80;
	(pc) =	sbr.rel @p0 .LBB2_2-.Ltmp0, $4  }
0xce: {  	[sflag:s12] =	ssyncset.done $0x0  }
0xcf: {  	[sflag:s12] =	ssyncadd.s32 $0xFFFFFF80  }
0xd0: {  	_ =	swait.ge [sflag:s12], $0x80  }
0xd1: {  	s17 =	smov.u32 s15;
	[sflag:s12] =	ssyncset.done $0x0  }
0xd2: {  	(ifvalue) =	ssetifvalue $0xFFFFFFFF;
	[sflag:s12] =	ssyncadd.s32 $0xFFFFFF80  }
0xd3: {  	[spmem:s2] =	stream.indirect.scatter.add.f32 [tilespmem:s11], [sflag:$0x1], $0x1, s14, s10, $0x40b8;
	[tilespmem:$0x5340] =	vst v63  }
0xd4: {  	s15 =	sadd.s32 $0x80, s14;
	(ifvalue) =	ssetifvalue $0xFFFFFFFF  }
0xd5: {  	[spmem:s2] =	stream.indirect.scatter.add.f32 [tilespmem:s11], [sflag:$0x1], $0x1, s15, s10, $0x40b8;
	[tilespmem:$0x5340] =	vst v63  }
0xd6: {  	s17 =	sadd.s32 $0x100, s14;
	(ifvalue) =	ssetifvalue $0xFFFFFFFF  }
0xd7: {  	[spmem:s2] =	stream.indirect.scatter.add.f32 [tilespmem:s11], [sflag:$0x1], $0x1, s17, s10, $0x40b8;
	[tilespmem:$0x5340] =	vst v63  }
0xd8: {  	s18 =	sadd.s32 $0x180, s14;
	(ifvalue) =	ssetifvalue $0xFFFFFFFF  }
0xd9: {  	[spmem:s2] =	stream.indirect.scatter.add.f32 [tilespmem:s11], [sflag:$0x1], $0x1, s18, s10, $0x40b8;
	[tilespmem:$0x5340] =	vst v63  }
0xda: {  	s19 =	sadd.s32 $0x200, s14;
	(ifvalue) =	ssetifvalue $0xFFFFFFFF  }
0xdb: {  	[spmem:s2] =	stream.indirect.scatter.add.f32 [tilespmem:s11], [sflag:$0x1], $0x1, s19, s10, $0x40b8;
	[tilespmem:$0x5340] =	vst v63  }
0xdc: {  	s20 =	sadd.s32 $0x280, s14;
	(ifvalue) =	ssetifvalue $0xFFFFFFFF  }
0xdd: {  	[spmem:s2] =	stream.indirect.scatter.add.f32 [tilespmem:s11], [sflag:$0x1], $0x1, s20, s10, $0x40b8;
	[tilespmem:$0x5340] =	vst v63  }
0xde: {  	s21 =	sadd.s32 $0x300, s14;
	(ifvalue) =	ssetifvalue $0xFFFFFFFF  }
0xdf: {  	[spmem:s2] =	stream.indirect.scatter.add.f32 [tilespmem:s11], [sflag:$0x1], $0x1, s21, s10, $0x40b8;
	[tilespmem:$0x5340] =	vst v63  }
0xe0: {  	s22 =	sadd.s32 $0x380, s14;
	(ifvalue) =	ssetifvalue $0xFFFFFFFF  }
0xe1: {  	[spmem:s2] =	stream.indirect.scatter.add.f32 [tilespmem:s11], [sflag:$0x1], $0x1, s22, s10, $0x40b8;
	[tilespmem:$0x5340] =	vst v63  }
0xe2: {  	s23 =	sadd.s32 $0x400, s14;
	(ifvalue) =	ssetifvalue $0xFFFFFFFF  }
0xe3: {  	[spmem:s2] =	stream.indirect.scatter.add.f32 [tilespmem:s11], [sflag:$0x1], $0x1, s23, s10, $0x40b8;
	[tilespmem:$0x5340] =	vst v63  }
0xe4: {  	s24 =	sadd.s32 $0x480, s14;
	(ifvalue) =	ssetifvalue $0xFFFFFFFF  }
0xe5: {  	[spmem:s2] =	stream.indirect.scatter.add.f32 [tilespmem:s11], [sflag:$0x1], $0x1, s24, s10, $0x40b8;
	[tilespmem:$0x5340] =	vst v63  }
0xe6: {  	s25 =	sadd.s32 $0x500, s14;
	(ifvalue) =	ssetifvalue $0xFFFFFFFF  }
0xe7: {  	[spmem:s2] =	stream.indirect.scatter.add.f32 [tilespmem:s11], [sflag:$0x1], $0x1, s25, s10, $0x40b8;
	[tilespmem:$0x5340] =	vst v63  }
0xe8: {  	s26 =	sadd.s32 $0x580, s14;
	(ifvalue) =	ssetifvalue $0xFFFFFFFF  }
0xe9: {  	[spmem:s2] =	stream.indirect.scatter.add.f32 [tilespmem:s11], [sflag:$0x1], $0x1, s26, s10, $0x40b8;
	[tilespmem:$0x5340] =	vst v63  }
0xea: {  	s28 =	sadd.s32 $0x600, s14;
	(ifvalue) =	ssetifvalue $0xFFFFFFFF  }
0xeb: {  	[spmem:s2] =	stream.indirect.scatter.add.f32 [tilespmem:s11], [sflag:$0x1], $0x1, s28, s10, $0x40b8;
	[tilespmem:$0x5340] =	vst v63  }
0xec: {  	s29 =	sadd.s32 $0x680, s14;
	(ifvalue) =	ssetifvalue $0xFFFFFFFF  }
0xed: {  	[spmem:s2] =	stream.indirect.scatter.add.f32 [tilespmem:s11], [sflag:$0x1], $0x1, s29, s10, $0x40b8;
	[tilespmem:$0x5340] =	vst v63  }
0xee: {  	s30 =	sadd.s32 $0x700, s14;
	(ifvalue) =	ssetifvalue $0xFFFFFFFF  }
0xef: {  	[spmem:s2] =	stream.indirect.scatter.add.f32 [tilespmem:s11], [sflag:$0x1], $0x1, s30, s10, $0x40b8;
	[tilespmem:$0x5340] =	vst v63  }
0xf0: {  	s31 =	sadd.s32 $0x780, s14;
	(ifvalue) =	ssetifvalue $0xFFFFFFFF  }
0xf1: {  	[spmem:s2] =	stream.indirect.scatter.add.f32 [tilespmem:s11], [sflag:$0x1], $0x1, s31, s10, $0x40b8;
	[tilespmem:$0x5340] =	vst v63  }
0xf2: {  	_ =	swait.ge [sflag:s12], $0x80  }
0xf3: {  	[sflag:s12] =	ssyncset.done $0x0  }
0xf4: {  	[sflag:s12] =	ssyncadd.s32 $0xFFFFFF80  }
0xf5: {  	_ =	swait.ge [sflag:s12], $0x80  }
0xf6: {  	[sflag:s12] =	ssyncset.done $0x0  }
0xf7: {  	[sflag:s12] =	ssyncadd.s32 $0xFFFFFF80  }
0xf8: {  	_ =	swait.ge [sflag:s12], $0x80  }
0xf9: {  	[sflag:s12] =	ssyncset.done $0x0  }
0xfa: {  	[sflag:s12] =	ssyncadd.s32 $0xFFFFFF80  }
0xfb: {  	_ =	swait.ge [sflag:s12], $0x80  }
0xfc: {  	[sflag:s12] =	ssyncset.done $0x0  }
0xfd: {  	[sflag:s12] =	ssyncadd.s32 $0xFFFFFF80  }
0xfe: {  	_ =	swait.ge [sflag:s12], $0x80  }
0xff: {  	[sflag:s12] =	ssyncset.done $0x0  }
0x100: {  	[sflag:s12] =	ssyncadd.s32 $0xFFFFFF80  }
0x101: {  	_ =	swait.ge [sflag:s12], $0x80  }
0x102: {  	[sflag:s12] =	ssyncset.done $0x0  }
0x103: {  	[sflag:s12] =	ssyncadd.s32 $0xFFFFFF80  }
0x104: {  	_ =	swait.ge [sflag:s12], $0x80  }
0x105: {  	[sflag:s12] =	ssyncset.done $0x0  }
0x106: {  	[sflag:s12] =	ssyncadd.s32 $0xFFFFFF80  }
0x107: {  	_ =	swait.ge [sflag:s12], $0x80  }
0x108: {  	[sflag:s12] =	ssyncset.done $0x0  }
0x109: {  	[sflag:s12] =	ssyncadd.s32 $0xFFFFFF80  }
0x10a: {  	_ =	swait.ge [sflag:s12], $0x80  }
0x10b: {  	[sflag:s12] =	ssyncset.done $0x0  }
0x10c: {  	[sflag:s12] =	ssyncadd.s32 $0xFFFFFF80  }
0x10d: {  	_ =	swait.ge [sflag:s12], $0x80  }
0x10e: {  	[sflag:s12] =	ssyncset.done $0x0  }
0x10f: {  	[sflag:s12] =	ssyncadd.s32 $0xFFFFFF80  }
0x110: {  	_ =	swait.ge [sflag:s12], $0x80  }
0x111: {  	[sflag:s12] =	ssyncset.done $0x0  }
0x112: {  	[sflag:s12] =	ssyncadd.s32 $0xFFFFFF80  }
0x113: {  	_ =	swait.ge [sflag:s12], $0x80  }
0x114: {  	[sflag:s12] =	ssyncset.done $0x0  }
0x115: {  	[sflag:s12] =	ssyncadd.s32 $0xFFFFFF80  }
0x116: {  	_ =	swait.ge [sflag:s12], $0x80  }
0x117: {  	[sflag:s12] =	ssyncset.done $0x0  }
0x118: {  	[sflag:s12] =	ssyncadd.s32 $0xFFFFFF80  }
0x119: {  	_ =	swait.ge [sflag:s12], $0x80  }
0x11a: {  	[sflag:s12] =	ssyncset.done $0x0  }
0x11b: {  	[sflag:s12] =	ssyncadd.s32 $0xFFFFFF80  }
0x11c: {  	_ =	swait.ge [sflag:s12], $0x80  }
0x11d: {  	[sflag:s12] =	ssyncset.done $0x0  }
0x11e: {  	[sflag:s12] =	ssyncadd.s32 $0xFFFFFF80  }
0x11f: {  	_ =	swait.ge [sflag:s12], $0x80  }
0x120: {  	[sflag:s12] =	ssyncset.done $0x0  }
0x121: {  	[sflag:s12] =	ssyncadd.s32 $0xFFFFFF80  }
0x122: {  	[bflag:$0x0] =	sbarrier.arrive $0xFFFF  }
0x123: {  	[tilespmem:s8], [sflag:$0x2] =	stream.linear.gather [spmem:s4], $0x140, $0x38;
	[tilespmem:$0x5340] =	vst v63  }
0x124: {  	s13 =	sadd.s32 $0x1, s13;
	_ =	swait.ge [sflag:s9], $0x140  }
0x125: {  	p0 =	sne.s32 s13, s7;
	[sflag:s9] =	ssyncset.done $0x0  }
.Ltmp1:
0x126: {  	[sflag:s9] =	ssyncadd.s32 $0xFFFFFEC0;
	(pc) =	sbr.rel @p0 .LBB2_1-.Ltmp1, $4  }
0x127: {  	[hbm4b:s6+s3] =	stream.linear.scatter [tilespmem:s8], [sflag:$0x2], $0x140, $0x38;
	[tilespmem:$0x5340] =	vst v63  }
0x128: {  	_ =	swait.ge [sflag:s9], $0x140  }
0x129: {  	[sflag:s9] =	ssyncset.done $0x0  }
0x12a: {  	[sflag:s9] =	ssyncadd.s32 $0xFFFFFEC0  }
0x12b: {  	_ =	sfence.sel $0x180000  }
0x12c: {  	[bflag:$0x0] =	sbarrier.arrive $0xFFFF  }
0x12d: {  	p0 =	sne.s32 s1, $0x0;
	_ =	strace $0x90000047  }
0x12e: {  	s0 =	sadd.s32 @!p0 $0x100000, s0;
	[bflag:$0x2] =	sbarrier.arrive $0xFFFF  }
0x12f: {  	[sflag:s0] =	ssyncadd.tile.s32 @!p0 $0x1;
	_ =	shalt  }
.Lfunc_end2:
_tile_overlayer_lowered:
.L_overlay_start_2:
0x130: {  	(tag) =	ssettag $0x2  }
0x131: {  	s0 =	rddreg [dreg:$0x0];
	s2 =	stileid.u32  }
0x132: {  	s1 =	rddreg [dreg:$0x1];
	p0 =	sne.s32 s2, $0x0  }
0x133: {  	s3 =	rddreg [dreg:$0x2];
	[bflag:$0x3] =	sbarrier.arrive $0xFFFF;
	s2 =	simm.s32 @!p0 $0x1C02  }
0x134: {  	[timem:s3], [sflag:s2] =	dma.local @!p0 [hbm:s0], s1  }
0x135: {  	s0 =	simm.s32 @!p0 $0x2  }
0x136: {  	_ =	swait.ge @!p0 [sflag:s0], s1  }
0x137: {  	s1 =	ssub.s32 @!p0 $0x0, s1;
	[sflag:s0] =	ssyncset.done @!p0 $0x0  }
0x138: {  	[sflag:s0] =	ssyncadd.s32 @!p0 s1  }
0x139: {  	[bflag:$0x3] =	sbarrier.arrive $0xFFFF  }
0x13a: {  	_ =	shalt  }

</sc_bundles>
